<compile_context>
chip_gen: v7x
topology: tpu7x:2x2x1
jax: 0.10.2.dev20260603
libtpu: 0.0.44.dev20260713+nightly
codegen_flags: <defaults>
</compile_context>

<pallas_src>
import functools

import jax
import jax.numpy as jnp
from jax import lax
from jax.experimental import pallas as pl
from jax.experimental.pallas import tpu as pltpu
from jax.experimental.pallas import tpu_sc as plsc

_BATCH = 4096
_HIST = 200
_DIM = 32
_VOCAB = 1000000
_NC = 2
_NS = 16
_NW = _NC * _NS
_BPW = _BATCH // _NW
_HT = _HIST // 8
_PAIRS = _HIST // 2


def _build():
    mesh = plsc.VectorSubcoreMesh(core_axis_name="c", subcore_axis_name="s")

    @functools.partial(
        pl.kernel,
        out_type=jax.ShapeDtypeStruct((_HIST, _DIM // 8, _NW, 8, _BPW),
                                      jnp.float32),
        mesh=mesh,
        compiler_params=pltpu.CompilerParams(use_tc_tiling_on_sc=False,
                                             needs_layout_passes=False),
        scratch_types=[
            pltpu.VMEM((_HT, 8, _BPW), jnp.int32),
            pltpu.VMEM((_BPW, _DIM), jnp.float32),
            pltpu.VMEM((_BPW, _DIM), jnp.float32),
            pltpu.VMEM((_DIM // 8, 8, _BPW), jnp.float32),
            pltpu.VMEM((_DIM // 8, 8, _BPW), jnp.float32),
            pltpu.SemaphoreType.DMA,
            pltpu.SemaphoreType.DMA,
            pltpu.SemaphoreType.DMA,
            pltpu.SemaphoreType.DMA,
        ],
    )
    def gather_kernel(xs_hbm, table_hbm, out_hbm, idx_v, buf0, buf1,
                      tbuf0, tbuf1, sem_g0, sem_g1, sem_w0, sem_w1):
        wid = lax.axis_index("s") * _NC + lax.axis_index("c")
        bufs = (buf0, buf1)
        tbufs = (tbuf0, tbuf1)
        sems_g = (sem_g0, sem_g1)
        sems_w = (sem_w0, sem_w1)

        for ht in range(_HT):
            pltpu.sync_copy(xs_hbm.at[ht, wid], idx_v.at[ht])

        base_iota = lax.iota(jnp.int32, 16)
        c_idx = [base_iota + cc * 16 for cc in range(8)]

        def fire_gather(h, s):
            return pltpu.async_copy(
                table_hbm.at[idx_v.at[h // 8, h % 8]], bufs[s], sems_g[s])

        def transpose(s):
            src, dst = bufs[s], tbufs[s]
            for d0 in (0, 16):

                @plsc.parallel_loop(0, 16, unroll=4)
                def _(j):
                    d = ((base_iota + j) & 15) + d0
                    tr_vec = d >> 3
                    rr_vec = d & 7
                    vs = [plsc.load_gather(src, [c_idx[cc], d])
                          for cc in range(8)]
                    for cc in range(8):
                        plsc.store_scatter(
                            dst, [tr_vec, rr_vec, c_idx[cc]], vs[cc])

        def fire_wb(h, s):
            return pltpu.async_copy(tbufs[s], out_hbm.at[h, :, wid],
                                    sems_w[s])

        def wait_wb(s):
            pltpu.make_async_copy(out_hbm.at[0, :, 0], tbufs[s],
                                  sems_w[s]).wait()

        def pair_body(p, carry):
            h0 = 2 * p
            h1 = h0 + 1

            @pl.when(p > 0)
            def _():
                wait_wb(0)
                wait_wb(1)

            g0 = fire_gather(h0, 0)
            g1 = fire_gather(h1, 1)
            g0.wait()
            transpose(0)
            fire_wb(h0, 0)
            g1.wait()
            transpose(1)
            fire_wb(h1, 1)
            return carry

        lax.fori_loop(0, _PAIRS, pair_body, 0)
        wait_wb(0)
        wait_wb(1)

    return gather_kernel


_gather = _build()


def kernel(x, table):
    xs = (x.astype(jnp.int32).T
          .reshape(_HT, 8, _NW, _BPW)
          .transpose(0, 2, 1, 3))
    t128 = lax.optimization_barrier(table.reshape(_VOCAB // 4, 128))
    tab_lin = t128.reshape(_VOCAB, _DIM)
    out6 = _gather(xs, tab_lin)
    return out6.transpose(2, 4, 0, 1, 3).reshape(_BATCH, _HIST, _DIM)

# --- scband reference (transcript-rebuilt; emitter-appended) ---
"""Pipeline reference for scband-word-embedding-77884936945994 (READ-ONLY COPY).

The authoritative reference and input builder live on the scoring server;
editing this copy changes nothing except your own understanding.
"""

import jax, jax.numpy as jnp
import numpy as np

VOCAB = 1000000
DIM = 32
BATCH = 4096
HIST = 200

def setup_inputs(seed: int = 0) -> dict:
    key = jax.random.key(seed)
    k_idx, k_tab = jax.random.split(key)
    x = jax.random.randint(k_idx, (BATCH, HIST), 0, VOCAB, dtype=jnp.int64 if jax.config.read('jax_enable_x64') else jnp.int32)
    table = jax.random.normal(k_tab, (VOCAB, DIM), dtype=jnp.float32)
    return {"x": x, "table": table}

def reference(x, table):
    # nn.Embedding lookup: gather rows of the table by index
    return jnp.take(table, x, axis=0)

if __name__ == "__main__":
    import jax
    _d = setup_inputs()
    print(jax.jit(kernel)(*tuple(_d.values())))

</pallas_src>

<mosaic_0001>
#map = affine_map<(d0, d1) -> (0, 0, 0, 0)>
#map1 = affine_map<(d0, d1) -> (0, 0)>
#map2 = affine_map<(d0, d1) -> (0, 0, 0, 0, 0)>
module attributes {stable_mosaic.version = 14 : i64} {
  func.func @gather_kernel(%arg0: i32, %arg1: i32, %arg2: memref<25x32x8x128xi32, #tpu.memory_space<hbm>>, %arg3: memref<1000000x32xf32, #tpu.memory_space<hbm>>, %arg4: memref<200x4x32x8x128xf32, #tpu.memory_space<hbm>>, %arg5: memref<25x8x128xi32, #tpu.memory_space<vmem>>, %arg6: memref<128x32xf32, #tpu.memory_space<vmem>>, %arg7: memref<128x32xf32, #tpu.memory_space<vmem>>, %arg8: memref<4x8x128xf32, #tpu.memory_space<vmem>>, %arg9: memref<4x8x128xf32, #tpu.memory_space<vmem>>, %arg10: memref<!tpu.dma_semaphore, #tpu.memory_space<semaphore_mem>>, %arg11: memref<!tpu.dma_semaphore, #tpu.memory_space<semaphore_mem>>, %arg12: memref<!tpu.dma_semaphore, #tpu.memory_space<semaphore_mem>>, %arg13: memref<!tpu.dma_semaphore, #tpu.memory_space<semaphore_mem>>) attributes {dimension_semantics = [#tpu.dimension_semantics<core_parallel>, #tpu.dimension_semantics<subcore_parallel>], iteration_bounds = array<i64: 2, 16>, scalar_prefetch = 0 : i64, scratch_operands = 9 : i64, tpu.core_type = #tpu.core_type<sc_vector_subcore>, window_params = [{transform_indices = #map}, {transform_indices = #map1}, {transform_indices = #map2}]} {
    %mul3A = arith.constant 2 : i32
    %mul3A_0 = arith.muli %arg1, %mul3A : i32
    %add3A = arith.addi %mul3A_0, %arg0 : i32
    %run_scoped3A = arith.constant 0 : i32
    %run_scoped3A_1 = arith.constant 0 : i32
    "tpu.region"() ({
      %run_scoped3A_102 = tpu.sem_alloc : memref<!tpu.dma_semaphore, #tpu.memory_space<semaphore_mem>>
      %dma_start3A = arith.constant 0 : i32
      %dma_start3A_103 = arith.constant 0 : i32
      %dma_start3A_104 = tpu.memref_slice %arg5[%run_scoped3A_1, %dma_start3A, %dma_start3A_103] : memref<25x8x128xi32, #tpu.memory_space<vmem>> -> memref<1x8x128xi32, #tpu.memory_space<vmem>>
      %dma_start3A_105 = tpu.memref_squeeze %dma_start3A_104 : memref<1x8x128xi32, #tpu.memory_space<vmem>> -> memref<8x128xi32, #tpu.memory_space<vmem>>
      %dma_start3A_106 = arith.constant 0 : i32
      %dma_start3A_107 = arith.constant 0 : i32
      %dma_start3A_108 = tpu.memref_slice %arg2[%run_scoped3A, %add3A, %dma_start3A_106, %dma_start3A_107] : memref<25x32x8x128xi32, #tpu.memory_space<hbm>> -> memref<1x1x8x128xi32, #tpu.memory_space<hbm>>
      %dma_start3A_109 = tpu.memref_squeeze %dma_start3A_108 : memref<1x1x8x128xi32, #tpu.memory_space<hbm>> -> memref<8x128xi32, #tpu.memory_space<hbm>>
      %dma_start3A_110 = arith.constant 0 : i32
      %dma_start3A_111 = arith.constant 0 : i32
      %dma_start3A_112 = tpu.memref_slice %arg5[%run_scoped3A_1, %dma_start3A_110, %dma_start3A_111] : memref<25x8x128xi32, #tpu.memory_space<vmem>> -> memref<1x8x128xi32, #tpu.memory_space<vmem>>
      %dma_start3A_113 = tpu.memref_squeeze %dma_start3A_112 : memref<1x8x128xi32, #tpu.memory_space<vmem>> -> memref<8x128xi32, #tpu.memory_space<vmem>>
      %dma_start3A_114 = arith.constant 0 : i32
      %dma_start3A_115 = arith.constant 0 : i32
      %dma_start3A_116 = tpu.memref_slice %arg2[%run_scoped3A, %add3A, %dma_start3A_114, %dma_start3A_115] : memref<25x32x8x128xi32, #tpu.memory_space<hbm>> -> memref<1x1x8x128xi32, #tpu.memory_space<hbm>>
      %dma_start3A_117 = tpu.memref_squeeze %dma_start3A_116 : memref<1x1x8x128xi32, #tpu.memory_space<hbm>> -> memref<8x128xi32, #tpu.memory_space<hbm>>
      tpu.enqueue_dma source(%dma_start3A_117 : memref<8x128xi32, #tpu.memory_space<hbm>>) target(%dma_start3A_113 : memref<8x128xi32, #tpu.memory_space<vmem>>) target_semaphore(%run_scoped3A_102 : memref<!tpu.dma_semaphore, #tpu.memory_space<semaphore_mem>>)
      %dma_wait3A_118 = arith.constant 0 : i32
      %dma_wait3A_119 = arith.constant 0 : i32
      %dma_wait3A_120 = tpu.memref_slice %arg5[%run_scoped3A_1, %dma_wait3A_118, %dma_wait3A_119] : memref<25x8x128xi32, #tpu.memory_space<vmem>> -> memref<1x8x128xi32, #tpu.memory_space<vmem>>
      %dma_wait3A_121 = tpu.memref_squeeze %dma_wait3A_120 : memref<1x8x128xi32, #tpu.memory_space<vmem>> -> memref<8x128xi32, #tpu.memory_space<vmem>>
      %dma_wait3A_122 = arith.constant 0 : i32
      %dma_wait3A_123 = arith.constant 0 : i32
      %dma_wait3A_124 = tpu.memref_slice %arg2[%run_scoped3A, %add3A, %dma_wait3A_122, %dma_wait3A_123] : memref<25x32x8x128xi32, #tpu.memory_space<hbm>> -> memref<1x1x8x128xi32, #tpu.memory_space<hbm>>
      %dma_wait3A_125 = tpu.memref_squeeze %dma_wait3A_124 : memref<1x1x8x128xi32, #tpu.memory_space<hbm>> -> memref<8x128xi32, #tpu.memory_space<hbm>>
      %dma_wait3A_126 = arith.constant 0 : i32
      %dma_wait3A_127 = arith.constant 0 : i32
      %dma_wait3A_128 = tpu.memref_slice %arg5[%run_scoped3A_1, %dma_wait3A_126, %dma_wait3A_127] : memref<25x8x128xi32, #tpu.memory_space<vmem>> -> memref<1x8x128xi32, #tpu.memory_space<vmem>>
      %dma_wait3A_129 = tpu.memref_squeeze %dma_wait3A_128 : memref<1x8x128xi32, #tpu.memory_space<vmem>> -> memref<8x128xi32, #tpu.memory_space<vmem>>
      %dma_wait3A_130 = arith.constant 0 : i32
      %dma_wait3A_131 = arith.constant 0 : i32
      %dma_wait3A_132 = tpu.memref_slice %arg2[%run_scoped3A, %add3A, %dma_wait3A_130, %dma_wait3A_131] : memref<25x32x8x128xi32, #tpu.memory_space<hbm>> -> memref<1x1x8x128xi32, #tpu.memory_space<hbm>>
      %dma_wait3A_133 = tpu.memref_squeeze %dma_wait3A_132 : memref<1x1x8x128xi32, #tpu.memory_space<hbm>> -> memref<8x128xi32, #tpu.memory_space<hbm>>
      tpu.wait_dma2 semaphore(%run_scoped3A_102 : memref<!tpu.dma_semaphore, #tpu.memory_space<semaphore_mem>>) src(%dma_wait3A_133 : memref<8x128xi32, #tpu.memory_space<hbm>>) dst(%dma_wait3A_129 : memref<8x128xi32, #tpu.memory_space<vmem>>)
      tpu.yield
    }) : () -> ()
    %run_scoped3A_2 = arith.constant 1 : i32
    %run_scoped3A_3 = arith.constant 1 : i32
    "tpu.region"() ({
      %run_scoped3A_102 = tpu.sem_alloc : memref<!tpu.dma_semaphore, #tpu.memory_space<semaphore_mem>>
      %dma_start3A = arith.constant 0 : i32
      %dma_start3A_103 = arith.constant 0 : i32
      %dma_start3A_104 = tpu.memref_slice %arg5[%run_scoped3A_3, %dma_start3A, %dma_start3A_103] : memref<25x8x128xi32, #tpu.memory_space<vmem>> -> memref<1x8x128xi32, #tpu.memory_space<vmem>>
      %dma_start3A_105 = tpu.memref_squeeze %dma_start3A_104 : memref<1x8x128xi32, #tpu.memory_space<vmem>> -> memref<8x128xi32, #tpu.memory_space<vmem>>
      %dma_start3A_106 = arith.constant 0 : i32
      %dma_start3A_107 = arith.constant 0 : i32
      %dma_start3A_108 = tpu.memref_slice %arg2[%run_scoped3A_2, %add3A, %dma_start3A_106, %dma_start3A_107] : memref<25x32x8x128xi32, #tpu.memory_space<hbm>> -> memref<1x1x8x128xi32, #tpu.memory_space<hbm>>
      %dma_start3A_109 = tpu.memref_squeeze %dma_start3A_108 : memref<1x1x8x128xi32, #tpu.memory_space<hbm>> -> memref<8x128xi32, #tpu.memory_space<hbm>>
      %dma_start3A_110 = arith.constant 0 : i32
      %dma_start3A_111 = arith.constant 0 : i32
      %dma_start3A_112 = tpu.memref_slice %arg5[%run_scoped3A_3, %dma_start3A_110, %dma_start3A_111] : memref<25x8x128xi32, #tpu.memory_space<vmem>> -> memref<1x8x128xi32, #tpu.memory_space<vmem>>
      %dma_start3A_113 = tpu.memref_squeeze %dma_start3A_112 : memref<1x8x128xi32, #tpu.memory_space<vmem>> -> memref<8x128xi32, #tpu.memory_space<vmem>>
      %dma_start3A_114 = arith.constant 0 : i32
      %dma_start3A_115 = arith.constant 0 : i32
      %dma_start3A_116 = tpu.memref_slice %arg2[%run_scoped3A_2, %add3A, %dma_start3A_114, %dma_start3A_115] : memref<25x32x8x128xi32, #tpu.memory_space<hbm>> -> memref<1x1x8x128xi32, #tpu.memory_space<hbm>>
      %dma_start3A_117 = tpu.memref_squeeze %dma_start3A_116 : memref<1x1x8x128xi32, #tpu.memory_space<hbm>> -> memref<8x128xi32, #tpu.memory_space<hbm>>
      tpu.enqueue_dma source(%dma_start3A_117 : memref<8x128xi32, #tpu.memory_space<hbm>>) target(%dma_start3A_113 : memref<8x128xi32, #tpu.memory_space<vmem>>) target_semaphore(%run_scoped3A_102 : memref<!tpu.dma_semaphore, #tpu.memory_space<semaphore_mem>>)
      %dma_wait3A_118 = arith.constant 0 : i32
      %dma_wait3A_119 = arith.constant 0 : i32
      %dma_wait3A_120 = tpu.memref_slice %arg5[%run_scoped3A_3, %dma_wait3A_118, %dma_wait3A_119] : memref<25x8x128xi32, #tpu.memory_space<vmem>> -> memref<1x8x128xi32, #tpu.memory_space<vmem>>
      %dma_wait3A_121 = tpu.memref_squeeze %dma_wait3A_120 : memref<1x8x128xi32, #tpu.memory_space<vmem>> -> memref<8x128xi32, #tpu.memory_space<vmem>>
      %dma_wait3A_122 = arith.constant 0 : i32
      %dma_wait3A_123 = arith.constant 0 : i32
      %dma_wait3A_124 = tpu.memref_slice %arg2[%run_scoped3A_2, %add3A, %dma_wait3A_122, %dma_wait3A_123] : memref<25x32x8x128xi32, #tpu.memory_space<hbm>> -> memref<1x1x8x128xi32, #tpu.memory_space<hbm>>
      %dma_wait3A_125 = tpu.memref_squeeze %dma_wait3A_124 : memref<1x1x8x128xi32, #tpu.memory_space<hbm>> -> memref<8x128xi32, #tpu.memory_space<hbm>>
      %dma_wait3A_126 = arith.constant 0 : i32
      %dma_wait3A_127 = arith.constant 0 : i32
      %dma_wait3A_128 = tpu.memref_slice %arg5[%run_scoped3A_3, %dma_wait3A_126, %dma_wait3A_127] : memref<25x8x128xi32, #tpu.memory_space<vmem>> -> memref<1x8x128xi32, #tpu.memory_space<vmem>>
      %dma_wait3A_129 = tpu.memref_squeeze %dma_wait3A_128 : memref<1x8x128xi32, #tpu.memory_space<vmem>> -> memref<8x128xi32, #tpu.memory_space<vmem>>
      %dma_wait3A_130 = arith.constant 0 : i32
      %dma_wait3A_131 = arith.constant 0 : i32
      %dma_wait3A_132 = tpu.memref_slice %arg2[%run_scoped3A_2, %add3A, %dma_wait3A_130, %dma_wait3A_131] : memref<25x32x8x128xi32, #tpu.memory_space<hbm>> -> memref<1x1x8x128xi32, #tpu.memory_space<hbm>>
      %dma_wait3A_133 = tpu.memref_squeeze %dma_wait3A_132 : memref<1x1x8x128xi32, #tpu.memory_space<hbm>> -> memref<8x128xi32, #tpu.memory_space<hbm>>
      tpu.wait_dma2 semaphore(%run_scoped3A_102 : memref<!tpu.dma_semaphore, #tpu.memory_space<semaphore_mem>>) src(%dma_wait3A_133 : memref<8x128xi32, #tpu.memory_space<hbm>>) dst(%dma_wait3A_129 : memref<8x128xi32, #tpu.memory_space<vmem>>)
      tpu.yield
    }) : () -> ()
    %run_scoped3A_4 = arith.constant 2 : i32
    %run_scoped3A_5 = arith.constant 2 : i32
    "tpu.region"() ({
      %run_scoped3A_102 = tpu.sem_alloc : memref<!tpu.dma_semaphore, #tpu.memory_space<semaphore_mem>>
      %dma_start3A = arith.constant 0 : i32
      %dma_start3A_103 = arith.constant 0 : i32
      %dma_start3A_104 = tpu.memref_slice %arg5[%run_scoped3A_5, %dma_start3A, %dma_start3A_103] : memref<25x8x128xi32, #tpu.memory_space<vmem>> -> memref<1x8x128xi32, #tpu.memory_space<vmem>>
      %dma_start3A_105 = tpu.memref_squeeze %dma_start3A_104 : memref<1x8x128xi32, #tpu.memory_space<vmem>> -> memref<8x128xi32, #tpu.memory_space<vmem>>
      %dma_start3A_106 = arith.constant 0 : i32
      %dma_start3A_107 = arith.constant 0 : i32
      %dma_start3A_108 = tpu.memref_slice %arg2[%run_scoped3A_4, %add3A, %dma_start3A_106, %dma_start3A_107] : memref<25x32x8x128xi32, #tpu.memory_space<hbm>> -> memref<1x1x8x128xi32, #tpu.memory_space<hbm>>
      %dma_start3A_109 = tpu.memref_squeeze %dma_start3A_108 : memref<1x1x8x128xi32, #tpu.memory_space<hbm>> -> memref<8x128xi32, #tpu.memory_space<hbm>>
      %dma_start3A_110 = arith.constant 0 : i32
      %dma_start3A_111 = arith.constant 0 : i32
      %dma_start3A_112 = tpu.memref_slice %arg5[%run_scoped3A_5, %dma_start3A_110, %dma_start3A_111] : memref<25x8x128xi32, #tpu.memory_space<vmem>> -> memref<1x8x128xi32, #tpu.memory_space<vmem>>
      %dma_start3A_113 = tpu.memref_squeeze %dma_start3A_112 : memref<1x8x128xi32, #tpu.memory_space<vmem>> -> memref<8x128xi32, #tpu.memory_space<vmem>>
      %dma_start3A_114 = arith.constant 0 : i32
      %dma_start3A_115 = arith.constant 0 : i32
      %dma_start3A_116 = tpu.memref_slice %arg2[%run_scoped3A_4, %add3A, %dma_start3A_114, %dma_start3A_115] : memref<25x32x8x128xi32, #tpu.memory_space<hbm>> -> memref<1x1x8x128xi32, #tpu.memory_space<hbm>>
      %dma_start3A_117 = tpu.memref_squeeze %dma_start3A_116 : memref<1x1x8x128xi32, #tpu.memory_space<hbm>> -> memref<8x128xi32, #tpu.memory_space<hbm>>
      tpu.enqueue_dma source(%dma_start3A_117 : memref<8x128xi32, #tpu.memory_space<hbm>>) target(%dma_start3A_113 : memref<8x128xi32, #tpu.memory_space<vmem>>) target_semaphore(%run_scoped3A_102 : memref<!tpu.dma_semaphore, #tpu.memory_space<semaphore_mem>>)
      %dma_wait3A_118 = arith.constant 0 : i32
      %dma_wait3A_119 = arith.constant 0 : i32
      %dma_wait3A_120 = tpu.memref_slice %arg5[%run_scoped3A_5, %dma_wait3A_118, %dma_wait3A_119] : memref<25x8x128xi32, #tpu.memory_space<vmem>> -> memref<1x8x128xi32, #tpu.memory_space<vmem>>
      %dma_wait3A_121 = tpu.memref_squeeze %dma_wait3A_120 : memref<1x8x128xi32, #tpu.memory_space<vmem>> -> memref<8x128xi32, #tpu.memory_space<vmem>>
      %dma_wait3A_122 = arith.constant 0 : i32
      %dma_wait3A_123 = arith.constant 0 : i32
      %dma_wait3A_124 = tpu.memref_slice %arg2[%run_scoped3A_4, %add3A, %dma_wait3A_122, %dma_wait3A_123] : memref<25x32x8x128xi32, #tpu.memory_space<hbm>> -> memref<1x1x8x128xi32, #tpu.memory_space<hbm>>
      %dma_wait3A_125 = tpu.memref_squeeze %dma_wait3A_124 : memref<1x1x8x128xi32, #tpu.memory_space<hbm>> -> memref<8x128xi32, #tpu.memory_space<hbm>>
      %dma_wait3A_126 = arith.constant 0 : i32
      %dma_wait3A_127 = arith.constant 0 : i32
      %dma_wait3A_128 = tpu.memref_slice %arg5[%run_scoped3A_5, %dma_wait3A_126, %dma_wait3A_127] : memref<25x8x128xi32, #tpu.memory_space<vmem>> -> memref<1x8x128xi32, #tpu.memory_space<vmem>>
      %dma_wait3A_129 = tpu.memref_squeeze %dma_wait3A_128 : memref<1x8x128xi32, #tpu.memory_space<vmem>> -> memref<8x128xi32, #tpu.memory_space<vmem>>
      %dma_wait3A_130 = arith.constant 0 : i32
      %dma_wait3A_131 = arith.constant 0 : i32
      %dma_wait3A_132 = tpu.memref_slice %arg2[%run_scoped3A_4, %add3A, %dma_wait3A_130, %dma_wait3A_131] : memref<25x32x8x128xi32, #tpu.memory_space<hbm>> -> memref<1x1x8x128xi32, #tpu.memory_space<hbm>>
      %dma_wait3A_133 = tpu.memref_squeeze %dma_wait3A_132 : memref<1x1x8x128xi32, #tpu.memory_space<hbm>> -> memref<8x128xi32, #tpu.memory_space<hbm>>
      tpu.wait_dma2 semaphore(%run_scoped3A_102 : memref<!tpu.dma_semaphore, #tpu.memory_space<semaphore_mem>>) src(%dma_wait3A_133 : memref<8x128xi32, #tpu.memory_space<hbm>>) dst(%dma_wait3A_129 : memref<8x128xi32, #tpu.memory_space<vmem>>)
      tpu.yield
    }) : () -> ()
    %run_scoped3A_6 = arith.constant 3 : i32
    %run_scoped3A_7 = arith.constant 3 : i32
    "tpu.region"() ({
      %run_scoped3A_102 = tpu.sem_alloc : memref<!tpu.dma_semaphore, #tpu.memory_space<semaphore_mem>>
      %dma_start3A = arith.constant 0 : i32
      %dma_start3A_103 = arith.constant 0 : i32
      %dma_start3A_104 = tpu.memref_slice %arg5[%run_scoped3A_7, %dma_start3A, %dma_start3A_103] : memref<25x8x128xi32, #tpu.memory_space<vmem>> -> memref<1x8x128xi32, #tpu.memory_space<vmem>>
      %dma_start3A_105 = tpu.memref_squeeze %dma_start3A_104 : memref<1x8x128xi32, #tpu.memory_space<vmem>> -> memref<8x128xi32, #tpu.memory_space<vmem>>
      %dma_start3A_106 = arith.constant 0 : i32
      %dma_start3A_107 = arith.constant 0 : i32
      %dma_start3A_108 = tpu.memref_slice %arg2[%run_scoped3A_6, %add3A, %dma_start3A_106, %dma_start3A_107] : memref<25x32x8x128xi32, #tpu.memory_space<hbm>> -> memref<1x1x8x128xi32, #tpu.memory_space<hbm>>
      %dma_start3A_109 = tpu.memref_squeeze %dma_start3A_108 : memref<1x1x8x128xi32, #tpu.memory_space<hbm>> -> memref<8x128xi32, #tpu.memory_space<hbm>>
      %dma_start3A_110 = arith.constant 0 : i32
      %dma_start3A_111 = arith.constant 0 : i32
      %dma_start3A_112 = tpu.memref_slice %arg5[%run_scoped3A_7, %dma_start3A_110, %dma_start3A_111] : memref<25x8x128xi32, #tpu.memory_space<vmem>> -> memref<1x8x128xi32, #tpu.memory_space<vmem>>
      %dma_start3A_113 = tpu.memref_squeeze %dma_start3A_112 : memref<1x8x128xi32, #tpu.memory_space<vmem>> -> memref<8x128xi32, #tpu.memory_space<vmem>>
      %dma_start3A_114 = arith.constant 0 : i32
      %dma_start3A_115 = arith.constant 0 : i32
      %dma_start3A_116 = tpu.memref_slice %arg2[%run_scoped3A_6, %add3A, %dma_start3A_114, %dma_start3A_115] : memref<25x32x8x128xi32, #tpu.memory_space<hbm>> -> memref<1x1x8x128xi32, #tpu.memory_space<hbm>>
      %dma_start3A_117 = tpu.memref_squeeze %dma_start3A_116 : memref<1x1x8x128xi32, #tpu.memory_space<hbm>> -> memref<8x128xi32, #tpu.memory_space<hbm>>
      tpu.enqueue_dma source(%dma_start3A_117 : memref<8x128xi32, #tpu.memory_space<hbm>>) target(%dma_start3A_113 : memref<8x128xi32, #tpu.memory_space<vmem>>) target_semaphore(%run_scoped3A_102 : memref<!tpu.dma_semaphore, #tpu.memory_space<semaphore_mem>>)
      %dma_wait3A_118 = arith.constant 0 : i32
      %dma_wait3A_119 = arith.constant 0 : i32
      %dma_wait3A_120 = tpu.memref_slice %arg5[%run_scoped3A_7, %dma_wait3A_118, %dma_wait3A_119] : memref<25x8x128xi32, #tpu.memory_space<vmem>> -> memref<1x8x128xi32, #tpu.memory_space<vmem>>
      %dma_wait3A_121 = tpu.memref_squeeze %dma_wait3A_120 : memref<1x8x128xi32, #tpu.memory_space<vmem>> -> memref<8x128xi32, #tpu.memory_space<vmem>>
      %dma_wait3A_122 = arith.constant 0 : i32
      %dma_wait3A_123 = arith.constant 0 : i32
      %dma_wait3A_124 = tpu.memref_slice %arg2[%run_scoped3A_6, %add3A, %dma_wait3A_122, %dma_wait3A_123] : memref<25x32x8x128xi32, #tpu.memory_space<hbm>> -> memref<1x1x8x128xi32, #tpu.memory_space<hbm>>
      %dma_wait3A_125 = tpu.memref_squeeze %dma_wait3A_124 : memref<1x1x8x128xi32, #tpu.memory_space<hbm>> -> memref<8x128xi32, #tpu.memory_space<hbm>>
      %dma_wait3A_126 = arith.constant 0 : i32
      %dma_wait3A_127 = arith.constant 0 : i32
      %dma_wait3A_128 = tpu.memref_slice %arg5[%run_scoped3A_7, %dma_wait3A_126, %dma_wait3A_127] : memref<25x8x128xi32, #tpu.memory_space<vmem>> -> memref<1x8x128xi32, #tpu.memory_space<vmem>>
      %dma_wait3A_129 = tpu.memref_squeeze %dma_wait3A_128 : memref<1x8x128xi32, #tpu.memory_space<vmem>> -> memref<8x128xi32, #tpu.memory_space<vmem>>
      %dma_wait3A_130 = arith.constant 0 : i32
      %dma_wait3A_131 = arith.constant 0 : i32
      %dma_wait3A_132 = tpu.memref_slice %arg2[%run_scoped3A_6, %add3A, %dma_wait3A_130, %dma_wait3A_131] : memref<25x32x8x128xi32, #tpu.memory_space<hbm>> -> memref<1x1x8x128xi32, #tpu.memory_space<hbm>>
      %dma_wait3A_133 = tpu.memref_squeeze %dma_wait3A_132 : memref<1x1x8x128xi32, #tpu.memory_space<hbm>> -> memref<8x128xi32, #tpu.memory_space<hbm>>
      tpu.wait_dma2 semaphore(%run_scoped3A_102 : memref<!tpu.dma_semaphore, #tpu.memory_space<semaphore_mem>>) src(%dma_wait3A_133 : memref<8x128xi32, #tpu.memory_space<hbm>>) dst(%dma_wait3A_129 : memref<8x128xi32, #tpu.memory_space<vmem>>)
      tpu.yield
    }) : () -> ()
    %run_scoped3A_8 = arith.constant 4 : i32
    %run_scoped3A_9 = arith.constant 4 : i32
    "tpu.region"() ({
      %run_scoped3A_102 = tpu.sem_alloc : memref<!tpu.dma_semaphore, #tpu.memory_space<semaphore_mem>>
      %dma_start3A = arith.constant 0 : i32
      %dma_start3A_103 = arith.constant 0 : i32
      %dma_start3A_104 = tpu.memref_slice %arg5[%run_scoped3A_9, %dma_start3A, %dma_start3A_103] : memref<25x8x128xi32, #tpu.memory_space<vmem>> -> memref<1x8x128xi32, #tpu.memory_space<vmem>>
      %dma_start3A_105 = tpu.memref_squeeze %dma_start3A_104 : memref<1x8x128xi32, #tpu.memory_space<vmem>> -> memref<8x128xi32, #tpu.memory_space<vmem>>
      %dma_start3A_106 = arith.constant 0 : i32
      %dma_start3A_107 = arith.constant 0 : i32
      %dma_start3A_108 = tpu.memref_slice %arg2[%run_scoped3A_8, %add3A, %dma_start3A_106, %dma_start3A_107] : memref<25x32x8x128xi32, #tpu.memory_space<hbm>> -> memref<1x1x8x128xi32, #tpu.memory_space<hbm>>
      %dma_start3A_109 = tpu.memref_squeeze %dma_start3A_108 : memref<1x1x8x128xi32, #tpu.memory_space<hbm>> -> memref<8x128xi32, #tpu.memory_space<hbm>>
      %dma_start3A_110 = arith.constant 0 : i32
      %dma_start3A_111 = arith.constant 0 : i32
      %dma_start3A_112 = tpu.memref_slice %arg5[%run_scoped3A_9, %dma_start3A_110, %dma_start3A_111] : memref<25x8x128xi32, #tpu.memory_space<vmem>> -> memref<1x8x128xi32, #tpu.memory_space<vmem>>
      %dma_start3A_113 = tpu.memref_squeeze %dma_start3A_112 : memref<1x8x128xi32, #tpu.memory_space<vmem>> -> memref<8x128xi32, #tpu.memory_space<vmem>>
      %dma_start3A_114 = arith.constant 0 : i32
      %dma_start3A_115 = arith.constant 0 : i32
      %dma_start3A_116 = tpu.memref_slice %arg2[%run_scoped3A_8, %add3A, %dma_start3A_114, %dma_start3A_115] : memref<25x32x8x128xi32, #tpu.memory_space<hbm>> -> memref<1x1x8x128xi32, #tpu.memory_space<hbm>>
      %dma_start3A_117 = tpu.memref_squeeze %dma_start3A_116 : memref<1x1x8x128xi32, #tpu.memory_space<hbm>> -> memref<8x128xi32, #tpu.memory_space<hbm>>
      tpu.enqueue_dma source(%dma_start3A_117 : memref<8x128xi32, #tpu.memory_space<hbm>>) target(%dma_start3A_113 : memref<8x128xi32, #tpu.memory_space<vmem>>) target_semaphore(%run_scoped3A_102 : memref<!tpu.dma_semaphore, #tpu.memory_space<semaphore_mem>>)
      %dma_wait3A_118 = arith.constant 0 : i32
      %dma_wait3A_119 = arith.constant 0 : i32
      %dma_wait3A_120 = tpu.memref_slice %arg5[%run_scoped3A_9, %dma_wait3A_118, %dma_wait3A_119] : memref<25x8x128xi32, #tpu.memory_space<vmem>> -> memref<1x8x128xi32, #tpu.memory_space<vmem>>
      %dma_wait3A_121 = tpu.memref_squeeze %dma_wait3A_120 : memref<1x8x128xi32, #tpu.memory_space<vmem>> -> memref<8x128xi32, #tpu.memory_space<vmem>>
      %dma_wait3A_122 = arith.constant 0 : i32
      %dma_wait3A_123 = arith.constant 0 : i32
      %dma_wait3A_124 = tpu.memref_slice %arg2[%run_scoped3A_8, %add3A, %dma_wait3A_122, %dma_wait3A_123] : memref<25x32x8x128xi32, #tpu.memory_space<hbm>> -> memref<1x1x8x128xi32, #tpu.memory_space<hbm>>
      %dma_wait3A_125 = tpu.memref_squeeze %dma_wait3A_124 : memref<1x1x8x128xi32, #tpu.memory_space<hbm>> -> memref<8x128xi32, #tpu.memory_space<hbm>>
      %dma_wait3A_126 = arith.constant 0 : i32
      %dma_wait3A_127 = arith.constant 0 : i32
      %dma_wait3A_128 = tpu.memref_slice %arg5[%run_scoped3A_9, %dma_wait3A_126, %dma_wait3A_127] : memref<25x8x128xi32, #tpu.memory_space<vmem>> -> memref<1x8x128xi32, #tpu.memory_space<vmem>>
      %dma_wait3A_129 = tpu.memref_squeeze %dma_wait3A_128 : memref<1x8x128xi32, #tpu.memory_space<vmem>> -> memref<8x128xi32, #tpu.memory_space<vmem>>
      %dma_wait3A_130 = arith.constant 0 : i32
      %dma_wait3A_131 = arith.constant 0 : i32
      %dma_wait3A_132 = tpu.memref_slice %arg2[%run_scoped3A_8, %add3A, %dma_wait3A_130, %dma_wait3A_131] : memref<25x32x8x128xi32, #tpu.memory_space<hbm>> -> memref<1x1x8x128xi32, #tpu.memory_space<hbm>>
      %dma_wait3A_133 = tpu.memref_squeeze %dma_wait3A_132 : memref<1x1x8x128xi32, #tpu.memory_space<hbm>> -> memref<8x128xi32, #tpu.memory_space<hbm>>
      tpu.wait_dma2 semaphore(%run_scoped3A_102 : memref<!tpu.dma_semaphore, #tpu.memory_space<semaphore_mem>>) src(%dma_wait3A_133 : memref<8x128xi32, #tpu.memory_space<hbm>>) dst(%dma_wait3A_129 : memref<8x128xi32, #tpu.memory_space<vmem>>)
      tpu.yield
    }) : () -> ()
    %run_scoped3A_10 = arith.constant 5 : i32
    %run_scoped3A_11 = arith.constant 5 : i32
    "tpu.region"() ({
      %run_scoped3A_102 = tpu.sem_alloc : memref<!tpu.dma_semaphore, #tpu.memory_space<semaphore_mem>>
      %dma_start3A = arith.constant 0 : i32
      %dma_start3A_103 = arith.constant 0 : i32
      %dma_start3A_104 = tpu.memref_slice %arg5[%run_scoped3A_11, %dma_start3A, %dma_start3A_103] : memref<25x8x128xi32, #tpu.memory_space<vmem>> -> memref<1x8x128xi32, #tpu.memory_space<vmem>>
      %dma_start3A_105 = tpu.memref_squeeze %dma_start3A_104 : memref<1x8x128xi32, #tpu.memory_space<vmem>> -> memref<8x128xi32, #tpu.memory_space<vmem>>
      %dma_start3A_106 = arith.constant 0 : i32
      %dma_start3A_107 = arith.constant 0 : i32
      %dma_start3A_108 = tpu.memref_slice %arg2[%run_scoped3A_10, %add3A, %dma_start3A_106, %dma_start3A_107] : memref<25x32x8x128xi32, #tpu.memory_space<hbm>> -> memref<1x1x8x128xi32, #tpu.memory_space<hbm>>
      %dma_start3A_109 = tpu.memref_squeeze %dma_start3A_108 : memref<1x1x8x128xi32, #tpu.memory_space<hbm>> -> memref<8x128xi32, #tpu.memory_space<hbm>>
      %dma_start3A_110 = arith.constant 0 : i32
      %dma_start3A_111 = arith.constant 0 : i32
      %dma_start3A_112 = tpu.memref_slice %arg5[%run_scoped3A_11, %dma_start3A_110, %dma_start3A_111] : memref<25x8x128xi32, #tpu.memory_space<vmem>> -> memref<1x8x128xi32, #tpu.memory_space<vmem>>
      %dma_start3A_113 = tpu.memref_squeeze %dma_start3A_112 : memref<1x8x128xi32, #tpu.memory_space<vmem>> -> memref<8x128xi32, #tpu.memory_space<vmem>>
      %dma_start3A_114 = arith.constant 0 : i32
      %dma_start3A_115 = arith.constant 0 : i32
      %dma_start3A_116 = tpu.memref_slice %arg2[%run_scoped3A_10, %add3A, %dma_start3A_114, %dma_start3A_115] : memref<25x32x8x128xi32, #tpu.memory_space<hbm>> -> memref<1x1x8x128xi32, #tpu.memory_space<hbm>>
      %dma_start3A_117 = tpu.memref_squeeze %dma_start3A_116 : memref<1x1x8x128xi32, #tpu.memory_space<hbm>> -> memref<8x128xi32, #tpu.memory_space<hbm>>
      tpu.enqueue_dma source(%dma_start3A_117 : memref<8x128xi32, #tpu.memory_space<hbm>>) target(%dma_start3A_113 : memref<8x128xi32, #tpu.memory_space<vmem>>) target_semaphore(%run_scoped3A_102 : memref<!tpu.dma_semaphore, #tpu.memory_space<semaphore_mem>>)
      %dma_wait3A_118 = arith.constant 0 : i32
      %dma_wait3A_119 = arith.constant 0 : i32
      %dma_wait3A_120 = tpu.memref_slice %arg5[%run_scoped3A_11, %dma_wait3A_118, %dma_wait3A_119] : memref<25x8x128xi32, #tpu.memory_space<vmem>> -> memref<1x8x128xi32, #tpu.memory_space<vmem>>
      %dma_wait3A_121 = tpu.memref_squeeze %dma_wait3A_120 : memref<1x8x128xi32, #tpu.memory_space<vmem>> -> memref<8x128xi32, #tpu.memory_space<vmem>>
      %dma_wait3A_122 = arith.constant 0 : i32
      %dma_wait3A_123 = arith.constant 0 : i32
      %dma_wait3A_124 = tpu.memref_slice %arg2[%run_scoped3A_10, %add3A, %dma_wait3A_122, %dma_wait3A_123] : memref<25x32x8x128xi32, #tpu.memory_space<hbm>> -> memref<1x1x8x128xi32, #tpu.memory_space<hbm>>
      %dma_wait3A_125 = tpu.memref_squeeze %dma_wait3A_124 : memref<1x1x8x128xi32, #tpu.memory_space<hbm>> -> memref<8x128xi32, #tpu.memory_space<hbm>>
      %dma_wait3A_126 = arith.constant 0 : i32
      %dma_wait3A_127 = arith.constant 0 : i32
      %dma_wait3A_128 = tpu.memref_slice %arg5[%run_scoped3A_11, %dma_wait3A_126, %dma_wait3A_127] : memref<25x8x128xi32, #tpu.memory_space<vmem>> -> memref<1x8x128xi32, #tpu.memory_space<vmem>>
      %dma_wait3A_129 = tpu.memref_squeeze %dma_wait3A_128 : memref<1x8x128xi32, #tpu.memory_space<vmem>> -> memref<8x128xi32, #tpu.memory_space<vmem>>
      %dma_wait3A_130 = arith.constant 0 : i32
      %dma_wait3A_131 = arith.constant 0 : i32
      %dma_wait3A_132 = tpu.memref_slice %arg2[%run_scoped3A_10, %add3A, %dma_wait3A_130, %dma_wait3A_131] : memref<25x32x8x128xi32, #tpu.memory_space<hbm>> -> memref<1x1x8x128xi32, #tpu.memory_space<hbm>>
      %dma_wait3A_133 = tpu.memref_squeeze %dma_wait3A_132 : memref<1x1x8x128xi32, #tpu.memory_space<hbm>> -> memref<8x128xi32, #tpu.memory_space<hbm>>
      tpu.wait_dma2 semaphore(%run_scoped3A_102 : memref<!tpu.dma_semaphore, #tpu.memory_space<semaphore_mem>>) src(%dma_wait3A_133 : memref<8x128xi32, #tpu.memory_space<hbm>>) dst(%dma_wait3A_129 : memref<8x128xi32, #tpu.memory_space<vmem>>)
      tpu.yield
    }) : () -> ()
    %run_scoped3A_12 = arith.constant 6 : i32
    %run_scoped3A_13 = arith.constant 6 : i32
    "tpu.region"() ({
      %run_scoped3A_102 = tpu.sem_alloc : memref<!tpu.dma_semaphore, #tpu.memory_space<semaphore_mem>>
      %dma_start3A = arith.constant 0 : i32
      %dma_start3A_103 = arith.constant 0 : i32
      %dma_start3A_104 = tpu.memref_slice %arg5[%run_scoped3A_13, %dma_start3A, %dma_start3A_103] : memref<25x8x128xi32, #tpu.memory_space<vmem>> -> memref<1x8x128xi32, #tpu.memory_space<vmem>>
      %dma_start3A_105 = tpu.memref_squeeze %dma_start3A_104 : memref<1x8x128xi32, #tpu.memory_space<vmem>> -> memref<8x128xi32, #tpu.memory_space<vmem>>
      %dma_start3A_106 = arith.constant 0 : i32
      %dma_start3A_107 = arith.constant 0 : i32
      %dma_start3A_108 = tpu.memref_slice %arg2[%run_scoped3A_12, %add3A, %dma_start3A_106, %dma_start3A_107] : memref<25x32x8x128xi32, #tpu.memory_space<hbm>> -> memref<1x1x8x128xi32, #tpu.memory_space<hbm>>
      %dma_start3A_109 = tpu.memref_squeeze %dma_start3A_108 : memref<1x1x8x128xi32, #tpu.memory_space<hbm>> -> memref<8x128xi32, #tpu.memory_space<hbm>>
      %dma_start3A_110 = arith.constant 0 : i32
      %dma_start3A_111 = arith.constant 0 : i32
      %dma_start3A_112 = tpu.memref_slice %arg5[%run_scoped3A_13, %dma_start3A_110, %dma_start3A_111] : memref<25x8x128xi32, #tpu.memory_space<vmem>> -> memref<1x8x128xi32, #tpu.memory_space<vmem>>
      %dma_start3A_113 = tpu.memref_squeeze %dma_start3A_112 : memref<1x8x128xi32, #tpu.memory_space<vmem>> -> memref<8x128xi32, #tpu.memory_space<vmem>>
      %dma_start3A_114 = arith.constant 0 : i32
      %dma_start3A_115 = arith.constant 0 : i32
      %dma_start3A_116 = tpu.memref_slice %arg2[%run_scoped3A_12, %add3A, %dma_start3A_114, %dma_start3A_115] : memref<25x32x8x128xi32, #tpu.memory_space<hbm>> -> memref<1x1x8x128xi32, #tpu.memory_space<hbm>>
      %dma_start3A_117 = tpu.memref_squeeze %dma_start3A_116 : memref<1x1x8x128xi32, #tpu.memory_space<hbm>> -> memref<8x128xi32, #tpu.memory_space<hbm>>
      tpu.enqueue_dma source(%dma_start3A_117 : memref<8x128xi32, #tpu.memory_space<hbm>>) target(%dma_start3A_113 : memref<8x128xi32, #tpu.memory_space<vmem>>) target_semaphore(%run_scoped3A_102 : memref<!tpu.dma_semaphore, #tpu.memory_space<semaphore_mem>>)
      %dma_wait3A_118 = arith.constant 0 : i32
      %dma_wait3A_119 = arith.constant 0 : i32
      %dma_wait3A_120 = tpu.memref_slice %arg5[%run_scoped3A_13, %dma_wait3A_118, %dma_wait3A_119] : memref<25x8x128xi32, #tpu.memory_space<vmem>> -> memref<1x8x128xi32, #tpu.memory_space<vmem>>
      %dma_wait3A_121 = tpu.memref_squeeze %dma_wait3A_120 : memref<1x8x128xi32, #tpu.memory_space<vmem>> -> memref<8x128xi32, #tpu.memory_space<vmem>>
      %dma_wait3A_122 = arith.constant 0 : i32
      %dma_wait3A_123 = arith.constant 0 : i32
      %dma_wait3A_124 = tpu.memref_slice %arg2[%run_scoped3A_12, %add3A, %dma_wait3A_122, %dma_wait3A_123] : memref<25x32x8x128xi32, #tpu.memory_space<hbm>> -> memref<1x1x8x128xi32, #tpu.memory_space<hbm>>
      %dma_wait3A_125 = tpu.memref_squeeze %dma_wait3A_124 : memref<1x1x8x128xi32, #tpu.memory_space<hbm>> -> memref<8x128xi32, #tpu.memory_space<hbm>>
      %dma_wait3A_126 = arith.constant 0 : i32
      %dma_wait3A_127 = arith.constant 0 : i32
      %dma_wait3A_128 = tpu.memref_slice %arg5[%run_scoped3A_13, %dma_wait3A_126, %dma_wait3A_127] : memref<25x8x128xi32, #tpu.memory_space<vmem>> -> memref<1x8x128xi32, #tpu.memory_space<vmem>>
      %dma_wait3A_129 = tpu.memref_squeeze %dma_wait3A_128 : memref<1x8x128xi32, #tpu.memory_space<vmem>> -> memref<8x128xi32, #tpu.memory_space<vmem>>
      %dma_wait3A_130 = arith.constant 0 : i32
      %dma_wait3A_131 = arith.constant 0 : i32
      %dma_wait3A_132 = tpu.memref_slice %arg2[%run_scoped3A_12, %add3A, %dma_wait3A_130, %dma_wait3A_131] : memref<25x32x8x128xi32, #tpu.memory_space<hbm>> -> memref<1x1x8x128xi32, #tpu.memory_space<hbm>>
      %dma_wait3A_133 = tpu.memref_squeeze %dma_wait3A_132 : memref<1x1x8x128xi32, #tpu.memory_space<hbm>> -> memref<8x128xi32, #tpu.memory_space<hbm>>
      tpu.wait_dma2 semaphore(%run_scoped3A_102 : memref<!tpu.dma_semaphore, #tpu.memory_space<semaphore_mem>>) src(%dma_wait3A_133 : memref<8x128xi32, #tpu.memory_space<hbm>>) dst(%dma_wait3A_129 : memref<8x128xi32, #tpu.memory_space<vmem>>)
      tpu.yield
    }) : () -> ()
    %run_scoped3A_14 = arith.constant 7 : i32
    %run_scoped3A_15 = arith.constant 7 : i32
    "tpu.region"() ({
      %run_scoped3A_102 = tpu.sem_alloc : memref<!tpu.dma_semaphore, #tpu.memory_space<semaphore_mem>>
      %dma_start3A = arith.constant 0 : i32
      %dma_start3A_103 = arith.constant 0 : i32
      %dma_start3A_104 = tpu.memref_slice %arg5[%run_scoped3A_15, %dma_start3A, %dma_start3A_103] : memref<25x8x128xi32, #tpu.memory_space<vmem>> -> memref<1x8x128xi32, #tpu.memory_space<vmem>>
      %dma_start3A_105 = tpu.memref_squeeze %dma_start3A_104 : memref<1x8x128xi32, #tpu.memory_space<vmem>> -> memref<8x128xi32, #tpu.memory_space<vmem>>
      %dma_start3A_106 = arith.constant 0 : i32
      %dma_start3A_107 = arith.constant 0 : i32
      %dma_start3A_108 = tpu.memref_slice %arg2[%run_scoped3A_14, %add3A, %dma_start3A_106, %dma_start3A_107] : memref<25x32x8x128xi32, #tpu.memory_space<hbm>> -> memref<1x1x8x128xi32, #tpu.memory_space<hbm>>
      %dma_start3A_109 = tpu.memref_squeeze %dma_start3A_108 : memref<1x1x8x128xi32, #tpu.memory_space<hbm>> -> memref<8x128xi32, #tpu.memory_space<hbm>>
      %dma_start3A_110 = arith.constant 0 : i32
      %dma_start3A_111 = arith.constant 0 : i32
      %dma_start3A_112 = tpu.memref_slice %arg5[%run_scoped3A_15, %dma_start3A_110, %dma_start3A_111] : memref<25x8x128xi32, #tpu.memory_space<vmem>> -> memref<1x8x128xi32, #tpu.memory_space<vmem>>
      %dma_start3A_113 = tpu.memref_squeeze %dma_start3A_112 : memref<1x8x128xi32, #tpu.memory_space<vmem>> -> memref<8x128xi32, #tpu.memory_space<vmem>>
      %dma_start3A_114 = arith.constant 0 : i32
      %dma_start3A_115 = arith.constant 0 : i32
      %dma_start3A_116 = tpu.memref_slice %arg2[%run_scoped3A_14, %add3A, %dma_start3A_114, %dma_start3A_115] : memref<25x32x8x128xi32, #tpu.memory_space<hbm>> -> memref<1x1x8x128xi32, #tpu.memory_space<hbm>>
      %dma_start3A_117 = tpu.memref_squeeze %dma_start3A_116 : memref<1x1x8x128xi32, #tpu.memory_space<hbm>> -> memref<8x128xi32, #tpu.memory_space<hbm>>
      tpu.enqueue_dma source(%dma_start3A_117 : memref<8x128xi32, #tpu.memory_space<hbm>>) target(%dma_start3A_113 : memref<8x128xi32, #tpu.memory_space<vmem>>) target_semaphore(%run_scoped3A_102 : memref<!tpu.dma_semaphore, #tpu.memory_space<semaphore_mem>>)
      %dma_wait3A_118 = arith.constant 0 : i32
      %dma_wait3A_119 = arith.constant 0 : i32
      %dma_wait3A_120 = tpu.memref_slice %arg5[%run_scoped3A_15, %dma_wait3A_118, %dma_wait3A_119] : memref<25x8x128xi32, #tpu.memory_space<vmem>> -> memref<1x8x128xi32, #tpu.memory_space<vmem>>
      %dma_wait3A_121 = tpu.memref_squeeze %dma_wait3A_120 : memref<1x8x128xi32, #tpu.memory_space<vmem>> -> memref<8x128xi32, #tpu.memory_space<vmem>>
      %dma_wait3A_122 = arith.constant 0 : i32
      %dma_wait3A_123 = arith.constant 0 : i32
      %dma_wait3A_124 = tpu.memref_slice %arg2[%run_scoped3A_14, %add3A, %dma_wait3A_122, %dma_wait3A_123] : memref<25x32x8x128xi32, #tpu.memory_space<hbm>> -> memref<1x1x8x128xi32, #tpu.memory_space<hbm>>
      %dma_wait3A_125 = tpu.memref_squeeze %dma_wait3A_124 : memref<1x1x8x128xi32, #tpu.memory_space<hbm>> -> memref<8x128xi32, #tpu.memory_space<hbm>>
      %dma_wait3A_126 = arith.constant 0 : i32
      %dma_wait3A_127 = arith.constant 0 : i32
      %dma_wait3A_128 = tpu.memref_slice %arg5[%run_scoped3A_15, %dma_wait3A_126, %dma_wait3A_127] : memref<25x8x128xi32, #tpu.memory_space<vmem>> -> memref<1x8x128xi32, #tpu.memory_space<vmem>>
      %dma_wait3A_129 = tpu.memref_squeeze %dma_wait3A_128 : memref<1x8x128xi32, #tpu.memory_space<vmem>> -> memref<8x128xi32, #tpu.memory_space<vmem>>
      %dma_wait3A_130 = arith.constant 0 : i32
      %dma_wait3A_131 = arith.constant 0 : i32
      %dma_wait3A_132 = tpu.memref_slice %arg2[%run_scoped3A_14, %add3A, %dma_wait3A_130, %dma_wait3A_131] : memref<25x32x8x128xi32, #tpu.memory_space<hbm>> -> memref<1x1x8x128xi32, #tpu.memory_space<hbm>>
      %dma_wait3A_133 = tpu.memref_squeeze %dma_wait3A_132 : memref<1x1x8x128xi32, #tpu.memory_space<hbm>> -> memref<8x128xi32, #tpu.memory_space<hbm>>
      tpu.wait_dma2 semaphore(%run_scoped3A_102 : memref<!tpu.dma_semaphore, #tpu.memory_space<semaphore_mem>>) src(%dma_wait3A_133 : memref<8x128xi32, #tpu.memory_space<hbm>>) dst(%dma_wait3A_129 : memref<8x128xi32, #tpu.memory_space<vmem>>)
      tpu.yield
    }) : () -> ()
    %run_scoped3A_16 = arith.constant 8 : i32
    %run_scoped3A_17 = arith.constant 8 : i32
    "tpu.region"() ({
      %run_scoped3A_102 = tpu.sem_alloc : memref<!tpu.dma_semaphore, #tpu.memory_space<semaphore_mem>>
      %dma_start3A = arith.constant 0 : i32
      %dma_start3A_103 = arith.constant 0 : i32
      %dma_start3A_104 = tpu.memref_slice %arg5[%run_scoped3A_17, %dma_start3A, %dma_start3A_103] : memref<25x8x128xi32, #tpu.memory_space<vmem>> -> memref<1x8x128xi32, #tpu.memory_space<vmem>>
      %dma_start3A_105 = tpu.memref_squeeze %dma_start3A_104 : memref<1x8x128xi32, #tpu.memory_space<vmem>> -> memref<8x128xi32, #tpu.memory_space<vmem>>
      %dma_start3A_106 = arith.constant 0 : i32
      %dma_start3A_107 = arith.constant 0 : i32
      %dma_start3A_108 = tpu.memref_slice %arg2[%run_scoped3A_16, %add3A, %dma_start3A_106, %dma_start3A_107] : memref<25x32x8x128xi32, #tpu.memory_space<hbm>> -> memref<1x1x8x128xi32, #tpu.memory_space<hbm>>
      %dma_start3A_109 = tpu.memref_squeeze %dma_start3A_108 : memref<1x1x8x128xi32, #tpu.memory_space<hbm>> -> memref<8x128xi32, #tpu.memory_space<hbm>>
      %dma_start3A_110 = arith.constant 0 : i32
      %dma_start3A_111 = arith.constant 0 : i32
      %dma_start3A_112 = tpu.memref_slice %arg5[%run_scoped3A_17, %dma_start3A_110, %dma_start3A_111] : memref<25x8x128xi32, #tpu.memory_space<vmem>> -> memref<1x8x128xi32, #tpu.memory_space<vmem>>
      %dma_start3A_113 = tpu.memref_squeeze %dma_start3A_112 : memref<1x8x128xi32, #tpu.memory_space<vmem>> -> memref<8x128xi32, #tpu.memory_space<vmem>>
      %dma_start3A_114 = arith.constant 0 : i32
      %dma_start3A_115 = arith.constant 0 : i32
      %dma_start3A_116 = tpu.memref_slice %arg2[%run_scoped3A_16, %add3A, %dma_start3A_114, %dma_start3A_115] : memref<25x32x8x128xi32, #tpu.memory_space<hbm>> -> memref<1x1x8x128xi32, #tpu.memory_space<hbm>>
      %dma_start3A_117 = tpu.memref_squeeze %dma_start3A_116 : memref<1x1x8x128xi32, #tpu.memory_space<hbm>> -> memref<8x128xi32, #tpu.memory_space<hbm>>
      tpu.enqueue_dma source(%dma_start3A_117 : memref<8x128xi32, #tpu.memory_space<hbm>>) target(%dma_start3A_113 : memref<8x128xi32, #tpu.memory_space<vmem>>) target_semaphore(%run_scoped3A_102 : memref<!tpu.dma_semaphore, #tpu.memory_space<semaphore_mem>>)
      %dma_wait3A_118 = arith.constant 0 : i32
      %dma_wait3A_119 = arith.constant 0 : i32
      %dma_wait3A_120 = tpu.memref_slice %arg5[%run_scoped3A_17, %dma_wait3A_118, %dma_wait3A_119] : memref<25x8x128xi32, #tpu.memory_space<vmem>> -> memref<1x8x128xi32, #tpu.memory_space<vmem>>
      %dma_wait3A_121 = tpu.memref_squeeze %dma_wait3A_120 : memref<1x8x128xi32, #tpu.memory_space<vmem>> -> memref<8x128xi32, #tpu.memory_space<vmem>>
      %dma_wait3A_122 = arith.constant 0 : i32
      %dma_wait3A_123 = arith.constant 0 : i32
      %dma_wait3A_124 = tpu.memref_slice %arg2[%run_scoped3A_16, %add3A, %dma_wait3A_122, %dma_wait3A_123] : memref<25x32x8x128xi32, #tpu.memory_space<hbm>> -> memref<1x1x8x128xi32, #tpu.memory_space<hbm>>
      %dma_wait3A_125 = tpu.memref_squeeze %dma_wait3A_124 : memref<1x1x8x128xi32, #tpu.memory_space<hbm>> -> memref<8x128xi32, #tpu.memory_space<hbm>>
      %dma_wait3A_126 = arith.constant 0 : i32
      %dma_wait3A_127 = arith.constant 0 : i32
      %dma_wait3A_128 = tpu.memref_slice %arg5[%run_scoped3A_17, %dma_wait3A_126, %dma_wait3A_127] : memref<25x8x128xi32, #tpu.memory_space<vmem>> -> memref<1x8x128xi32, #tpu.memory_space<vmem>>
      %dma_wait3A_129 = tpu.memref_squeeze %dma_wait3A_128 : memref<1x8x128xi32, #tpu.memory_space<vmem>> -> memref<8x128xi32, #tpu.memory_space<vmem>>
      %dma_wait3A_130 = arith.constant 0 : i32
      %dma_wait3A_131 = arith.constant 0 : i32
      %dma_wait3A_132 = tpu.memref_slice %arg2[%run_scoped3A_16, %add3A, %dma_wait3A_130, %dma_wait3A_131] : memref<25x32x8x128xi32, #tpu.memory_space<hbm>> -> memref<1x1x8x128xi32, #tpu.memory_space<hbm>>
      %dma_wait3A_133 = tpu.memref_squeeze %dma_wait3A_132 : memref<1x1x8x128xi32, #tpu.memory_space<hbm>> -> memref<8x128xi32, #tpu.memory_space<hbm>>
      tpu.wait_dma2 semaphore(%run_scoped3A_102 : memref<!tpu.dma_semaphore, #tpu.memory_space<semaphore_mem>>) src(%dma_wait3A_133 : memref<8x128xi32, #tpu.memory_space<hbm>>) dst(%dma_wait3A_129 : memref<8x128xi32, #tpu.memory_space<vmem>>)
      tpu.yield
    }) : () -> ()
    %run_scoped3A_18 = arith.constant 9 : i32
    %run_scoped3A_19 = arith.constant 9 : i32
    "tpu.region"() ({
      %run_scoped3A_102 = tpu.sem_alloc : memref<!tpu.dma_semaphore, #tpu.memory_space<semaphore_mem>>
      %dma_start3A = arith.constant 0 : i32
      %dma_start3A_103 = arith.constant 0 : i32
      %dma_start3A_104 = tpu.memref_slice %arg5[%run_scoped3A_19, %dma_start3A, %dma_start3A_103] : memref<25x8x128xi32, #tpu.memory_space<vmem>> -> memref<1x8x128xi32, #tpu.memory_space<vmem>>
      %dma_start3A_105 = tpu.memref_squeeze %dma_start3A_104 : memref<1x8x128xi32, #tpu.memory_space<vmem>> -> memref<8x128xi32, #tpu.memory_space<vmem>>
      %dma_start3A_106 = arith.constant 0 : i32
      %dma_start3A_107 = arith.constant 0 : i32
      %dma_start3A_108 = tpu.memref_slice %arg2[%run_scoped3A_18, %add3A, %dma_start3A_106, %dma_start3A_107] : memref<25x32x8x128xi32, #tpu.memory_space<hbm>> -> memref<1x1x8x128xi32, #tpu.memory_space<hbm>>
      %dma_start3A_109 = tpu.memref_squeeze %dma_start3A_108 : memref<1x1x8x128xi32, #tpu.memory_space<hbm>> -> memref<8x128xi32, #tpu.memory_space<hbm>>
      %dma_start3A_110 = arith.constant 0 : i32
      %dma_start3A_111 = arith.constant 0 : i32
      %dma_start3A_112 = tpu.memref_slice %arg5[%run_scoped3A_19, %dma_start3A_110, %dma_start3A_111] : memref<25x8x128xi32, #tpu.memory_space<vmem>> -> memref<1x8x128xi32, #tpu.memory_space<vmem>>
      %dma_start3A_113 = tpu.memref_squeeze %dma_start3A_112 : memref<1x8x128xi32, #tpu.memory_space<vmem>> -> memref<8x128xi32, #tpu.memory_space<vmem>>
      %dma_start3A_114 = arith.constant 0 : i32
      %dma_start3A_115 = arith.constant 0 : i32
      %dma_start3A_116 = tpu.memref_slice %arg2[%run_scoped3A_18, %add3A, %dma_start3A_114, %dma_start3A_115] : memref<25x32x8x128xi32, #tpu.memory_space<hbm>> -> memref<1x1x8x128xi32, #tpu.memory_space<hbm>>
      %dma_start3A_117 = tpu.memref_squeeze %dma_start3A_116 : memref<1x1x8x128xi32, #tpu.memory_space<hbm>> -> memref<8x128xi32, #tpu.memory_space<hbm>>
      tpu.enqueue_dma source(%dma_start3A_117 : memref<8x128xi32, #tpu.memory_space<hbm>>) target(%dma_start3A_113 : memref<8x128xi32, #tpu.memory_space<vmem>>) target_semaphore(%run_scoped3A_102 : memref<!tpu.dma_semaphore, #tpu.memory_space<semaphore_mem>>)
      %dma_wait3A_118 = arith.constant 0 : i32
      %dma_wait3A_119 = arith.constant 0 : i32
      %dma_wait3A_120 = tpu.memref_slice %arg5[%run_scoped3A_19, %dma_wait3A_118, %dma_wait3A_119] : memref<25x8x128xi32, #tpu.memory_space<vmem>> -> memref<1x8x128xi32, #tpu.memory_space<vmem>>
      %dma_wait3A_121 = tpu.memref_squeeze %dma_wait3A_120 : memref<1x8x128xi32, #tpu.memory_space<vmem>> -> memref<8x128xi32, #tpu.memory_space<vmem>>
      %dma_wait3A_122 = arith.constant 0 : i32
      %dma_wait3A_123 = arith.constant 0 : i32
      %dma_wait3A_124 = tpu.memref_slice %arg2[%run_scoped3A_18, %add3A, %dma_wait3A_122, %dma_wait3A_123] : memref<25x32x8x128xi32, #tpu.memory_space<hbm>> -> memref<1x1x8x128xi32, #tpu.memory_space<hbm>>
      %dma_wait3A_125 = tpu.memref_squeeze %dma_wait3A_124 : memref<1x1x8x128xi32, #tpu.memory_space<hbm>> -> memref<8x128xi32, #tpu.memory_space<hbm>>
      %dma_wait3A_126 = arith.constant 0 : i32
      %dma_wait3A_127 = arith.constant 0 : i32
      %dma_wait3A_128 = tpu.memref_slice %arg5[%run_scoped3A_19, %dma_wait3A_126, %dma_wait3A_127] : memref<25x8x128xi32, #tpu.memory_space<vmem>> -> memref<1x8x128xi32, #tpu.memory_space<vmem>>
      %dma_wait3A_129 = tpu.memref_squeeze %dma_wait3A_128 : memref<1x8x128xi32, #tpu.memory_space<vmem>> -> memref<8x128xi32, #tpu.memory_space<vmem>>
      %dma_wait3A_130 = arith.constant 0 : i32
      %dma_wait3A_131 = arith.constant 0 : i32
      %dma_wait3A_132 = tpu.memref_slice %arg2[%run_scoped3A_18, %add3A, %dma_wait3A_130, %dma_wait3A_131] : memref<25x32x8x128xi32, #tpu.memory_space<hbm>> -> memref<1x1x8x128xi32, #tpu.memory_space<hbm>>
      %dma_wait3A_133 = tpu.memref_squeeze %dma_wait3A_132 : memref<1x1x8x128xi32, #tpu.memory_space<hbm>> -> memref<8x128xi32, #tpu.memory_space<hbm>>
      tpu.wait_dma2 semaphore(%run_scoped3A_102 : memref<!tpu.dma_semaphore, #tpu.memory_space<semaphore_mem>>) src(%dma_wait3A_133 : memref<8x128xi32, #tpu.memory_space<hbm>>) dst(%dma_wait3A_129 : memref<8x128xi32, #tpu.memory_space<vmem>>)
      tpu.yield
    }) : () -> ()
    %run_scoped3A_20 = arith.constant 10 : i32
    %run_scoped3A_21 = arith.constant 10 : i32
    "tpu.region"() ({
      %run_scoped3A_102 = tpu.sem_alloc : memref<!tpu.dma_semaphore, #tpu.memory_space<semaphore_mem>>
      %dma_start3A = arith.constant 0 : i32
      %dma_start3A_103 = arith.constant 0 : i32
      %dma_start3A_104 = tpu.memref_slice %arg5[%run_scoped3A_21, %dma_start3A, %dma_start3A_103] : memref<25x8x128xi32, #tpu.memory_space<vmem>> -> memref<1x8x128xi32, #tpu.memory_space<vmem>>
      %dma_start3A_105 = tpu.memref_squeeze %dma_start3A_104 : memref<1x8x128xi32, #tpu.memory_space<vmem>> -> memref<8x128xi32, #tpu.memory_space<vmem>>
      %dma_start3A_106 = arith.constant 0 : i32
      %dma_start3A_107 = arith.constant 0 : i32
      %dma_start3A_108 = tpu.memref_slice %arg2[%run_scoped3A_20, %add3A, %dma_start3A_106, %dma_start3A_107] : memref<25x32x8x128xi32, #tpu.memory_space<hbm>> -> memref<1x1x8x128xi32, #tpu.memory_space<hbm>>
      %dma_start3A_109 = tpu.memref_squeeze %dma_start3A_108 : memref<1x1x8x128xi32, #tpu.memory_space<hbm>> -> memref<8x128xi32, #tpu.memory_space<hbm>>
      %dma_start3A_110 = arith.constant 0 : i32
      %dma_start3A_111 = arith.constant 0 : i32
      %dma_start3A_112 = tpu.memref_slice %arg5[%run_scoped3A_21, %dma_start3A_110, %dma_start3A_111] : memref<25x8x128xi32, #tpu.memory_space<vmem>> -> memref<1x8x128xi32, #tpu.memory_space<vmem>>
      %dma_start3A_113 = tpu.memref_squeeze %dma_start3A_112 : memref<1x8x128xi32, #tpu.memory_space<vmem>> -> memref<8x128xi32, #tpu.memory_space<vmem>>
      %dma_start3A_114 = arith.constant 0 : i32
      %dma_start3A_115 = arith.constant 0 : i32
      %dma_start3A_116 = tpu.memref_slice %arg2[%run_scoped3A_20, %add3A, %dma_start3A_114, %dma_start3A_115] : memref<25x32x8x128xi32, #tpu.memory_space<hbm>> -> memref<1x1x8x128xi32, #tpu.memory_space<hbm>>
      %dma_start3A_117 = tpu.memref_squeeze %dma_start3A_116 : memref<1x1x8x128xi32, #tpu.memory_space<hbm>> -> memref<8x128xi32, #tpu.memory_space<hbm>>
      tpu.enqueue_dma source(%dma_start3A_117 : memref<8x128xi32, #tpu.memory_space<hbm>>) target(%dma_start3A_113 : memref<8x128xi32, #tpu.memory_space<vmem>>) target_semaphore(%run_scoped3A_102 : memref<!tpu.dma_semaphore, #tpu.memory_space<semaphore_mem>>)
      %dma_wait3A_118 = arith.constant 0 : i32
      %dma_wait3A_119 = arith.constant 0 : i32
      %dma_wait3A_120 = tpu.memref_slice %arg5[%run_scoped3A_21, %dma_wait3A_118, %dma_wait3A_119] : memref<25x8x128xi32, #tpu.memory_space<vmem>> -> memref<1x8x128xi32, #tpu.memory_space<vmem>>
      %dma_wait3A_121 = tpu.memref_squeeze %dma_wait3A_120 : memref<1x8x128xi32, #tpu.memory_space<vmem>> -> memref<8x128xi32, #tpu.memory_space<vmem>>
      %dma_wait3A_122 = arith.constant 0 : i32
      %dma_wait3A_123 = arith.constant 0 : i32
      %dma_wait3A_124 = tpu.memref_slice %arg2[%run_scoped3A_20, %add3A, %dma_wait3A_122, %dma_wait3A_123] : memref<25x32x8x128xi32, #tpu.memory_space<hbm>> -> memref<1x1x8x128xi32, #tpu.memory_space<hbm>>
      %dma_wait3A_125 = tpu.memref_squeeze %dma_wait3A_124 : memref<1x1x8x128xi32, #tpu.memory_space<hbm>> -> memref<8x128xi32, #tpu.memory_space<hbm>>
      %dma_wait3A_126 = arith.constant 0 : i32
      %dma_wait3A_127 = arith.constant 0 : i32
      %dma_wait3A_128 = tpu.memref_slice %arg5[%run_scoped3A_21, %dma_wait3A_126, %dma_wait3A_127] : memref<25x8x128xi32, #tpu.memory_space<vmem>> -> memref<1x8x128xi32, #tpu.memory_space<vmem>>
      %dma_wait3A_129 = tpu.memref_squeeze %dma_wait3A_128 : memref<1x8x128xi32, #tpu.memory_space<vmem>> -> memref<8x128xi32, #tpu.memory_space<vmem>>
      %dma_wait3A_130 = arith.constant 0 : i32
      %dma_wait3A_131 = arith.constant 0 : i32
      %dma_wait3A_132 = tpu.memref_slice %arg2[%run_scoped3A_20, %add3A, %dma_wait3A_130, %dma_wait3A_131] : memref<25x32x8x128xi32, #tpu.memory_space<hbm>> -> memref<1x1x8x128xi32, #tpu.memory_space<hbm>>
      %dma_wait3A_133 = tpu.memref_squeeze %dma_wait3A_132 : memref<1x1x8x128xi32, #tpu.memory_space<hbm>> -> memref<8x128xi32, #tpu.memory_space<hbm>>
      tpu.wait_dma2 semaphore(%run_scoped3A_102 : memref<!tpu.dma_semaphore, #tpu.memory_space<semaphore_mem>>) src(%dma_wait3A_133 : memref<8x128xi32, #tpu.memory_space<hbm>>) dst(%dma_wait3A_129 : memref<8x128xi32, #tpu.memory_space<vmem>>)
      tpu.yield
    }) : () -> ()
    %run_scoped3A_22 = arith.constant 11 : i32
    %run_scoped3A_23 = arith.constant 11 : i32
    "tpu.region"() ({
      %run_scoped3A_102 = tpu.sem_alloc : memref<!tpu.dma_semaphore, #tpu.memory_space<semaphore_mem>>
      %dma_start3A = arith.constant 0 : i32
      %dma_start3A_103 = arith.constant 0 : i32
      %dma_start3A_104 = tpu.memref_slice %arg5[%run_scoped3A_23, %dma_start3A, %dma_start3A_103] : memref<25x8x128xi32, #tpu.memory_space<vmem>> -> memref<1x8x128xi32, #tpu.memory_space<vmem>>
      %dma_start3A_105 = tpu.memref_squeeze %dma_start3A_104 : memref<1x8x128xi32, #tpu.memory_space<vmem>> -> memref<8x128xi32, #tpu.memory_space<vmem>>
      %dma_start3A_106 = arith.constant 0 : i32
      %dma_start3A_107 = arith.constant 0 : i32
      %dma_start3A_108 = tpu.memref_slice %arg2[%run_scoped3A_22, %add3A, %dma_start3A_106, %dma_start3A_107] : memref<25x32x8x128xi32, #tpu.memory_space<hbm>> -> memref<1x1x8x128xi32, #tpu.memory_space<hbm>>
      %dma_start3A_109 = tpu.memref_squeeze %dma_start3A_108 : memref<1x1x8x128xi32, #tpu.memory_space<hbm>> -> memref<8x128xi32, #tpu.memory_space<hbm>>
      %dma_start3A_110 = arith.constant 0 : i32
      %dma_start3A_111 = arith.constant 0 : i32
      %dma_start3A_112 = tpu.memref_slice %arg5[%run_scoped3A_23, %dma_start3A_110, %dma_start3A_111] : memref<25x8x128xi32, #tpu.memory_space<vmem>> -> memref<1x8x128xi32, #tpu.memory_space<vmem>>
      %dma_start3A_113 = tpu.memref_squeeze %dma_start3A_112 : memref<1x8x128xi32, #tpu.memory_space<vmem>> -> memref<8x128xi32, #tpu.memory_space<vmem>>
      %dma_start3A_114 = arith.constant 0 : i32
      %dma_start3A_115 = arith.constant 0 : i32
      %dma_start3A_116 = tpu.memref_slice %arg2[%run_scoped3A_22, %add3A, %dma_start3A_114, %dma_start3A_115] : memref<25x32x8x128xi32, #tpu.memory_space<hbm>> -> memref<1x1x8x128xi32, #tpu.memory_space<hbm>>
      %dma_start3A_117 = tpu.memref_squeeze %dma_start3A_116 : memref<1x1x8x128xi32, #tpu.memory_space<hbm>> -> memref<8x128xi32, #tpu.memory_space<hbm>>
      tpu.enqueue_dma source(%dma_start3A_117 : memref<8x128xi32, #tpu.memory_space<hbm>>) target(%dma_start3A_113 : memref<8x128xi32, #tpu.memory_space<vmem>>) target_semaphore(%run_scoped3A_102 : memref<!tpu.dma_semaphore, #tpu.memory_space<semaphore_mem>>)
      %dma_wait3A_118 = arith.constant 0 : i32
      %dma_wait3A_119 = arith.constant 0 : i32
      %dma_wait3A_120 = tpu.memref_slice %arg5[%run_scoped3A_23, %dma_wait3A_118, %dma_wait3A_119] : memref<25x8x128xi32, #tpu.memory_space<vmem>> -> memref<1x8x128xi32, #tpu.memory_space<vmem>>
      %dma_wait3A_121 = tpu.memref_squeeze %dma_wait3A_120 : memref<1x8x128xi32, #tpu.memory_space<vmem>> -> memref<8x128xi32, #tpu.memory_space<vmem>>
      %dma_wait3A_122 = arith.constant 0 : i32
      %dma_wait3A_123 = arith.constant 0 : i32
      %dma_wait3A_124 = tpu.memref_slice %arg2[%run_scoped3A_22, %add3A, %dma_wait3A_122, %dma_wait3A_123] : memref<25x32x8x128xi32, #tpu.memory_space<hbm>> -> memref<1x1x8x128xi32, #tpu.memory_space<hbm>>
      %dma_wait3A_125 = tpu.memref_squeeze %dma_wait3A_124 : memref<1x1x8x128xi32, #tpu.memory_space<hbm>> -> memref<8x128xi32, #tpu.memory_space<hbm>>
      %dma_wait3A_126 = arith.constant 0 : i32
      %dma_wait3A_127 = arith.constant 0 : i32
      %dma_wait3A_128 = tpu.memref_slice %arg5[%run_scoped3A_23, %dma_wait3A_126, %dma_wait3A_127] : memref<25x8x128xi32, #tpu.memory_space<vmem>> -> memref<1x8x128xi32, #tpu.memory_space<vmem>>
      %dma_wait3A_129 = tpu.memref_squeeze %dma_wait3A_128 : memref<1x8x128xi32, #tpu.memory_space<vmem>> -> memref<8x128xi32, #tpu.memory_space<vmem>>
      %dma_wait3A_130 = arith.constant 0 : i32
      %dma_wait3A_131 = arith.constant 0 : i32
      %dma_wait3A_132 = tpu.memref_slice %arg2[%run_scoped3A_22, %add3A, %dma_wait3A_130, %dma_wait3A_131] : memref<25x32x8x128xi32, #tpu.memory_space<hbm>> -> memref<1x1x8x128xi32, #tpu.memory_space<hbm>>
      %dma_wait3A_133 = tpu.memref_squeeze %dma_wait3A_132 : memref<1x1x8x128xi32, #tpu.memory_space<hbm>> -> memref<8x128xi32, #tpu.memory_space<hbm>>
      tpu.wait_dma2 semaphore(%run_scoped3A_102 : memref<!tpu.dma_semaphore, #tpu.memory_space<semaphore_mem>>) src(%dma_wait3A_133 : memref<8x128xi32, #tpu.memory_space<hbm>>) dst(%dma_wait3A_129 : memref<8x128xi32, #tpu.memory_space<vmem>>)
      tpu.yield
    }) : () -> ()
    %run_scoped3A_24 = arith.constant 12 : i32
    %run_scoped3A_25 = arith.constant 12 : i32
    "tpu.region"() ({
      %run_scoped3A_102 = tpu.sem_alloc : memref<!tpu.dma_semaphore, #tpu.memory_space<semaphore_mem>>
      %dma_start3A = arith.constant 0 : i32
      %dma_start3A_103 = arith.constant 0 : i32
      %dma_start3A_104 = tpu.memref_slice %arg5[%run_scoped3A_25, %dma_start3A, %dma_start3A_103] : memref<25x8x128xi32, #tpu.memory_space<vmem>> -> memref<1x8x128xi32, #tpu.memory_space<vmem>>
      %dma_start3A_105 = tpu.memref_squeeze %dma_start3A_104 : memref<1x8x128xi32, #tpu.memory_space<vmem>> -> memref<8x128xi32, #tpu.memory_space<vmem>>
      %dma_start3A_106 = arith.constant 0 : i32
      %dma_start3A_107 = arith.constant 0 : i32
      %dma_start3A_108 = tpu.memref_slice %arg2[%run_scoped3A_24, %add3A, %dma_start3A_106, %dma_start3A_107] : memref<25x32x8x128xi32, #tpu.memory_space<hbm>> -> memref<1x1x8x128xi32, #tpu.memory_space<hbm>>
      %dma_start3A_109 = tpu.memref_squeeze %dma_start3A_108 : memref<1x1x8x128xi32, #tpu.memory_space<hbm>> -> memref<8x128xi32, #tpu.memory_space<hbm>>
      %dma_start3A_110 = arith.constant 0 : i32
      %dma_start3A_111 = arith.constant 0 : i32
      %dma_start3A_112 = tpu.memref_slice %arg5[%run_scoped3A_25, %dma_start3A_110, %dma_start3A_111] : memref<25x8x128xi32, #tpu.memory_space<vmem>> -> memref<1x8x128xi32, #tpu.memory_space<vmem>>
      %dma_start3A_113 = tpu.memref_squeeze %dma_start3A_112 : memref<1x8x128xi32, #tpu.memory_space<vmem>> -> memref<8x128xi32, #tpu.memory_space<vmem>>
      %dma_start3A_114 = arith.constant 0 : i32
      %dma_start3A_115 = arith.constant 0 : i32
      %dma_start3A_116 = tpu.memref_slice %arg2[%run_scoped3A_24, %add3A, %dma_start3A_114, %dma_start3A_115] : memref<25x32x8x128xi32, #tpu.memory_space<hbm>> -> memref<1x1x8x128xi32, #tpu.memory_space<hbm>>
      %dma_start3A_117 = tpu.memref_squeeze %dma_start3A_116 : memref<1x1x8x128xi32, #tpu.memory_space<hbm>> -> memref<8x128xi32, #tpu.memory_space<hbm>>
      tpu.enqueue_dma source(%dma_start3A_117 : memref<8x128xi32, #tpu.memory_space<hbm>>) target(%dma_start3A_113 : memref<8x128xi32, #tpu.memory_space<vmem>>) target_semaphore(%run_scoped3A_102 : memref<!tpu.dma_semaphore, #tpu.memory_space<semaphore_mem>>)
      %dma_wait3A_118 = arith.constant 0 : i32
      %dma_wait3A_119 = arith.constant 0 : i32
      %dma_wait3A_120 = tpu.memref_slice %arg5[%run_scoped3A_25, %dma_wait3A_118, %dma_wait3A_119] : memref<25x8x128xi32, #tpu.memory_space<vmem>> -> memref<1x8x128xi32, #tpu.memory_space<vmem>>
      %dma_wait3A_121 = tpu.memref_squeeze %dma_wait3A_120 : memref<1x8x128xi32, #tpu.memory_space<vmem>> -> memref<8x128xi32, #tpu.memory_space<vmem>>
      %dma_wait3A_122 = arith.constant 0 : i32
      %dma_wait3A_123 = arith.constant 0 : i32
      %dma_wait3A_124 = tpu.memref_slice %arg2[%run_scoped3A_24, %add3A, %dma_wait3A_122, %dma_wait3A_123] : memref<25x32x8x128xi32, #tpu.memory_space<hbm>> -> memref<1x1x8x128xi32, #tpu.memory_space<hbm>>
      %dma_wait3A_125 = tpu.memref_squeeze %dma_wait3A_124 : memref<1x1x8x128xi32, #tpu.memory_space<hbm>> -> memref<8x128xi32, #tpu.memory_space<hbm>>
      %dma_wait3A_126 = arith.constant 0 : i32
      %dma_wait3A_127 = arith.constant 0 : i32
      %dma_wait3A_128 = tpu.memref_slice %arg5[%run_scoped3A_25, %dma_wait3A_126, %dma_wait3A_127] : memref<25x8x128xi32, #tpu.memory_space<vmem>> -> memref<1x8x128xi32, #tpu.memory_space<vmem>>
      %dma_wait3A_129 = tpu.memref_squeeze %dma_wait3A_128 : memref<1x8x128xi32, #tpu.memory_space<vmem>> -> memref<8x128xi32, #tpu.memory_space<vmem>>
      %dma_wait3A_130 = arith.constant 0 : i32
      %dma_wait3A_131 = arith.constant 0 : i32
      %dma_wait3A_132 = tpu.memref_slice %arg2[%run_scoped3A_24, %add3A, %dma_wait3A_130, %dma_wait3A_131] : memref<25x32x8x128xi32, #tpu.memory_space<hbm>> -> memref<1x1x8x128xi32, #tpu.memory_space<hbm>>
      %dma_wait3A_133 = tpu.memref_squeeze %dma_wait3A_132 : memref<1x1x8x128xi32, #tpu.memory_space<hbm>> -> memref<8x128xi32, #tpu.memory_space<hbm>>
      tpu.wait_dma2 semaphore(%run_scoped3A_102 : memref<!tpu.dma_semaphore, #tpu.memory_space<semaphore_mem>>) src(%dma_wait3A_133 : memref<8x128xi32, #tpu.memory_space<hbm>>) dst(%dma_wait3A_129 : memref<8x128xi32, #tpu.memory_space<vmem>>)
      tpu.yield
    }) : () -> ()
    %run_scoped3A_26 = arith.constant 13 : i32
    %run_scoped3A_27 = arith.constant 13 : i32
    "tpu.region"() ({
      %run_scoped3A_102 = tpu.sem_alloc : memref<!tpu.dma_semaphore, #tpu.memory_space<semaphore_mem>>
      %dma_start3A = arith.constant 0 : i32
      %dma_start3A_103 = arith.constant 0 : i32
      %dma_start3A_104 = tpu.memref_slice %arg5[%run_scoped3A_27, %dma_start3A, %dma_start3A_103] : memref<25x8x128xi32, #tpu.memory_space<vmem>> -> memref<1x8x128xi32, #tpu.memory_space<vmem>>
      %dma_start3A_105 = tpu.memref_squeeze %dma_start3A_104 : memref<1x8x128xi32, #tpu.memory_space<vmem>> -> memref<8x128xi32, #tpu.memory_space<vmem>>
      %dma_start3A_106 = arith.constant 0 : i32
      %dma_start3A_107 = arith.constant 0 : i32
      %dma_start3A_108 = tpu.memref_slice %arg2[%run_scoped3A_26, %add3A, %dma_start3A_106, %dma_start3A_107] : memref<25x32x8x128xi32, #tpu.memory_space<hbm>> -> memref<1x1x8x128xi32, #tpu.memory_space<hbm>>
      %dma_start3A_109 = tpu.memref_squeeze %dma_start3A_108 : memref<1x1x8x128xi32, #tpu.memory_space<hbm>> -> memref<8x128xi32, #tpu.memory_space<hbm>>
      %dma_start3A_110 = arith.constant 0 : i32
      %dma_start3A_111 = arith.constant 0 : i32
      %dma_start3A_112 = tpu.memref_slice %arg5[%run_scoped3A_27, %dma_start3A_110, %dma_start3A_111] : memref<25x8x128xi32, #tpu.memory_space<vmem>> -> memref<1x8x128xi32, #tpu.memory_space<vmem>>
      %dma_start3A_113 = tpu.memref_squeeze %dma_start3A_112 : memref<1x8x128xi32, #tpu.memory_space<vmem>> -> memref<8x128xi32, #tpu.memory_space<vmem>>
      %dma_start3A_114 = arith.constant 0 : i32
      %dma_start3A_115 = arith.constant 0 : i32
      %dma_start3A_116 = tpu.memref_slice %arg2[%run_scoped3A_26, %add3A, %dma_start3A_114, %dma_start3A_115] : memref<25x32x8x128xi32, #tpu.memory_space<hbm>> -> memref<1x1x8x128xi32, #tpu.memory_space<hbm>>
      %dma_start3A_117 = tpu.memref_squeeze %dma_start3A_116 : memref<1x1x8x128xi32, #tpu.memory_space<hbm>> -> memref<8x128xi32, #tpu.memory_space<hbm>>
      tpu.enqueue_dma source(%dma_start3A_117 : memref<8x128xi32, #tpu.memory_space<hbm>>) target(%dma_start3A_113 : memref<8x128xi32, #tpu.memory_space<vmem>>) target_semaphore(%run_scoped3A_102 : memref<!tpu.dma_semaphore, #tpu.memory_space<semaphore_mem>>)
      %dma_wait3A_118 = arith.constant 0 : i32
      %dma_wait3A_119 = arith.constant 0 : i32
      %dma_wait3A_120 = tpu.memref_slice %arg5[%run_scoped3A_27, %dma_wait3A_118, %dma_wait3A_119] : memref<25x8x128xi32, #tpu.memory_space<vmem>> -> memref<1x8x128xi32, #tpu.memory_space<vmem>>
      %dma_wait3A_121 = tpu.memref_squeeze %dma_wait3A_120 : memref<1x8x128xi32, #tpu.memory_space<vmem>> -> memref<8x128xi32, #tpu.memory_space<vmem>>
      %dma_wait3A_122 = arith.constant 0 : i32
      %dma_wait3A_123 = arith.constant 0 : i32
      %dma_wait3A_124 = tpu.memref_slice %arg2[%run_scoped3A_26, %add3A, %dma_wait3A_122, %dma_wait3A_123] : memref<25x32x8x128xi32, #tpu.memory_space<hbm>> -> memref<1x1x8x128xi32, #tpu.memory_space<hbm>>
      %dma_wait3A_125 = tpu.memref_squeeze %dma_wait3A_124 : memref<1x1x8x128xi32, #tpu.memory_space<hbm>> -> memref<8x128xi32, #tpu.memory_space<hbm>>
      %dma_wait3A_126 = arith.constant 0 : i32
      %dma_wait3A_127 = arith.constant 0 : i32
      %dma_wait3A_128 = tpu.memref_slice %arg5[%run_scoped3A_27, %dma_wait3A_126, %dma_wait3A_127] : memref<25x8x128xi32, #tpu.memory_space<vmem>> -> memref<1x8x128xi32, #tpu.memory_space<vmem>>
      %dma_wait3A_129 = tpu.memref_squeeze %dma_wait3A_128 : memref<1x8x128xi32, #tpu.memory_space<vmem>> -> memref<8x128xi32, #tpu.memory_space<vmem>>
      %dma_wait3A_130 = arith.constant 0 : i32
      %dma_wait3A_131 = arith.constant 0 : i32
      %dma_wait3A_132 = tpu.memref_slice %arg2[%run_scoped3A_26, %add3A, %dma_wait3A_130, %dma_wait3A_131] : memref<25x32x8x128xi32, #tpu.memory_space<hbm>> -> memref<1x1x8x128xi32, #tpu.memory_space<hbm>>
      %dma_wait3A_133 = tpu.memref_squeeze %dma_wait3A_132 : memref<1x1x8x128xi32, #tpu.memory_space<hbm>> -> memref<8x128xi32, #tpu.memory_space<hbm>>
      tpu.wait_dma2 semaphore(%run_scoped3A_102 : memref<!tpu.dma_semaphore, #tpu.memory_space<semaphore_mem>>) src(%dma_wait3A_133 : memref<8x128xi32, #tpu.memory_space<hbm>>) dst(%dma_wait3A_129 : memref<8x128xi32, #tpu.memory_space<vmem>>)
      tpu.yield
    }) : () -> ()
    %run_scoped3A_28 = arith.constant 14 : i32
    %run_scoped3A_29 = arith.constant 14 : i32
    "tpu.region"() ({
      %run_scoped3A_102 = tpu.sem_alloc : memref<!tpu.dma_semaphore, #tpu.memory_space<semaphore_mem>>
      %dma_start3A = arith.constant 0 : i32
      %dma_start3A_103 = arith.constant 0 : i32
      %dma_start3A_104 = tpu.memref_slice %arg5[%run_scoped3A_29, %dma_start3A, %dma_start3A_103] : memref<25x8x128xi32, #tpu.memory_space<vmem>> -> memref<1x8x128xi32, #tpu.memory_space<vmem>>
      %dma_start3A_105 = tpu.memref_squeeze %dma_start3A_104 : memref<1x8x128xi32, #tpu.memory_space<vmem>> -> memref<8x128xi32, #tpu.memory_space<vmem>>
      %dma_start3A_106 = arith.constant 0 : i32
      %dma_start3A_107 = arith.constant 0 : i32
      %dma_start3A_108 = tpu.memref_slice %arg2[%run_scoped3A_28, %add3A, %dma_start3A_106, %dma_start3A_107] : memref<25x32x8x128xi32, #tpu.memory_space<hbm>> -> memref<1x1x8x128xi32, #tpu.memory_space<hbm>>
      %dma_start3A_109 = tpu.memref_squeeze %dma_start3A_108 : memref<1x1x8x128xi32, #tpu.memory_space<hbm>> -> memref<8x128xi32, #tpu.memory_space<hbm>>
      %dma_start3A_110 = arith.constant 0 : i32
      %dma_start3A_111 = arith.constant 0 : i32
      %dma_start3A_112 = tpu.memref_slice %arg5[%run_scoped3A_29, %dma_start3A_110, %dma_start3A_111] : memref<25x8x128xi32, #tpu.memory_space<vmem>> -> memref<1x8x128xi32, #tpu.memory_space<vmem>>
      %dma_start3A_113 = tpu.memref_squeeze %dma_start3A_112 : memref<1x8x128xi32, #tpu.memory_space<vmem>> -> memref<8x128xi32, #tpu.memory_space<vmem>>
      %dma_start3A_114 = arith.constant 0 : i32
      %dma_start3A_115 = arith.constant 0 : i32
      %dma_start3A_116 = tpu.memref_slice %arg2[%run_scoped3A_28, %add3A, %dma_start3A_114, %dma_start3A_115] : memref<25x32x8x128xi32, #tpu.memory_space<hbm>> -> memref<1x1x8x128xi32, #tpu.memory_space<hbm>>
      %dma_start3A_117 = tpu.memref_squeeze %dma_start3A_116 : memref<1x1x8x128xi32, #tpu.memory_space<hbm>> -> memref<8x128xi32, #tpu.memory_space<hbm>>
      tpu.enqueue_dma source(%dma_start3A_117 : memref<8x128xi32, #tpu.memory_space<hbm>>) target(%dma_start3A_113 : memref<8x128xi32, #tpu.memory_space<vmem>>) target_semaphore(%run_scoped3A_102 : memref<!tpu.dma_semaphore, #tpu.memory_space<semaphore_mem>>)
      %dma_wait3A_118 = arith.constant 0 : i32
      %dma_wait3A_119 = arith.constant 0 : i32
      %dma_wait3A_120 = tpu.memref_slice %arg5[%run_scoped3A_29, %dma_wait3A_118, %dma_wait3A_119] : memref<25x8x128xi32, #tpu.memory_space<vmem>> -> memref<1x8x128xi32, #tpu.memory_space<vmem>>
      %dma_wait3A_121 = tpu.memref_squeeze %dma_wait3A_120 : memref<1x8x128xi32, #tpu.memory_space<vmem>> -> memref<8x128xi32, #tpu.memory_space<vmem>>
      %dma_wait3A_122 = arith.constant 0 : i32
      %dma_wait3A_123 = arith.constant 0 : i32
      %dma_wait3A_124 = tpu.memref_slice %arg2[%run_scoped3A_28, %add3A, %dma_wait3A_122, %dma_wait3A_123] : memref<25x32x8x128xi32, #tpu.memory_space<hbm>> -> memref<1x1x8x128xi32, #tpu.memory_space<hbm>>
      %dma_wait3A_125 = tpu.memref_squeeze %dma_wait3A_124 : memref<1x1x8x128xi32, #tpu.memory_space<hbm>> -> memref<8x128xi32, #tpu.memory_space<hbm>>
      %dma_wait3A_126 = arith.constant 0 : i32
      %dma_wait3A_127 = arith.constant 0 : i32
      %dma_wait3A_128 = tpu.memref_slice %arg5[%run_scoped3A_29, %dma_wait3A_126, %dma_wait3A_127] : memref<25x8x128xi32, #tpu.memory_space<vmem>> -> memref<1x8x128xi32, #tpu.memory_space<vmem>>
      %dma_wait3A_129 = tpu.memref_squeeze %dma_wait3A_128 : memref<1x8x128xi32, #tpu.memory_space<vmem>> -> memref<8x128xi32, #tpu.memory_space<vmem>>
      %dma_wait3A_130 = arith.constant 0 : i32
      %dma_wait3A_131 = arith.constant 0 : i32
      %dma_wait3A_132 = tpu.memref_slice %arg2[%run_scoped3A_28, %add3A, %dma_wait3A_130, %dma_wait3A_131] : memref<25x32x8x128xi32, #tpu.memory_space<hbm>> -> memref<1x1x8x128xi32, #tpu.memory_space<hbm>>
      %dma_wait3A_133 = tpu.memref_squeeze %dma_wait3A_132 : memref<1x1x8x128xi32, #tpu.memory_space<hbm>> -> memref<8x128xi32, #tpu.memory_space<hbm>>
      tpu.wait_dma2 semaphore(%run_scoped3A_102 : memref<!tpu.dma_semaphore, #tpu.memory_space<semaphore_mem>>) src(%dma_wait3A_133 : memref<8x128xi32, #tpu.memory_space<hbm>>) dst(%dma_wait3A_129 : memref<8x128xi32, #tpu.memory_space<vmem>>)
      tpu.yield
    }) : () -> ()
    %run_scoped3A_30 = arith.constant 15 : i32
    %run_scoped3A_31 = arith.constant 15 : i32
    "tpu.region"() ({
      %run_scoped3A_102 = tpu.sem_alloc : memref<!tpu.dma_semaphore, #tpu.memory_space<semaphore_mem>>
      %dma_start3A = arith.constant 0 : i32
      %dma_start3A_103 = arith.constant 0 : i32
      %dma_start3A_104 = tpu.memref_slice %arg5[%run_scoped3A_31, %dma_start3A, %dma_start3A_103] : memref<25x8x128xi32, #tpu.memory_space<vmem>> -> memref<1x8x128xi32, #tpu.memory_space<vmem>>
      %dma_start3A_105 = tpu.memref_squeeze %dma_start3A_104 : memref<1x8x128xi32, #tpu.memory_space<vmem>> -> memref<8x128xi32, #tpu.memory_space<vmem>>
      %dma_start3A_106 = arith.constant 0 : i32
      %dma_start3A_107 = arith.constant 0 : i32
      %dma_start3A_108 = tpu.memref_slice %arg2[%run_scoped3A_30, %add3A, %dma_start3A_106, %dma_start3A_107] : memref<25x32x8x128xi32, #tpu.memory_space<hbm>> -> memref<1x1x8x128xi32, #tpu.memory_space<hbm>>
      %dma_start3A_109 = tpu.memref_squeeze %dma_start3A_108 : memref<1x1x8x128xi32, #tpu.memory_space<hbm>> -> memref<8x128xi32, #tpu.memory_space<hbm>>
      %dma_start3A_110 = arith.constant 0 : i32
      %dma_start3A_111 = arith.constant 0 : i32
      %dma_start3A_112 = tpu.memref_slice %arg5[%run_scoped3A_31, %dma_start3A_110, %dma_start3A_111] : memref<25x8x128xi32, #tpu.memory_space<vmem>> -> memref<1x8x128xi32, #tpu.memory_space<vmem>>
      %dma_start3A_113 = tpu.memref_squeeze %dma_start3A_112 : memref<1x8x128xi32, #tpu.memory_space<vmem>> -> memref<8x128xi32, #tpu.memory_space<vmem>>
      %dma_start3A_114 = arith.constant 0 : i32
      %dma_start3A_115 = arith.constant 0 : i32
      %dma_start3A_116 = tpu.memref_slice %arg2[%run_scoped3A_30, %add3A, %dma_start3A_114, %dma_start3A_115] : memref<25x32x8x128xi32, #tpu.memory_space<hbm>> -> memref<1x1x8x128xi32, #tpu.memory_space<hbm>>
      %dma_start3A_117 = tpu.memref_squeeze %dma_start3A_116 : memref<1x1x8x128xi32, #tpu.memory_space<hbm>> -> memref<8x128xi32, #tpu.memory_space<hbm>>
      tpu.enqueue_dma source(%dma_start3A_117 : memref<8x128xi32, #tpu.memory_space<hbm>>) target(%dma_start3A_113 : memref<8x128xi32, #tpu.memory_space<vmem>>) target_semaphore(%run_scoped3A_102 : memref<!tpu.dma_semaphore, #tpu.memory_space<semaphore_mem>>)
      %dma_wait3A_118 = arith.constant 0 : i32
      %dma_wait3A_119 = arith.constant 0 : i32
      %dma_wait3A_120 = tpu.memref_slice %arg5[%run_scoped3A_31, %dma_wait3A_118, %dma_wait3A_119] : memref<25x8x128xi32, #tpu.memory_space<vmem>> -> memref<1x8x128xi32, #tpu.memory_space<vmem>>
      %dma_wait3A_121 = tpu.memref_squeeze %dma_wait3A_120 : memref<1x8x128xi32, #tpu.memory_space<vmem>> -> memref<8x128xi32, #tpu.memory_space<vmem>>
      %dma_wait3A_122 = arith.constant 0 : i32
      %dma_wait3A_123 = arith.constant 0 : i32
      %dma_wait3A_124 = tpu.memref_slice %arg2[%run_scoped3A_30, %add3A, %dma_wait3A_122, %dma_wait3A_123] : memref<25x32x8x128xi32, #tpu.memory_space<hbm>> -> memref<1x1x8x128xi32, #tpu.memory_space<hbm>>
      %dma_wait3A_125 = tpu.memref_squeeze %dma_wait3A_124 : memref<1x1x8x128xi32, #tpu.memory_space<hbm>> -> memref<8x128xi32, #tpu.memory_space<hbm>>
      %dma_wait3A_126 = arith.constant 0 : i32
      %dma_wait3A_127 = arith.constant 0 : i32
      %dma_wait3A_128 = tpu.memref_slice %arg5[%run_scoped3A_31, %dma_wait3A_126, %dma_wait3A_127] : memref<25x8x128xi32, #tpu.memory_space<vmem>> -> memref<1x8x128xi32, #tpu.memory_space<vmem>>
      %dma_wait3A_129 = tpu.memref_squeeze %dma_wait3A_128 : memref<1x8x128xi32, #tpu.memory_space<vmem>> -> memref<8x128xi32, #tpu.memory_space<vmem>>
      %dma_wait3A_130 = arith.constant 0 : i32
      %dma_wait3A_131 = arith.constant 0 : i32
      %dma_wait3A_132 = tpu.memref_slice %arg2[%run_scoped3A_30, %add3A, %dma_wait3A_130, %dma_wait3A_131] : memref<25x32x8x128xi32, #tpu.memory_space<hbm>> -> memref<1x1x8x128xi32, #tpu.memory_space<hbm>>
      %dma_wait3A_133 = tpu.memref_squeeze %dma_wait3A_132 : memref<1x1x8x128xi32, #tpu.memory_space<hbm>> -> memref<8x128xi32, #tpu.memory_space<hbm>>
      tpu.wait_dma2 semaphore(%run_scoped3A_102 : memref<!tpu.dma_semaphore, #tpu.memory_space<semaphore_mem>>) src(%dma_wait3A_133 : memref<8x128xi32, #tpu.memory_space<hbm>>) dst(%dma_wait3A_129 : memref<8x128xi32, #tpu.memory_space<vmem>>)
      tpu.yield
    }) : () -> ()
    %run_scoped3A_32 = arith.constant 16 : i32
    %run_scoped3A_33 = arith.constant 16 : i32
    "tpu.region"() ({
      %run_scoped3A_102 = tpu.sem_alloc : memref<!tpu.dma_semaphore, #tpu.memory_space<semaphore_mem>>
      %dma_start3A = arith.constant 0 : i32
      %dma_start3A_103 = arith.constant 0 : i32
      %dma_start3A_104 = tpu.memref_slice %arg5[%run_scoped3A_33, %dma_start3A, %dma_start3A_103] : memref<25x8x128xi32, #tpu.memory_space<vmem>> -> memref<1x8x128xi32, #tpu.memory_space<vmem>>
      %dma_start3A_105 = tpu.memref_squeeze %dma_start3A_104 : memref<1x8x128xi32, #tpu.memory_space<vmem>> -> memref<8x128xi32, #tpu.memory_space<vmem>>
      %dma_start3A_106 = arith.constant 0 : i32
      %dma_start3A_107 = arith.constant 0 : i32
      %dma_start3A_108 = tpu.memref_slice %arg2[%run_scoped3A_32, %add3A, %dma_start3A_106, %dma_start3A_107] : memref<25x32x8x128xi32, #tpu.memory_space<hbm>> -> memref<1x1x8x128xi32, #tpu.memory_space<hbm>>
      %dma_start3A_109 = tpu.memref_squeeze %dma_start3A_108 : memref<1x1x8x128xi32, #tpu.memory_space<hbm>> -> memref<8x128xi32, #tpu.memory_space<hbm>>
      %dma_start3A_110 = arith.constant 0 : i32
      %dma_start3A_111 = arith.constant 0 : i32
      %dma_start3A_112 = tpu.memref_slice %arg5[%run_scoped3A_33, %dma_start3A_110, %dma_start3A_111] : memref<25x8x128xi32, #tpu.memory_space<vmem>> -> memref<1x8x128xi32, #tpu.memory_space<vmem>>
      %dma_start3A_113 = tpu.memref_squeeze %dma_start3A_112 : memref<1x8x128xi32, #tpu.memory_space<vmem>> -> memref<8x128xi32, #tpu.memory_space<vmem>>
      %dma_start3A_114 = arith.constant 0 : i32
      %dma_start3A_115 = arith.constant 0 : i32
      %dma_start3A_116 = tpu.memref_slice %arg2[%run_scoped3A_32, %add3A, %dma_start3A_114, %dma_start3A_115] : memref<25x32x8x128xi32, #tpu.memory_space<hbm>> -> memref<1x1x8x128xi32, #tpu.memory_space<hbm>>
      %dma_start3A_117 = tpu.memref_squeeze %dma_start3A_116 : memref<1x1x8x128xi32, #tpu.memory_space<hbm>> -> memref<8x128xi32, #tpu.memory_space<hbm>>
      tpu.enqueue_dma source(%dma_start3A_117 : memref<8x128xi32, #tpu.memory_space<hbm>>) target(%dma_start3A_113 : memref<8x128xi32, #tpu.memory_space<vmem>>) target_semaphore(%run_scoped3A_102 : memref<!tpu.dma_semaphore, #tpu.memory_space<semaphore_mem>>)
      %dma_wait3A_118 = arith.constant 0 : i32
      %dma_wait3A_119 = arith.constant 0 : i32
      %dma_wait3A_120 = tpu.memref_slice %arg5[%run_scoped3A_33, %dma_wait3A_118, %dma_wait3A_119] : memref<25x8x128xi32, #tpu.memory_space<vmem>> -> memref<1x8x128xi32, #tpu.memory_space<vmem>>
      %dma_wait3A_121 = tpu.memref_squeeze %dma_wait3A_120 : memref<1x8x128xi32, #tpu.memory_space<vmem>> -> memref<8x128xi32, #tpu.memory_space<vmem>>
      %dma_wait3A_122 = arith.constant 0 : i32
      %dma_wait3A_123 = arith.constant 0 : i32
      %dma_wait3A_124 = tpu.memref_slice %arg2[%run_scoped3A_32, %add3A, %dma_wait3A_122, %dma_wait3A_123] : memref<25x32x8x128xi32, #tpu.memory_space<hbm>> -> memref<1x1x8x128xi32, #tpu.memory_space<hbm>>
      %dma_wait3A_125 = tpu.memref_squeeze %dma_wait3A_124 : memref<1x1x8x128xi32, #tpu.memory_space<hbm>> -> memref<8x128xi32, #tpu.memory_space<hbm>>
      %dma_wait3A_126 = arith.constant 0 : i32
      %dma_wait3A_127 = arith.constant 0 : i32
      %dma_wait3A_128 = tpu.memref_slice %arg5[%run_scoped3A_33, %dma_wait3A_126, %dma_wait3A_127] : memref<25x8x128xi32, #tpu.memory_space<vmem>> -> memref<1x8x128xi32, #tpu.memory_space<vmem>>
      %dma_wait3A_129 = tpu.memref_squeeze %dma_wait3A_128 : memref<1x8x128xi32, #tpu.memory_space<vmem>> -> memref<8x128xi32, #tpu.memory_space<vmem>>
      %dma_wait3A_130 = arith.constant 0 : i32
      %dma_wait3A_131 = arith.constant 0 : i32
      %dma_wait3A_132 = tpu.memref_slice %arg2[%run_scoped3A_32, %add3A, %dma_wait3A_130, %dma_wait3A_131] : memref<25x32x8x128xi32, #tpu.memory_space<hbm>> -> memref<1x1x8x128xi32, #tpu.memory_space<hbm>>
      %dma_wait3A_133 = tpu.memref_squeeze %dma_wait3A_132 : memref<1x1x8x128xi32, #tpu.memory_space<hbm>> -> memref<8x128xi32, #tpu.memory_space<hbm>>
      tpu.wait_dma2 semaphore(%run_scoped3A_102 : memref<!tpu.dma_semaphore, #tpu.memory_space<semaphore_mem>>) src(%dma_wait3A_133 : memref<8x128xi32, #tpu.memory_space<hbm>>) dst(%dma_wait3A_129 : memref<8x128xi32, #tpu.memory_space<vmem>>)
      tpu.yield
    }) : () -> ()
    %run_scoped3A_34 = arith.constant 17 : i32
    %run_scoped3A_35 = arith.constant 17 : i32
    "tpu.region"() ({
      %run_scoped3A_102 = tpu.sem_alloc : memref<!tpu.dma_semaphore, #tpu.memory_space<semaphore_mem>>
      %dma_start3A = arith.constant 0 : i32
      %dma_start3A_103 = arith.constant 0 : i32
      %dma_start3A_104 = tpu.memref_slice %arg5[%run_scoped3A_35, %dma_start3A, %dma_start3A_103] : memref<25x8x128xi32, #tpu.memory_space<vmem>> -> memref<1x8x128xi32, #tpu.memory_space<vmem>>
      %dma_start3A_105 = tpu.memref_squeeze %dma_start3A_104 : memref<1x8x128xi32, #tpu.memory_space<vmem>> -> memref<8x128xi32, #tpu.memory_space<vmem>>
      %dma_start3A_106 = arith.constant 0 : i32
      %dma_start3A_107 = arith.constant 0 : i32
      %dma_start3A_108 = tpu.memref_slice %arg2[%run_scoped3A_34, %add3A, %dma_start3A_106, %dma_start3A_107] : memref<25x32x8x128xi32, #tpu.memory_space<hbm>> -> memref<1x1x8x128xi32, #tpu.memory_space<hbm>>
      %dma_start3A_109 = tpu.memref_squeeze %dma_start3A_108 : memref<1x1x8x128xi32, #tpu.memory_space<hbm>> -> memref<8x128xi32, #tpu.memory_space<hbm>>
      %dma_start3A_110 = arith.constant 0 : i32
      %dma_start3A_111 = arith.constant 0 : i32
      %dma_start3A_112 = tpu.memref_slice %arg5[%run_scoped3A_35, %dma_start3A_110, %dma_start3A_111] : memref<25x8x128xi32, #tpu.memory_space<vmem>> -> memref<1x8x128xi32, #tpu.memory_space<vmem>>
      %dma_start3A_113 = tpu.memref_squeeze %dma_start3A_112 : memref<1x8x128xi32, #tpu.memory_space<vmem>> -> memref<8x128xi32, #tpu.memory_space<vmem>>
      %dma_start3A_114 = arith.constant 0 : i32
      %dma_start3A_115 = arith.constant 0 : i32
      %dma_start3A_116 = tpu.memref_slice %arg2[%run_scoped3A_34, %add3A, %dma_start3A_114, %dma_start3A_115] : memref<25x32x8x128xi32, #tpu.memory_space<hbm>> -> memref<1x1x8x128xi32, #tpu.memory_space<hbm>>
      %dma_start3A_117 = tpu.memref_squeeze %dma_start3A_116 : memref<1x1x8x128xi32, #tpu.memory_space<hbm>> -> memref<8x128xi32, #tpu.memory_space<hbm>>
      tpu.enqueue_dma source(%dma_start3A_117 : memref<8x128xi32, #tpu.memory_space<hbm>>) target(%dma_start3A_113 : memref<8x128xi32, #tpu.memory_space<vmem>>) target_semaphore(%run_scoped3A_102 : memref<!tpu.dma_semaphore, #tpu.memory_space<semaphore_mem>>)
      %dma_wait3A_118 = arith.constant 0 : i32
      %dma_wait3A_119 = arith.constant 0 : i32
      %dma_wait3A_120 = tpu.memref_slice %arg5[%run_scoped3A_35, %dma_wait3A_118, %dma_wait3A_119] : memref<25x8x128xi32, #tpu.memory_space<vmem>> -> memref<1x8x128xi32, #tpu.memory_space<vmem>>
      %dma_wait3A_121 = tpu.memref_squeeze %dma_wait3A_120 : memref<1x8x128xi32, #tpu.memory_space<vmem>> -> memref<8x128xi32, #tpu.memory_space<vmem>>
      %dma_wait3A_122 = arith.constant 0 : i32
      %dma_wait3A_123 = arith.constant 0 : i32
      %dma_wait3A_124 = tpu.memref_slice %arg2[%run_scoped3A_34, %add3A, %dma_wait3A_122, %dma_wait3A_123] : memref<25x32x8x128xi32, #tpu.memory_space<hbm>> -> memref<1x1x8x128xi32, #tpu.memory_space<hbm>>
      %dma_wait3A_125 = tpu.memref_squeeze %dma_wait3A_124 : memref<1x1x8x128xi32, #tpu.memory_space<hbm>> -> memref<8x128xi32, #tpu.memory_space<hbm>>
      %dma_wait3A_126 = arith.constant 0 : i32
      %dma_wait3A_127 = arith.constant 0 : i32
      %dma_wait3A_128 = tpu.memref_slice %arg5[%run_scoped3A_35, %dma_wait3A_126, %dma_wait3A_127] : memref<25x8x128xi32, #tpu.memory_space<vmem>> -> memref<1x8x128xi32, #tpu.memory_space<vmem>>
      %dma_wait3A_129 = tpu.memref_squeeze %dma_wait3A_128 : memref<1x8x128xi32, #tpu.memory_space<vmem>> -> memref<8x128xi32, #tpu.memory_space<vmem>>
      %dma_wait3A_130 = arith.constant 0 : i32
      %dma_wait3A_131 = arith.constant 0 : i32
      %dma_wait3A_132 = tpu.memref_slice %arg2[%run_scoped3A_34, %add3A, %dma_wait3A_130, %dma_wait3A_131] : memref<25x32x8x128xi32, #tpu.memory_space<hbm>> -> memref<1x1x8x128xi32, #tpu.memory_space<hbm>>
      %dma_wait3A_133 = tpu.memref_squeeze %dma_wait3A_132 : memref<1x1x8x128xi32, #tpu.memory_space<hbm>> -> memref<8x128xi32, #tpu.memory_space<hbm>>
      tpu.wait_dma2 semaphore(%run_scoped3A_102 : memref<!tpu.dma_semaphore, #tpu.memory_space<semaphore_mem>>) src(%dma_wait3A_133 : memref<8x128xi32, #tpu.memory_space<hbm>>) dst(%dma_wait3A_129 : memref<8x128xi32, #tpu.memory_space<vmem>>)
      tpu.yield
    }) : () -> ()
    %run_scoped3A_36 = arith.constant 18 : i32
    %run_scoped3A_37 = arith.constant 18 : i32
    "tpu.region"() ({
      %run_scoped3A_102 = tpu.sem_alloc : memref<!tpu.dma_semaphore, #tpu.memory_space<semaphore_mem>>
      %dma_start3A = arith.constant 0 : i32
      %dma_start3A_103 = arith.constant 0 : i32
      %dma_start3A_104 = tpu.memref_slice %arg5[%run_scoped3A_37, %dma_start3A, %dma_start3A_103] : memref<25x8x128xi32, #tpu.memory_space<vmem>> -> memref<1x8x128xi32, #tpu.memory_space<vmem>>
      %dma_start3A_105 = tpu.memref_squeeze %dma_start3A_104 : memref<1x8x128xi32, #tpu.memory_space<vmem>> -> memref<8x128xi32, #tpu.memory_space<vmem>>
      %dma_start3A_106 = arith.constant 0 : i32
      %dma_start3A_107 = arith.constant 0 : i32
      %dma_start3A_108 = tpu.memref_slice %arg2[%run_scoped3A_36, %add3A, %dma_start3A_106, %dma_start3A_107] : memref<25x32x8x128xi32, #tpu.memory_space<hbm>> -> memref<1x1x8x128xi32, #tpu.memory_space<hbm>>
      %dma_start3A_109 = tpu.memref_squeeze %dma_start3A_108 : memref<1x1x8x128xi32, #tpu.memory_space<hbm>> -> memref<8x128xi32, #tpu.memory_space<hbm>>
      %dma_start3A_110 = arith.constant 0 : i32
      %dma_start3A_111 = arith.constant 0 : i32
      %dma_start3A_112 = tpu.memref_slice %arg5[%run_scoped3A_37, %dma_start3A_110, %dma_start3A_111] : memref<25x8x128xi32, #tpu.memory_space<vmem>> -> memref<1x8x128xi32, #tpu.memory_space<vmem>>
      %dma_start3A_113 = tpu.memref_squeeze %dma_start3A_112 : memref<1x8x128xi32, #tpu.memory_space<vmem>> -> memref<8x128xi32, #tpu.memory_space<vmem>>
      %dma_start3A_114 = arith.constant 0 : i32
      %dma_start3A_115 = arith.constant 0 : i32
      %dma_start3A_116 = tpu.memref_slice %arg2[%run_scoped3A_36, %add3A, %dma_start3A_114, %dma_start3A_115] : memref<25x32x8x128xi32, #tpu.memory_space<hbm>> -> memref<1x1x8x128xi32, #tpu.memory_space<hbm>>
      %dma_start3A_117 = tpu.memref_squeeze %dma_start3A_116 : memref<1x1x8x128xi32, #tpu.memory_space<hbm>> -> memref<8x128xi32, #tpu.memory_space<hbm>>
      tpu.enqueue_dma source(%dma_start3A_117 : memref<8x128xi32, #tpu.memory_space<hbm>>) target(%dma_start3A_113 : memref<8x128xi32, #tpu.memory_space<vmem>>) target_semaphore(%run_scoped3A_102 : memref<!tpu.dma_semaphore, #tpu.memory_space<semaphore_mem>>)
      %dma_wait3A_118 = arith.constant 0 : i32
      %dma_wait3A_119 = arith.constant 0 : i32
      %dma_wait3A_120 = tpu.memref_slice %arg5[%run_scoped3A_37, %dma_wait3A_118, %dma_wait3A_119] : memref<25x8x128xi32, #tpu.memory_space<vmem>> -> memref<1x8x128xi32, #tpu.memory_space<vmem>>
      %dma_wait3A_121 = tpu.memref_squeeze %dma_wait3A_120 : memref<1x8x128xi32, #tpu.memory_space<vmem>> -> memref<8x128xi32, #tpu.memory_space<vmem>>
      %dma_wait3A_122 = arith.constant 0 : i32
      %dma_wait3A_123 = arith.constant 0 : i32
      %dma_wait3A_124 = tpu.memref_slice %arg2[%run_scoped3A_36, %add3A, %dma_wait3A_122, %dma_wait3A_123] : memref<25x32x8x128xi32, #tpu.memory_space<hbm>> -> memref<1x1x8x128xi32, #tpu.memory_space<hbm>>
      %dma_wait3A_125 = tpu.memref_squeeze %dma_wait3A_124 : memref<1x1x8x128xi32, #tpu.memory_space<hbm>> -> memref<8x128xi32, #tpu.memory_space<hbm>>
      %dma_wait3A_126 = arith.constant 0 : i32
      %dma_wait3A_127 = arith.constant 0 : i32
      %dma_wait3A_128 = tpu.memref_slice %arg5[%run_scoped3A_37, %dma_wait3A_126, %dma_wait3A_127] : memref<25x8x128xi32, #tpu.memory_space<vmem>> -> memref<1x8x128xi32, #tpu.memory_space<vmem>>
      %dma_wait3A_129 = tpu.memref_squeeze %dma_wait3A_128 : memref<1x8x128xi32, #tpu.memory_space<vmem>> -> memref<8x128xi32, #tpu.memory_space<vmem>>
      %dma_wait3A_130 = arith.constant 0 : i32
      %dma_wait3A_131 = arith.constant 0 : i32
      %dma_wait3A_132 = tpu.memref_slice %arg2[%run_scoped3A_36, %add3A, %dma_wait3A_130, %dma_wait3A_131] : memref<25x32x8x128xi32, #tpu.memory_space<hbm>> -> memref<1x1x8x128xi32, #tpu.memory_space<hbm>>
      %dma_wait3A_133 = tpu.memref_squeeze %dma_wait3A_132 : memref<1x1x8x128xi32, #tpu.memory_space<hbm>> -> memref<8x128xi32, #tpu.memory_space<hbm>>
      tpu.wait_dma2 semaphore(%run_scoped3A_102 : memref<!tpu.dma_semaphore, #tpu.memory_space<semaphore_mem>>) src(%dma_wait3A_133 : memref<8x128xi32, #tpu.memory_space<hbm>>) dst(%dma_wait3A_129 : memref<8x128xi32, #tpu.memory_space<vmem>>)
      tpu.yield
    }) : () -> ()
    %run_scoped3A_38 = arith.constant 19 : i32
    %run_scoped3A_39 = arith.constant 19 : i32
    "tpu.region"() ({
      %run_scoped3A_102 = tpu.sem_alloc : memref<!tpu.dma_semaphore, #tpu.memory_space<semaphore_mem>>
      %dma_start3A = arith.constant 0 : i32
      %dma_start3A_103 = arith.constant 0 : i32
      %dma_start3A_104 = tpu.memref_slice %arg5[%run_scoped3A_39, %dma_start3A, %dma_start3A_103] : memref<25x8x128xi32, #tpu.memory_space<vmem>> -> memref<1x8x128xi32, #tpu.memory_space<vmem>>
      %dma_start3A_105 = tpu.memref_squeeze %dma_start3A_104 : memref<1x8x128xi32, #tpu.memory_space<vmem>> -> memref<8x128xi32, #tpu.memory_space<vmem>>
      %dma_start3A_106 = arith.constant 0 : i32
      %dma_start3A_107 = arith.constant 0 : i32
      %dma_start3A_108 = tpu.memref_slice %arg2[%run_scoped3A_38, %add3A, %dma_start3A_106, %dma_start3A_107] : memref<25x32x8x128xi32, #tpu.memory_space<hbm>> -> memref<1x1x8x128xi32, #tpu.memory_space<hbm>>
      %dma_start3A_109 = tpu.memref_squeeze %dma_start3A_108 : memref<1x1x8x128xi32, #tpu.memory_space<hbm>> -> memref<8x128xi32, #tpu.memory_space<hbm>>
      %dma_start3A_110 = arith.constant 0 : i32
      %dma_start3A_111 = arith.constant 0 : i32
      %dma_start3A_112 = tpu.memref_slice %arg5[%run_scoped3A_39, %dma_start3A_110, %dma_start3A_111] : memref<25x8x128xi32, #tpu.memory_space<vmem>> -> memref<1x8x128xi32, #tpu.memory_space<vmem>>
      %dma_start3A_113 = tpu.memref_squeeze %dma_start3A_112 : memref<1x8x128xi32, #tpu.memory_space<vmem>> -> memref<8x128xi32, #tpu.memory_space<vmem>>
      %dma_start3A_114 = arith.constant 0 : i32
      %dma_start3A_115 = arith.constant 0 : i32
      %dma_start3A_116 = tpu.memref_slice %arg2[%run_scoped3A_38, %add3A, %dma_start3A_114, %dma_start3A_115] : memref<25x32x8x128xi32, #tpu.memory_space<hbm>> -> memref<1x1x8x128xi32, #tpu.memory_space<hbm>>
      %dma_start3A_117 = tpu.memref_squeeze %dma_start3A_116 : memref<1x1x8x128xi32, #tpu.memory_space<hbm>> -> memref<8x128xi32, #tpu.memory_space<hbm>>
      tpu.enqueue_dma source(%dma_start3A_117 : memref<8x128xi32, #tpu.memory_space<hbm>>) target(%dma_start3A_113 : memref<8x128xi32, #tpu.memory_space<vmem>>) target_semaphore(%run_scoped3A_102 : memref<!tpu.dma_semaphore, #tpu.memory_space<semaphore_mem>>)
      %dma_wait3A_118 = arith.constant 0 : i32
      %dma_wait3A_119 = arith.constant 0 : i32
      %dma_wait3A_120 = tpu.memref_slice %arg5[%run_scoped3A_39, %dma_wait3A_118, %dma_wait3A_119] : memref<25x8x128xi32, #tpu.memory_space<vmem>> -> memref<1x8x128xi32, #tpu.memory_space<vmem>>
      %dma_wait3A_121 = tpu.memref_squeeze %dma_wait3A_120 : memref<1x8x128xi32, #tpu.memory_space<vmem>> -> memref<8x128xi32, #tpu.memory_space<vmem>>
      %dma_wait3A_122 = arith.constant 0 : i32
      %dma_wait3A_123 = arith.constant 0 : i32
      %dma_wait3A_124 = tpu.memref_slice %arg2[%run_scoped3A_38, %add3A, %dma_wait3A_122, %dma_wait3A_123] : memref<25x32x8x128xi32, #tpu.memory_space<hbm>> -> memref<1x1x8x128xi32, #tpu.memory_space<hbm>>
      %dma_wait3A_125 = tpu.memref_squeeze %dma_wait3A_124 : memref<1x1x8x128xi32, #tpu.memory_space<hbm>> -> memref<8x128xi32, #tpu.memory_space<hbm>>
      %dma_wait3A_126 = arith.constant 0 : i32
      %dma_wait3A_127 = arith.constant 0 : i32
      %dma_wait3A_128 = tpu.memref_slice %arg5[%run_scoped3A_39, %dma_wait3A_126, %dma_wait3A_127] : memref<25x8x128xi32, #tpu.memory_space<vmem>> -> memref<1x8x128xi32, #tpu.memory_space<vmem>>
      %dma_wait3A_129 = tpu.memref_squeeze %dma_wait3A_128 : memref<1x8x128xi32, #tpu.memory_space<vmem>> -> memref<8x128xi32, #tpu.memory_space<vmem>>
      %dma_wait3A_130 = arith.constant 0 : i32
      %dma_wait3A_131 = arith.constant 0 : i32
      %dma_wait3A_132 = tpu.memref_slice %arg2[%run_scoped3A_38, %add3A, %dma_wait3A_130, %dma_wait3A_131] : memref<25x32x8x128xi32, #tpu.memory_space<hbm>> -> memref<1x1x8x128xi32, #tpu.memory_space<hbm>>
      %dma_wait3A_133 = tpu.memref_squeeze %dma_wait3A_132 : memref<1x1x8x128xi32, #tpu.memory_space<hbm>> -> memref<8x128xi32, #tpu.memory_space<hbm>>
      tpu.wait_dma2 semaphore(%run_scoped3A_102 : memref<!tpu.dma_semaphore, #tpu.memory_space<semaphore_mem>>) src(%dma_wait3A_133 : memref<8x128xi32, #tpu.memory_space<hbm>>) dst(%dma_wait3A_129 : memref<8x128xi32, #tpu.memory_space<vmem>>)
      tpu.yield
    }) : () -> ()
    %run_scoped3A_40 = arith.constant 20 : i32
    %run_scoped3A_41 = arith.constant 20 : i32
    "tpu.region"() ({
      %run_scoped3A_102 = tpu.sem_alloc : memref<!tpu.dma_semaphore, #tpu.memory_space<semaphore_mem>>
      %dma_start3A = arith.constant 0 : i32
      %dma_start3A_103 = arith.constant 0 : i32
      %dma_start3A_104 = tpu.memref_slice %arg5[%run_scoped3A_41, %dma_start3A, %dma_start3A_103] : memref<25x8x128xi32, #tpu.memory_space<vmem>> -> memref<1x8x128xi32, #tpu.memory_space<vmem>>
      %dma_start3A_105 = tpu.memref_squeeze %dma_start3A_104 : memref<1x8x128xi32, #tpu.memory_space<vmem>> -> memref<8x128xi32, #tpu.memory_space<vmem>>
      %dma_start3A_106 = arith.constant 0 : i32
      %dma_start3A_107 = arith.constant 0 : i32
      %dma_start3A_108 = tpu.memref_slice %arg2[%run_scoped3A_40, %add3A, %dma_start3A_106, %dma_start3A_107] : memref<25x32x8x128xi32, #tpu.memory_space<hbm>> -> memref<1x1x8x128xi32, #tpu.memory_space<hbm>>
      %dma_start3A_109 = tpu.memref_squeeze %dma_start3A_108 : memref<1x1x8x128xi32, #tpu.memory_space<hbm>> -> memref<8x128xi32, #tpu.memory_space<hbm>>
      %dma_start3A_110 = arith.constant 0 : i32
      %dma_start3A_111 = arith.constant 0 : i32
      %dma_start3A_112 = tpu.memref_slice %arg5[%run_scoped3A_41, %dma_start3A_110, %dma_start3A_111] : memref<25x8x128xi32, #tpu.memory_space<vmem>> -> memref<1x8x128xi32, #tpu.memory_space<vmem>>
      %dma_start3A_113 = tpu.memref_squeeze %dma_start3A_112 : memref<1x8x128xi32, #tpu.memory_space<vmem>> -> memref<8x128xi32, #tpu.memory_space<vmem>>
      %dma_start3A_114 = arith.constant 0 : i32
      %dma_start3A_115 = arith.constant 0 : i32
      %dma_start3A_116 = tpu.memref_slice %arg2[%run_scoped3A_40, %add3A, %dma_start3A_114, %dma_start3A_115] : memref<25x32x8x128xi32, #tpu.memory_space<hbm>> -> memref<1x1x8x128xi32, #tpu.memory_space<hbm>>
      %dma_start3A_117 = tpu.memref_squeeze %dma_start3A_116 : memref<1x1x8x128xi32, #tpu.memory_space<hbm>> -> memref<8x128xi32, #tpu.memory_space<hbm>>
      tpu.enqueue_dma source(%dma_start3A_117 : memref<8x128xi32, #tpu.memory_space<hbm>>) target(%dma_start3A_113 : memref<8x128xi32, #tpu.memory_space<vmem>>) target_semaphore(%run_scoped3A_102 : memref<!tpu.dma_semaphore, #tpu.memory_space<semaphore_mem>>)
      %dma_wait3A_118 = arith.constant 0 : i32
      %dma_wait3A_119 = arith.constant 0 : i32
      %dma_wait3A_120 = tpu.memref_slice %arg5[%run_scoped3A_41, %dma_wait3A_118, %dma_wait3A_119] : memref<25x8x128xi32, #tpu.memory_space<vmem>> -> memref<1x8x128xi32, #tpu.memory_space<vmem>>
      %dma_wait3A_121 = tpu.memref_squeeze %dma_wait3A_120 : memref<1x8x128xi32, #tpu.memory_space<vmem>> -> memref<8x128xi32, #tpu.memory_space<vmem>>
      %dma_wait3A_122 = arith.constant 0 : i32
      %dma_wait3A_123 = arith.constant 0 : i32
      %dma_wait3A_124 = tpu.memref_slice %arg2[%run_scoped3A_40, %add3A, %dma_wait3A_122, %dma_wait3A_123] : memref<25x32x8x128xi32, #tpu.memory_space<hbm>> -> memref<1x1x8x128xi32, #tpu.memory_space<hbm>>
      %dma_wait3A_125 = tpu.memref_squeeze %dma_wait3A_124 : memref<1x1x8x128xi32, #tpu.memory_space<hbm>> -> memref<8x128xi32, #tpu.memory_space<hbm>>
      %dma_wait3A_126 = arith.constant 0 : i32
      %dma_wait3A_127 = arith.constant 0 : i32
      %dma_wait3A_128 = tpu.memref_slice %arg5[%run_scoped3A_41, %dma_wait3A_126, %dma_wait3A_127] : memref<25x8x128xi32, #tpu.memory_space<vmem>> -> memref<1x8x128xi32, #tpu.memory_space<vmem>>
      %dma_wait3A_129 = tpu.memref_squeeze %dma_wait3A_128 : memref<1x8x128xi32, #tpu.memory_space<vmem>> -> memref<8x128xi32, #tpu.memory_space<vmem>>
      %dma_wait3A_130 = arith.constant 0 : i32
      %dma_wait3A_131 = arith.constant 0 : i32
      %dma_wait3A_132 = tpu.memref_slice %arg2[%run_scoped3A_40, %add3A, %dma_wait3A_130, %dma_wait3A_131] : memref<25x32x8x128xi32, #tpu.memory_space<hbm>> -> memref<1x1x8x128xi32, #tpu.memory_space<hbm>>
      %dma_wait3A_133 = tpu.memref_squeeze %dma_wait3A_132 : memref<1x1x8x128xi32, #tpu.memory_space<hbm>> -> memref<8x128xi32, #tpu.memory_space<hbm>>
      tpu.wait_dma2 semaphore(%run_scoped3A_102 : memref<!tpu.dma_semaphore, #tpu.memory_space<semaphore_mem>>) src(%dma_wait3A_133 : memref<8x128xi32, #tpu.memory_space<hbm>>) dst(%dma_wait3A_129 : memref<8x128xi32, #tpu.memory_space<vmem>>)
      tpu.yield
    }) : () -> ()
    %run_scoped3A_42 = arith.constant 21 : i32
    %run_scoped3A_43 = arith.constant 21 : i32
    "tpu.region"() ({
      %run_scoped3A_102 = tpu.sem_alloc : memref<!tpu.dma_semaphore, #tpu.memory_space<semaphore_mem>>
      %dma_start3A = arith.constant 0 : i32
      %dma_start3A_103 = arith.constant 0 : i32
      %dma_start3A_104 = tpu.memref_slice %arg5[%run_scoped3A_43, %dma_start3A, %dma_start3A_103] : memref<25x8x128xi32, #tpu.memory_space<vmem>> -> memref<1x8x128xi32, #tpu.memory_space<vmem>>
      %dma_start3A_105 = tpu.memref_squeeze %dma_start3A_104 : memref<1x8x128xi32, #tpu.memory_space<vmem>> -> memref<8x128xi32, #tpu.memory_space<vmem>>
      %dma_start3A_106 = arith.constant 0 : i32
      %dma_start3A_107 = arith.constant 0 : i32
      %dma_start3A_108 = tpu.memref_slice %arg2[%run_scoped3A_42, %add3A, %dma_start3A_106, %dma_start3A_107] : memref<25x32x8x128xi32, #tpu.memory_space<hbm>> -> memref<1x1x8x128xi32, #tpu.memory_space<hbm>>
      %dma_start3A_109 = tpu.memref_squeeze %dma_start3A_108 : memref<1x1x8x128xi32, #tpu.memory_space<hbm>> -> memref<8x128xi32, #tpu.memory_space<hbm>>
      %dma_start3A_110 = arith.constant 0 : i32
      %dma_start3A_111 = arith.constant 0 : i32
      %dma_start3A_112 = tpu.memref_slice %arg5[%run_scoped3A_43, %dma_start3A_110, %dma_start3A_111] : memref<25x8x128xi32, #tpu.memory_space<vmem>> -> memref<1x8x128xi32, #tpu.memory_space<vmem>>
      %dma_start3A_113 = tpu.memref_squeeze %dma_start3A_112 : memref<1x8x128xi32, #tpu.memory_space<vmem>> -> memref<8x128xi32, #tpu.memory_space<vmem>>
      %dma_start3A_114 = arith.constant 0 : i32
      %dma_start3A_115 = arith.constant 0 : i32
      %dma_start3A_116 = tpu.memref_slice %arg2[%run_scoped3A_42, %add3A, %dma_start3A_114, %dma_start3A_115] : memref<25x32x8x128xi32, #tpu.memory_space<hbm>> -> memref<1x1x8x128xi32, #tpu.memory_space<hbm>>
      %dma_start3A_117 = tpu.memref_squeeze %dma_start3A_116 : memref<1x1x8x128xi32, #tpu.memory_space<hbm>> -> memref<8x128xi32, #tpu.memory_space<hbm>>
      tpu.enqueue_dma source(%dma_start3A_117 : memref<8x128xi32, #tpu.memory_space<hbm>>) target(%dma_start3A_113 : memref<8x128xi32, #tpu.memory_space<vmem>>) target_semaphore(%run_scoped3A_102 : memref<!tpu.dma_semaphore, #tpu.memory_space<semaphore_mem>>)
      %dma_wait3A_118 = arith.constant 0 : i32
      %dma_wait3A_119 = arith.constant 0 : i32
      %dma_wait3A_120 = tpu.memref_slice %arg5[%run_scoped3A_43, %dma_wait3A_118, %dma_wait3A_119] : memref<25x8x128xi32, #tpu.memory_space<vmem>> -> memref<1x8x128xi32, #tpu.memory_space<vmem>>
      %dma_wait3A_121 = tpu.memref_squeeze %dma_wait3A_120 : memref<1x8x128xi32, #tpu.memory_space<vmem>> -> memref<8x128xi32, #tpu.memory_space<vmem>>
      %dma_wait3A_122 = arith.constant 0 : i32
      %dma_wait3A_123 = arith.constant 0 : i32
      %dma_wait3A_124 = tpu.memref_slice %arg2[%run_scoped3A_42, %add3A, %dma_wait3A_122, %dma_wait3A_123] : memref<25x32x8x128xi32, #tpu.memory_space<hbm>> -> memref<1x1x8x128xi32, #tpu.memory_space<hbm>>
      %dma_wait3A_125 = tpu.memref_squeeze %dma_wait3A_124 : memref<1x1x8x128xi32, #tpu.memory_space<hbm>> -> memref<8x128xi32, #tpu.memory_space<hbm>>
      %dma_wait3A_126 = arith.constant 0 : i32
      %dma_wait3A_127 = arith.constant 0 : i32
      %dma_wait3A_128 = tpu.memref_slice %arg5[%run_scoped3A_43, %dma_wait3A_126, %dma_wait3A_127] : memref<25x8x128xi32, #tpu.memory_space<vmem>> -> memref<1x8x128xi32, #tpu.memory_space<vmem>>
      %dma_wait3A_129 = tpu.memref_squeeze %dma_wait3A_128 : memref<1x8x128xi32, #tpu.memory_space<vmem>> -> memref<8x128xi32, #tpu.memory_space<vmem>>
      %dma_wait3A_130 = arith.constant 0 : i32
      %dma_wait3A_131 = arith.constant 0 : i32
      %dma_wait3A_132 = tpu.memref_slice %arg2[%run_scoped3A_42, %add3A, %dma_wait3A_130, %dma_wait3A_131] : memref<25x32x8x128xi32, #tpu.memory_space<hbm>> -> memref<1x1x8x128xi32, #tpu.memory_space<hbm>>
      %dma_wait3A_133 = tpu.memref_squeeze %dma_wait3A_132 : memref<1x1x8x128xi32, #tpu.memory_space<hbm>> -> memref<8x128xi32, #tpu.memory_space<hbm>>
      tpu.wait_dma2 semaphore(%run_scoped3A_102 : memref<!tpu.dma_semaphore, #tpu.memory_space<semaphore_mem>>) src(%dma_wait3A_133 : memref<8x128xi32, #tpu.memory_space<hbm>>) dst(%dma_wait3A_129 : memref<8x128xi32, #tpu.memory_space<vmem>>)
      tpu.yield
    }) : () -> ()
    %run_scoped3A_44 = arith.constant 22 : i32
    %run_scoped3A_45 = arith.constant 22 : i32
    "tpu.region"() ({
      %run_scoped3A_102 = tpu.sem_alloc : memref<!tpu.dma_semaphore, #tpu.memory_space<semaphore_mem>>
      %dma_start3A = arith.constant 0 : i32
      %dma_start3A_103 = arith.constant 0 : i32
      %dma_start3A_104 = tpu.memref_slice %arg5[%run_scoped3A_45, %dma_start3A, %dma_start3A_103] : memref<25x8x128xi32, #tpu.memory_space<vmem>> -> memref<1x8x128xi32, #tpu.memory_space<vmem>>
      %dma_start3A_105 = tpu.memref_squeeze %dma_start3A_104 : memref<1x8x128xi32, #tpu.memory_space<vmem>> -> memref<8x128xi32, #tpu.memory_space<vmem>>
      %dma_start3A_106 = arith.constant 0 : i32
      %dma_start3A_107 = arith.constant 0 : i32
      %dma_start3A_108 = tpu.memref_slice %arg2[%run_scoped3A_44, %add3A, %dma_start3A_106, %dma_start3A_107] : memref<25x32x8x128xi32, #tpu.memory_space<hbm>> -> memref<1x1x8x128xi32, #tpu.memory_space<hbm>>
      %dma_start3A_109 = tpu.memref_squeeze %dma_start3A_108 : memref<1x1x8x128xi32, #tpu.memory_space<hbm>> -> memref<8x128xi32, #tpu.memory_space<hbm>>
      %dma_start3A_110 = arith.constant 0 : i32
      %dma_start3A_111 = arith.constant 0 : i32
      %dma_start3A_112 = tpu.memref_slice %arg5[%run_scoped3A_45, %dma_start3A_110, %dma_start3A_111] : memref<25x8x128xi32, #tpu.memory_space<vmem>> -> memref<1x8x128xi32, #tpu.memory_space<vmem>>
      %dma_start3A_113 = tpu.memref_squeeze %dma_start3A_112 : memref<1x8x128xi32, #tpu.memory_space<vmem>> -> memref<8x128xi32, #tpu.memory_space<vmem>>
      %dma_start3A_114 = arith.constant 0 : i32
      %dma_start3A_115 = arith.constant 0 : i32
      %dma_start3A_116 = tpu.memref_slice %arg2[%run_scoped3A_44, %add3A, %dma_start3A_114, %dma_start3A_115] : memref<25x32x8x128xi32, #tpu.memory_space<hbm>> -> memref<1x1x8x128xi32, #tpu.memory_space<hbm>>
      %dma_start3A_117 = tpu.memref_squeeze %dma_start3A_116 : memref<1x1x8x128xi32, #tpu.memory_space<hbm>> -> memref<8x128xi32, #tpu.memory_space<hbm>>
      tpu.enqueue_dma source(%dma_start3A_117 : memref<8x128xi32, #tpu.memory_space<hbm>>) target(%dma_start3A_113 : memref<8x128xi32, #tpu.memory_space<vmem>>) target_semaphore(%run_scoped3A_102 : memref<!tpu.dma_semaphore, #tpu.memory_space<semaphore_mem>>)
      %dma_wait3A_118 = arith.constant 0 : i32
      %dma_wait3A_119 = arith.constant 0 : i32
      %dma_wait3A_120 = tpu.memref_slice %arg5[%run_scoped3A_45, %dma_wait3A_118, %dma_wait3A_119] : memref<25x8x128xi32, #tpu.memory_space<vmem>> -> memref<1x8x128xi32, #tpu.memory_space<vmem>>
      %dma_wait3A_121 = tpu.memref_squeeze %dma_wait3A_120 : memref<1x8x128xi32, #tpu.memory_space<vmem>> -> memref<8x128xi32, #tpu.memory_space<vmem>>
      %dma_wait3A_122 = arith.constant 0 : i32
      %dma_wait3A_123 = arith.constant 0 : i32
      %dma_wait3A_124 = tpu.memref_slice %arg2[%run_scoped3A_44, %add3A, %dma_wait3A_122, %dma_wait3A_123] : memref<25x32x8x128xi32, #tpu.memory_space<hbm>> -> memref<1x1x8x128xi32, #tpu.memory_space<hbm>>
      %dma_wait3A_125 = tpu.memref_squeeze %dma_wait3A_124 : memref<1x1x8x128xi32, #tpu.memory_space<hbm>> -> memref<8x128xi32, #tpu.memory_space<hbm>>
      %dma_wait3A_126 = arith.constant 0 : i32
      %dma_wait3A_127 = arith.constant 0 : i32
      %dma_wait3A_128 = tpu.memref_slice %arg5[%run_scoped3A_45, %dma_wait3A_126, %dma_wait3A_127] : memref<25x8x128xi32, #tpu.memory_space<vmem>> -> memref<1x8x128xi32, #tpu.memory_space<vmem>>
      %dma_wait3A_129 = tpu.memref_squeeze %dma_wait3A_128 : memref<1x8x128xi32, #tpu.memory_space<vmem>> -> memref<8x128xi32, #tpu.memory_space<vmem>>
      %dma_wait3A_130 = arith.constant 0 : i32
      %dma_wait3A_131 = arith.constant 0 : i32
      %dma_wait3A_132 = tpu.memref_slice %arg2[%run_scoped3A_44, %add3A, %dma_wait3A_130, %dma_wait3A_131] : memref<25x32x8x128xi32, #tpu.memory_space<hbm>> -> memref<1x1x8x128xi32, #tpu.memory_space<hbm>>
      %dma_wait3A_133 = tpu.memref_squeeze %dma_wait3A_132 : memref<1x1x8x128xi32, #tpu.memory_space<hbm>> -> memref<8x128xi32, #tpu.memory_space<hbm>>
      tpu.wait_dma2 semaphore(%run_scoped3A_102 : memref<!tpu.dma_semaphore, #tpu.memory_space<semaphore_mem>>) src(%dma_wait3A_133 : memref<8x128xi32, #tpu.memory_space<hbm>>) dst(%dma_wait3A_129 : memref<8x128xi32, #tpu.memory_space<vmem>>)
      tpu.yield
    }) : () -> ()
    %run_scoped3A_46 = arith.constant 23 : i32
    %run_scoped3A_47 = arith.constant 23 : i32
    "tpu.region"() ({
      %run_scoped3A_102 = tpu.sem_alloc : memref<!tpu.dma_semaphore, #tpu.memory_space<semaphore_mem>>
      %dma_start3A = arith.constant 0 : i32
      %dma_start3A_103 = arith.constant 0 : i32
      %dma_start3A_104 = tpu.memref_slice %arg5[%run_scoped3A_47, %dma_start3A, %dma_start3A_103] : memref<25x8x128xi32, #tpu.memory_space<vmem>> -> memref<1x8x128xi32, #tpu.memory_space<vmem>>
      %dma_start3A_105 = tpu.memref_squeeze %dma_start3A_104 : memref<1x8x128xi32, #tpu.memory_space<vmem>> -> memref<8x128xi32, #tpu.memory_space<vmem>>
      %dma_start3A_106 = arith.constant 0 : i32
      %dma_start3A_107 = arith.constant 0 : i32
      %dma_start3A_108 = tpu.memref_slice %arg2[%run_scoped3A_46, %add3A, %dma_start3A_106, %dma_start3A_107] : memref<25x32x8x128xi32, #tpu.memory_space<hbm>> -> memref<1x1x8x128xi32, #tpu.memory_space<hbm>>
      %dma_start3A_109 = tpu.memref_squeeze %dma_start3A_108 : memref<1x1x8x128xi32, #tpu.memory_space<hbm>> -> memref<8x128xi32, #tpu.memory_space<hbm>>
      %dma_start3A_110 = arith.constant 0 : i32
      %dma_start3A_111 = arith.constant 0 : i32
      %dma_start3A_112 = tpu.memref_slice %arg5[%run_scoped3A_47, %dma_start3A_110, %dma_start3A_111] : memref<25x8x128xi32, #tpu.memory_space<vmem>> -> memref<1x8x128xi32, #tpu.memory_space<vmem>>
      %dma_start3A_113 = tpu.memref_squeeze %dma_start3A_112 : memref<1x8x128xi32, #tpu.memory_space<vmem>> -> memref<8x128xi32, #tpu.memory_space<vmem>>
      %dma_start3A_114 = arith.constant 0 : i32
      %dma_start3A_115 = arith.constant 0 : i32
      %dma_start3A_116 = tpu.memref_slice %arg2[%run_scoped3A_46, %add3A, %dma_start3A_114, %dma_start3A_115] : memref<25x32x8x128xi32, #tpu.memory_space<hbm>> -> memref<1x1x8x128xi32, #tpu.memory_space<hbm>>
      %dma_start3A_117 = tpu.memref_squeeze %dma_start3A_116 : memref<1x1x8x128xi32, #tpu.memory_space<hbm>> -> memref<8x128xi32, #tpu.memory_space<hbm>>
      tpu.enqueue_dma source(%dma_start3A_117 : memref<8x128xi32, #tpu.memory_space<hbm>>) target(%dma_start3A_113 : memref<8x128xi32, #tpu.memory_space<vmem>>) target_semaphore(%run_scoped3A_102 : memref<!tpu.dma_semaphore, #tpu.memory_space<semaphore_mem>>)
      %dma_wait3A_118 = arith.constant 0 : i32
      %dma_wait3A_119 = arith.constant 0 : i32
      %dma_wait3A_120 = tpu.memref_slice %arg5[%run_scoped3A_47, %dma_wait3A_118, %dma_wait3A_119] : memref<25x8x128xi32, #tpu.memory_space<vmem>> -> memref<1x8x128xi32, #tpu.memory_space<vmem>>
      %dma_wait3A_121 = tpu.memref_squeeze %dma_wait3A_120 : memref<1x8x128xi32, #tpu.memory_space<vmem>> -> memref<8x128xi32, #tpu.memory_space<vmem>>
      %dma_wait3A_122 = arith.constant 0 : i32
      %dma_wait3A_123 = arith.constant 0 : i32
      %dma_wait3A_124 = tpu.memref_slice %arg2[%run_scoped3A_46, %add3A, %dma_wait3A_122, %dma_wait3A_123] : memref<25x32x8x128xi32, #tpu.memory_space<hbm>> -> memref<1x1x8x128xi32, #tpu.memory_space<hbm>>
      %dma_wait3A_125 = tpu.memref_squeeze %dma_wait3A_124 : memref<1x1x8x128xi32, #tpu.memory_space<hbm>> -> memref<8x128xi32, #tpu.memory_space<hbm>>
      %dma_wait3A_126 = arith.constant 0 : i32
      %dma_wait3A_127 = arith.constant 0 : i32
      %dma_wait3A_128 = tpu.memref_slice %arg5[%run_scoped3A_47, %dma_wait3A_126, %dma_wait3A_127] : memref<25x8x128xi32, #tpu.memory_space<vmem>> -> memref<1x8x128xi32, #tpu.memory_space<vmem>>
      %dma_wait3A_129 = tpu.memref_squeeze %dma_wait3A_128 : memref<1x8x128xi32, #tpu.memory_space<vmem>> -> memref<8x128xi32, #tpu.memory_space<vmem>>
      %dma_wait3A_130 = arith.constant 0 : i32
      %dma_wait3A_131 = arith.constant 0 : i32
      %dma_wait3A_132 = tpu.memref_slice %arg2[%run_scoped3A_46, %add3A, %dma_wait3A_130, %dma_wait3A_131] : memref<25x32x8x128xi32, #tpu.memory_space<hbm>> -> memref<1x1x8x128xi32, #tpu.memory_space<hbm>>
      %dma_wait3A_133 = tpu.memref_squeeze %dma_wait3A_132 : memref<1x1x8x128xi32, #tpu.memory_space<hbm>> -> memref<8x128xi32, #tpu.memory_space<hbm>>
      tpu.wait_dma2 semaphore(%run_scoped3A_102 : memref<!tpu.dma_semaphore, #tpu.memory_space<semaphore_mem>>) src(%dma_wait3A_133 : memref<8x128xi32, #tpu.memory_space<hbm>>) dst(%dma_wait3A_129 : memref<8x128xi32, #tpu.memory_space<vmem>>)
      tpu.yield
    }) : () -> ()
    %run_scoped3A_48 = arith.constant 24 : i32
    %run_scoped3A_49 = arith.constant 24 : i32
    "tpu.region"() ({
      %run_scoped3A_102 = tpu.sem_alloc : memref<!tpu.dma_semaphore, #tpu.memory_space<semaphore_mem>>
      %dma_start3A = arith.constant 0 : i32
      %dma_start3A_103 = arith.constant 0 : i32
      %dma_start3A_104 = tpu.memref_slice %arg5[%run_scoped3A_49, %dma_start3A, %dma_start3A_103] : memref<25x8x128xi32, #tpu.memory_space<vmem>> -> memref<1x8x128xi32, #tpu.memory_space<vmem>>
      %dma_start3A_105 = tpu.memref_squeeze %dma_start3A_104 : memref<1x8x128xi32, #tpu.memory_space<vmem>> -> memref<8x128xi32, #tpu.memory_space<vmem>>
      %dma_start3A_106 = arith.constant 0 : i32
      %dma_start3A_107 = arith.constant 0 : i32
      %dma_start3A_108 = tpu.memref_slice %arg2[%run_scoped3A_48, %add3A, %dma_start3A_106, %dma_start3A_107] : memref<25x32x8x128xi32, #tpu.memory_space<hbm>> -> memref<1x1x8x128xi32, #tpu.memory_space<hbm>>
      %dma_start3A_109 = tpu.memref_squeeze %dma_start3A_108 : memref<1x1x8x128xi32, #tpu.memory_space<hbm>> -> memref<8x128xi32, #tpu.memory_space<hbm>>
      %dma_start3A_110 = arith.constant 0 : i32
      %dma_start3A_111 = arith.constant 0 : i32
      %dma_start3A_112 = tpu.memref_slice %arg5[%run_scoped3A_49, %dma_start3A_110, %dma_start3A_111] : memref<25x8x128xi32, #tpu.memory_space<vmem>> -> memref<1x8x128xi32, #tpu.memory_space<vmem>>
      %dma_start3A_113 = tpu.memref_squeeze %dma_start3A_112 : memref<1x8x128xi32, #tpu.memory_space<vmem>> -> memref<8x128xi32, #tpu.memory_space<vmem>>
      %dma_start3A_114 = arith.constant 0 : i32
      %dma_start3A_115 = arith.constant 0 : i32
      %dma_start3A_116 = tpu.memref_slice %arg2[%run_scoped3A_48, %add3A, %dma_start3A_114, %dma_start3A_115] : memref<25x32x8x128xi32, #tpu.memory_space<hbm>> -> memref<1x1x8x128xi32, #tpu.memory_space<hbm>>
      %dma_start3A_117 = tpu.memref_squeeze %dma_start3A_116 : memref<1x1x8x128xi32, #tpu.memory_space<hbm>> -> memref<8x128xi32, #tpu.memory_space<hbm>>
      tpu.enqueue_dma source(%dma_start3A_117 : memref<8x128xi32, #tpu.memory_space<hbm>>) target(%dma_start3A_113 : memref<8x128xi32, #tpu.memory_space<vmem>>) target_semaphore(%run_scoped3A_102 : memref<!tpu.dma_semaphore, #tpu.memory_space<semaphore_mem>>)
      %dma_wait3A_118 = arith.constant 0 : i32
      %dma_wait3A_119 = arith.constant 0 : i32
      %dma_wait3A_120 = tpu.memref_slice %arg5[%run_scoped3A_49, %dma_wait3A_118, %dma_wait3A_119] : memref<25x8x128xi32, #tpu.memory_space<vmem>> -> memref<1x8x128xi32, #tpu.memory_space<vmem>>
      %dma_wait3A_121 = tpu.memref_squeeze %dma_wait3A_120 : memref<1x8x128xi32, #tpu.memory_space<vmem>> -> memref<8x128xi32, #tpu.memory_space<vmem>>
      %dma_wait3A_122 = arith.constant 0 : i32
      %dma_wait3A_123 = arith.constant 0 : i32
      %dma_wait3A_124 = tpu.memref_slice %arg2[%run_scoped3A_48, %add3A, %dma_wait3A_122, %dma_wait3A_123] : memref<25x32x8x128xi32, #tpu.memory_space<hbm>> -> memref<1x1x8x128xi32, #tpu.memory_space<hbm>>
      %dma_wait3A_125 = tpu.memref_squeeze %dma_wait3A_124 : memref<1x1x8x128xi32, #tpu.memory_space<hbm>> -> memref<8x128xi32, #tpu.memory_space<hbm>>
      %dma_wait3A_126 = arith.constant 0 : i32
      %dma_wait3A_127 = arith.constant 0 : i32
      %dma_wait3A_128 = tpu.memref_slice %arg5[%run_scoped3A_49, %dma_wait3A_126, %dma_wait3A_127] : memref<25x8x128xi32, #tpu.memory_space<vmem>> -> memref<1x8x128xi32, #tpu.memory_space<vmem>>
      %dma_wait3A_129 = tpu.memref_squeeze %dma_wait3A_128 : memref<1x8x128xi32, #tpu.memory_space<vmem>> -> memref<8x128xi32, #tpu.memory_space<vmem>>
      %dma_wait3A_130 = arith.constant 0 : i32
      %dma_wait3A_131 = arith.constant 0 : i32
      %dma_wait3A_132 = tpu.memref_slice %arg2[%run_scoped3A_48, %add3A, %dma_wait3A_130, %dma_wait3A_131] : memref<25x32x8x128xi32, #tpu.memory_space<hbm>> -> memref<1x1x8x128xi32, #tpu.memory_space<hbm>>
      %dma_wait3A_133 = tpu.memref_squeeze %dma_wait3A_132 : memref<1x1x8x128xi32, #tpu.memory_space<hbm>> -> memref<8x128xi32, #tpu.memory_space<hbm>>
      tpu.wait_dma2 semaphore(%run_scoped3A_102 : memref<!tpu.dma_semaphore, #tpu.memory_space<semaphore_mem>>) src(%dma_wait3A_133 : memref<8x128xi32, #tpu.memory_space<hbm>>) dst(%dma_wait3A_129 : memref<8x128xi32, #tpu.memory_space<vmem>>)
      tpu.yield
    }) : () -> ()
    %iota3A = tpu.iota {dimensions = array<i32: 0>} : vector<16xi32>
    %add3A_50 = arith.constant 0 : i32
    %add3A_51 = vector.broadcast %add3A_50 : i32 to vector<16xi32>
    %add3A_52 = arith.addi %iota3A, %add3A_51 : vector<16xi32>
    %add3A_53 = arith.constant 16 : i32
    %add3A_54 = vector.broadcast %add3A_53 : i32 to vector<16xi32>
    %add3A_55 = arith.addi %iota3A, %add3A_54 : vector<16xi32>
    %add3A_56 = arith.constant 32 : i32
    %add3A_57 = vector.broadcast %add3A_56 : i32 to vector<16xi32>
    %add3A_58 = arith.addi %iota3A, %add3A_57 : vector<16xi32>
    %add3A_59 = arith.constant 48 : i32
    %add3A_60 = vector.broadcast %add3A_59 : i32 to vector<16xi32>
    %add3A_61 = arith.addi %iota3A, %add3A_60 : vector<16xi32>
    %add3A_62 = arith.constant 64 : i32
    %add3A_63 = vector.broadcast %add3A_62 : i32 to vector<16xi32>
    %add3A_64 = arith.addi %iota3A, %add3A_63 : vector<16xi32>
    %add3A_65 = arith.constant 80 : i32
    %add3A_66 = vector.broadcast %add3A_65 : i32 to vector<16xi32>
    %add3A_67 = arith.addi %iota3A, %add3A_66 : vector<16xi32>
    %add3A_68 = arith.constant 96 : i32
    %add3A_69 = vector.broadcast %add3A_68 : i32 to vector<16xi32>
    %add3A_70 = arith.addi %iota3A, %add3A_69 : vector<16xi32>
    %add3A_71 = arith.constant 112 : i32
    %add3A_72 = vector.broadcast %add3A_71 : i32 to vector<16xi32>
    %add3A_73 = arith.addi %iota3A, %add3A_72 : vector<16xi32>
    %scan3A = arith.constant 0 : i32
    %scan3A_74 = arith.constant 0 : i32
    %scan3A_75 = arith.constant 100 : i32
    %scan3A_76 = arith.addi %scan3A_74, %scan3A_75 : i32
    %scan3A_77 = arith.constant 1 : i32
    scf.for %scan3A_102 = %scan3A_74 to %scan3A_76 step %scan3A_77  : i32 {
      %mul3A_103 = arith.constant 2 : i32
      %mul3A_104 = arith.muli %mul3A_103, %scan3A_102 : i32
      %add3A_105 = arith.constant 1 : i32
      %add3A_106 = arith.addi %mul3A_104, %add3A_105 : i32
      %gt3A = arith.constant 0 : i32
      %gt3A_107 = arith.cmpi sgt, %scan3A_102, %gt3A : i32
      %convert_element_type3A = arith.extui %gt3A_107 : i1 to i32
      %cond3A = arith.constant 0 : i32
      %cond3A_108 = arith.cmpi ne, %convert_element_type3A, %cond3A : i32
      scf.if %cond3A_108 {
        %dma_wait3A_233 = arith.constant 0 : i32
        %dma_wait3A_234 = arith.constant 0 : i32
        %dma_wait3A_235 = arith.constant 0 : i32
        %dma_wait3A_236 = arith.constant 0 : i32
        %dma_wait3A_237 = arith.constant 0 : i32
        %dma_wait3A_238 = tpu.memref_slice %arg4[%dma_wait3A_233, %dma_wait3A_235, %dma_wait3A_234, %dma_wait3A_236, %dma_wait3A_237] : memref<200x4x32x8x128xf32, #tpu.memory_space<hbm>> -> memref<1x4x1x8x128xf32, #tpu.memory_space<hbm>>
        %dma_wait3A_239 = tpu.memref_squeeze %dma_wait3A_238 : memref<1x4x1x8x128xf32, #tpu.memory_space<hbm>> -> memref<4x8x128xf32, #tpu.memory_space<hbm>>
        %dma_wait3A_240 = arith.constant 0 : i32
        %dma_wait3A_241 = arith.constant 0 : i32
        %dma_wait3A_242 = arith.constant 0 : i32
        %dma_wait3A_243 = tpu.memref_slice %arg4[%dma_wait3A_233, %dma_wait3A_240, %dma_wait3A_234, %dma_wait3A_241, %dma_wait3A_242] : memref<200x4x32x8x128xf32, #tpu.memory_space<hbm>> -> memref<1x4x1x8x128xf32, #tpu.memory_space<hbm>>
        %dma_wait3A_244 = tpu.memref_squeeze %dma_wait3A_243 : memref<1x4x1x8x128xf32, #tpu.memory_space<hbm>> -> memref<4x8x128xf32, #tpu.memory_space<hbm>>
        tpu.wait_dma2 semaphore(%arg12 : memref<!tpu.dma_semaphore, #tpu.memory_space<semaphore_mem>>) src(%dma_wait3A_244 : memref<4x8x128xf32, #tpu.memory_space<hbm>>) dst(%arg8 : memref<4x8x128xf32, #tpu.memory_space<vmem>>)
        %dma_wait3A_245 = arith.constant 0 : i32
        %dma_wait3A_246 = arith.constant 0 : i32
        %dma_wait3A_247 = arith.constant 0 : i32
        %dma_wait3A_248 = arith.constant 0 : i32
        %dma_wait3A_249 = arith.constant 0 : i32
        %dma_wait3A_250 = tpu.memref_slice %arg4[%dma_wait3A_245, %dma_wait3A_247, %dma_wait3A_246, %dma_wait3A_248, %dma_wait3A_249] : memref<200x4x32x8x128xf32, #tpu.memory_space<hbm>> -> memref<1x4x1x8x128xf32, #tpu.memory_space<hbm>>
        %dma_wait3A_251 = tpu.memref_squeeze %dma_wait3A_250 : memref<1x4x1x8x128xf32, #tpu.memory_space<hbm>> -> memref<4x8x128xf32, #tpu.memory_space<hbm>>
        %dma_wait3A_252 = arith.constant 0 : i32
        %dma_wait3A_253 = arith.constant 0 : i32
        %dma_wait3A_254 = arith.constant 0 : i32
        %dma_wait3A_255 = tpu.memref_slice %arg4[%dma_wait3A_245, %dma_wait3A_252, %dma_wait3A_246, %dma_wait3A_253, %dma_wait3A_254] : memref<200x4x32x8x128xf32, #tpu.memory_space<hbm>> -> memref<1x4x1x8x128xf32, #tpu.memory_space<hbm>>
        %dma_wait3A_256 = tpu.memref_squeeze %dma_wait3A_255 : memref<1x4x1x8x128xf32, #tpu.memory_space<hbm>> -> memref<4x8x128xf32, #tpu.memory_space<hbm>>
        tpu.wait_dma2 semaphore(%arg13 : memref<!tpu.dma_semaphore, #tpu.memory_space<semaphore_mem>>) src(%dma_wait3A_256 : memref<4x8x128xf32, #tpu.memory_space<hbm>>) dst(%arg9 : memref<4x8x128xf32, #tpu.memory_space<vmem>>)
      } else {
      }
      %jit3A = arith.constant 8 : i32
      %div3A = arith.divsi %mul3A_104, %jit3A : i32
      %sign3A = arith.constant 0 : i32
      %sign3A_109 = arith.cmpi sgt, %mul3A_104, %sign3A : i32
      %sign3A_110 = arith.extui %sign3A_109 : i1 to i32
      %sign3A_111 = arith.constant 0 : i32
      %sign3A_112 = arith.cmpi slt, %mul3A_104, %sign3A_111 : i32
      %sign3A_113 = arith.extui %sign3A_112 : i1 to i32
      %sign3A_114 = arith.subi %sign3A_110, %sign3A_113 : i32
      %sign3A_115 = arith.constant 0 : i32
      %sign3A_116 = arith.cmpi sgt, %jit3A, %sign3A_115 : i32
      %sign3A_117 = arith.extui %sign3A_116 : i1 to i32
      %sign3A_118 = arith.constant 0 : i32
      %sign3A_119 = arith.cmpi slt, %jit3A, %sign3A_118 : i32
      %sign3A_120 = arith.extui %sign3A_119 : i1 to i32
      %sign3A_121 = arith.subi %sign3A_117, %sign3A_120 : i32
      %ne3A = arith.cmpi ne, %sign3A_114, %sign3A_121 : i32
      %rem3A = arith.remsi %mul3A_104, %jit3A : i32
      %ne3A_122 = arith.constant 0 : i32
      %ne3A_123 = arith.cmpi ne, %rem3A, %ne3A_122 : i32
      %and3A = arith.andi %ne3A, %ne3A_123 : i1
      %sub3A = arith.constant 1 : i32
      %sub3A_124 = arith.subi %div3A, %sub3A : i32
      %select_n3A = arith.select %and3A, %sub3A_124, %div3A : i32
      %jit3A_125 = arith.constant 8 : i32
      %eq3A = arith.constant 0 : i32
      %eq3A_126 = arith.cmpi eq, %jit3A_125, %eq3A : i32
      %jit3A_127 = arith.constant 1 : i32
      %select_n3A_128 = arith.select %eq3A_126, %jit3A_127, %jit3A_125 : i32
      %rem3A_129 = arith.remsi %mul3A_104, %select_n3A_128 : i32
      %ne3A_130 = arith.constant 0 : i32
      %ne3A_131 = arith.cmpi ne, %rem3A_129, %ne3A_130 : i32
      %lt3A = arith.constant 0 : i32
      %lt3A_132 = arith.cmpi slt, %rem3A_129, %lt3A : i32
      %lt3A_133 = arith.constant 0 : i32
      %lt3A_134 = arith.cmpi slt, %select_n3A_128, %lt3A_133 : i32
      %ne3A_135 = arith.xori %lt3A_132, %lt3A_134 : i1
      %and3A_136 = arith.andi %ne3A_135, %ne3A_131 : i1
      %add3A_137 = arith.addi %rem3A_129, %select_n3A_128 : i32
      %select_n3A_138 = arith.select %and3A_136, %add3A_137, %rem3A_129 : i32
      %dma_start3A = arith.constant 0 : i32
      %dma_start3A_139 = tpu.memref_slice %arg5[%select_n3A, %select_n3A_138, %dma_start3A] : memref<25x8x128xi32, #tpu.memory_space<vmem>> -> memref<1x1x128xi32, #tpu.memory_space<vmem>>
      %dma_start3A_140 = tpu.memref_squeeze %dma_start3A_139 : memref<1x1x128xi32, #tpu.memory_space<vmem>> -> memref<128xi32, #tpu.memory_space<vmem>>
      %dma_start3A_141 = arith.constant 0 : i32
      %dma_start3A_142 = arith.constant 0 : i32
      %dma_start3A_143 = tpu.memref_slice %arg3[%dma_start3A_141, %dma_start3A_142] : memref<1000000x32xf32, #tpu.memory_space<hbm>> -> memref<1000000x32xf32, #tpu.memory_space<hbm>>
      tpu.enqueue_indirect_dma source(%dma_start3A_143 : memref<1000000x32xf32, #tpu.memory_space<hbm>>) target(%arg6 : memref<128x32xf32, #tpu.memory_space<vmem>>) offsets(%dma_start3A_140 : memref<128xi32, #tpu.memory_space<vmem>>) semaphore(%arg10 : memref<!tpu.dma_semaphore, #tpu.memory_space<semaphore_mem>>)
      %jit3A_144 = arith.constant 8 : i32
      %div3A_145 = arith.divsi %add3A_106, %jit3A_144 : i32
      %sign3A_146 = arith.constant 0 : i32
      %sign3A_147 = arith.cmpi sgt, %add3A_106, %sign3A_146 : i32
      %sign3A_148 = arith.extui %sign3A_147 : i1 to i32
      %sign3A_149 = arith.constant 0 : i32
      %sign3A_150 = arith.cmpi slt, %add3A_106, %sign3A_149 : i32
      %sign3A_151 = arith.extui %sign3A_150 : i1 to i32
      %sign3A_152 = arith.subi %sign3A_148, %sign3A_151 : i32
      %sign3A_153 = arith.constant 0 : i32
      %sign3A_154 = arith.cmpi sgt, %jit3A_144, %sign3A_153 : i32
      %sign3A_155 = arith.extui %sign3A_154 : i1 to i32
      %sign3A_156 = arith.constant 0 : i32
      %sign3A_157 = arith.cmpi slt, %jit3A_144, %sign3A_156 : i32
      %sign3A_158 = arith.extui %sign3A_157 : i1 to i32
      %sign3A_159 = arith.subi %sign3A_155, %sign3A_158 : i32
      %ne3A_160 = arith.cmpi ne, %sign3A_152, %sign3A_159 : i32
      %rem3A_161 = arith.remsi %add3A_106, %jit3A_144 : i32
      %ne3A_162 = arith.constant 0 : i32
      %ne3A_163 = arith.cmpi ne, %rem3A_161, %ne3A_162 : i32
      %and3A_164 = arith.andi %ne3A_160, %ne3A_163 : i1
      %sub3A_165 = arith.constant 1 : i32
      %sub3A_166 = arith.subi %div3A_145, %sub3A_165 : i32
      %select_n3A_167 = arith.select %and3A_164, %sub3A_166, %div3A_145 : i32
      %jit3A_168 = arith.constant 8 : i32
      %eq3A_169 = arith.constant 0 : i32
      %eq3A_170 = arith.cmpi eq, %jit3A_168, %eq3A_169 : i32
      %jit3A_171 = arith.constant 1 : i32
      %select_n3A_172 = arith.select %eq3A_170, %jit3A_171, %jit3A_168 : i32
      %rem3A_173 = arith.remsi %add3A_106, %select_n3A_172 : i32
      %ne3A_174 = arith.constant 0 : i32
      %ne3A_175 = arith.cmpi ne, %rem3A_173, %ne3A_174 : i32
      %lt3A_176 = arith.constant 0 : i32
      %lt3A_177 = arith.cmpi slt, %rem3A_173, %lt3A_176 : i32
      %lt3A_178 = arith.constant 0 : i32
      %lt3A_179 = arith.cmpi slt, %select_n3A_172, %lt3A_178 : i32
      %ne3A_180 = arith.xori %lt3A_177, %lt3A_179 : i1
      %and3A_181 = arith.andi %ne3A_180, %ne3A_175 : i1
      %add3A_182 = arith.addi %rem3A_173, %select_n3A_172 : i32
      %select_n3A_183 = arith.select %and3A_181, %add3A_182, %rem3A_173 : i32
      %dma_start3A_184 = arith.constant 0 : i32
      %dma_start3A_185 = tpu.memref_slice %arg5[%select_n3A_167, %select_n3A_183, %dma_start3A_184] : memref<25x8x128xi32, #tpu.memory_space<vmem>> -> memref<1x1x128xi32, #tpu.memory_space<vmem>>
      %dma_start3A_186 = tpu.memref_squeeze %dma_start3A_185 : memref<1x1x128xi32, #tpu.memory_space<vmem>> -> memref<128xi32, #tpu.memory_space<vmem>>
      %dma_start3A_187 = arith.constant 0 : i32
      %dma_start3A_188 = arith.constant 0 : i32
      %dma_start3A_189 = tpu.memref_slice %arg3[%dma_start3A_187, %dma_start3A_188] : memref<1000000x32xf32, #tpu.memory_space<hbm>> -> memref<1000000x32xf32, #tpu.memory_space<hbm>>
      tpu.enqueue_indirect_dma source(%dma_start3A_189 : memref<1000000x32xf32, #tpu.memory_space<hbm>>) target(%arg7 : memref<128x32xf32, #tpu.memory_space<vmem>>) offsets(%dma_start3A_186 : memref<128xi32, #tpu.memory_space<vmem>>) semaphore(%arg11 : memref<!tpu.dma_semaphore, #tpu.memory_space<semaphore_mem>>)
      %dma_wait3A_190 = arith.constant 0 : i32
      %dma_wait3A_191 = tpu.memref_slice %arg5[%select_n3A, %select_n3A_138, %dma_wait3A_190] : memref<25x8x128xi32, #tpu.memory_space<vmem>> -> memref<1x1x128xi32, #tpu.memory_space<vmem>>
      %dma_wait3A_192 = tpu.memref_squeeze %dma_wait3A_191 : memref<1x1x128xi32, #tpu.memory_space<vmem>> -> memref<128xi32, #tpu.memory_space<vmem>>
      %dma_wait3A_193 = arith.constant 0 : i32
      %dma_wait3A_194 = arith.constant 0 : i32
      %dma_wait3A_195 = tpu.memref_slice %arg3[%dma_wait3A_193, %dma_wait3A_194] : memref<1000000x32xf32, #tpu.memory_space<hbm>> -> memref<1000000x32xf32, #tpu.memory_space<hbm>>
      tpu.wait_indirect_dma semaphore(%arg10 : memref<!tpu.dma_semaphore, #tpu.memory_space<semaphore_mem>>) src(%dma_wait3A_195 : memref<1000000x32xf32, #tpu.memory_space<hbm>>) dst(%arg6 : memref<128x32xf32, #tpu.memory_space<vmem>>)
      %parallel_loop3A = arith.constant 0 : i32
      %parallel_loop3A_196 = arith.constant 16 : i32
      %parallel_loop3A_197 = arith.constant 1 : i32
      scf.for %parallel_loop3A_233 = %parallel_loop3A to %parallel_loop3A_196 step %parallel_loop3A_197  : i32 {
        %parallel_loop3A_234 = vector.broadcast %parallel_loop3A_233 : i32 to vector<16xi32>
        %parallel_loop3A_235 = arith.addi %iota3A, %parallel_loop3A_234 : vector<16xi32>
        %parallel_loop3A_236 = arith.constant 15 : i32
        %parallel_loop3A_237 = vector.broadcast %parallel_loop3A_236 : i32 to vector<16xi32>
        %parallel_loop3A_238 = arith.andi %parallel_loop3A_235, %parallel_loop3A_237 : vector<16xi32>
        %parallel_loop3A_239 = arith.constant 0 : i32
        %parallel_loop3A_240 = vector.broadcast %parallel_loop3A_239 : i32 to vector<16xi32>
        %parallel_loop3A_241 = arith.addi %parallel_loop3A_238, %parallel_loop3A_240 : vector<16xi32>
        %parallel_loop3A_242 = arith.constant 3 : i32
        %parallel_loop3A_243 = vector.broadcast %parallel_loop3A_242 : i32 to vector<16xi32>
        %parallel_loop3A_244 = arith.shrsi %parallel_loop3A_241, %parallel_loop3A_243 : vector<16xi32>
        %parallel_loop3A_245 = arith.constant 7 : i32
        %parallel_loop3A_246 = vector.broadcast %parallel_loop3A_245 : i32 to vector<16xi32>
        %parallel_loop3A_247 = arith.andi %parallel_loop3A_241, %parallel_loop3A_246 : vector<16xi32>
        %parallel_loop3A_248 = tpu.vector_load_idx %arg6[%add3A_52, %parallel_loop3A_241] : memref<128x32xf32, #tpu.memory_space<vmem>>[vector<16xi32>, vector<16xi32>], vector<16xf32>,
        %parallel_loop3A_249 = tpu.vector_load_idx %arg6[%add3A_55, %parallel_loop3A_241] : memref<128x32xf32, #tpu.memory_space<vmem>>[vector<16xi32>, vector<16xi32>], vector<16xf32>,
        %parallel_loop3A_250 = tpu.vector_load_idx %arg6[%add3A_58, %parallel_loop3A_241] : memref<128x32xf32, #tpu.memory_space<vmem>>[vector<16xi32>, vector<16xi32>], vector<16xf32>,
        %parallel_loop3A_251 = tpu.vector_load_idx %arg6[%add3A_61, %parallel_loop3A_241] : memref<128x32xf32, #tpu.memory_space<vmem>>[vector<16xi32>, vector<16xi32>], vector<16xf32>,
        %parallel_loop3A_252 = tpu.vector_load_idx %arg6[%add3A_64, %parallel_loop3A_241] : memref<128x32xf32, #tpu.memory_space<vmem>>[vector<16xi32>, vector<16xi32>], vector<16xf32>,
        %parallel_loop3A_253 = tpu.vector_load_idx %arg6[%add3A_67, %parallel_loop3A_241] : memref<128x32xf32, #tpu.memory_space<vmem>>[vector<16xi32>, vector<16xi32>], vector<16xf32>,
        %parallel_loop3A_254 = tpu.vector_load_idx %arg6[%add3A_70, %parallel_loop3A_241] : memref<128x32xf32, #tpu.memory_space<vmem>>[vector<16xi32>, vector<16xi32>], vector<16xf32>,
        %parallel_loop3A_255 = tpu.vector_load_idx %arg6[%add3A_73, %parallel_loop3A_241] : memref<128x32xf32, #tpu.memory_space<vmem>>[vector<16xi32>, vector<16xi32>], vector<16xf32>,
        tpu.vector_store_idx %arg8[%parallel_loop3A_244, %parallel_loop3A_247, %add3A_52], %parallel_loop3A_248 : memref<4x8x128xf32, #tpu.memory_space<vmem>>[vector<16xi32>, vector<16xi32>, vector<16xi32>], vector<16xf32>,
        tpu.vector_store_idx %arg8[%parallel_loop3A_244, %parallel_loop3A_247, %add3A_55], %parallel_loop3A_249 : memref<4x8x128xf32, #tpu.memory_space<vmem>>[vector<16xi32>, vector<16xi32>, vector<16xi32>], vector<16xf32>,
        tpu.vector_store_idx %arg8[%parallel_loop3A_244, %parallel_loop3A_247, %add3A_58], %parallel_loop3A_250 : memref<4x8x128xf32, #tpu.memory_space<vmem>>[vector<16xi32>, vector<16xi32>, vector<16xi32>], vector<16xf32>,
        tpu.vector_store_idx %arg8[%parallel_loop3A_244, %parallel_loop3A_247, %add3A_61], %parallel_loop3A_251 : memref<4x8x128xf32, #tpu.memory_space<vmem>>[vector<16xi32>, vector<16xi32>, vector<16xi32>], vector<16xf32>,
        tpu.vector_store_idx %arg8[%parallel_loop3A_244, %parallel_loop3A_247, %add3A_64], %parallel_loop3A_252 : memref<4x8x128xf32, #tpu.memory_space<vmem>>[vector<16xi32>, vector<16xi32>, vector<16xi32>], vector<16xf32>,
        tpu.vector_store_idx %arg8[%parallel_loop3A_244, %parallel_loop3A_247, %add3A_67], %parallel_loop3A_253 : memref<4x8x128xf32, #tpu.memory_space<vmem>>[vector<16xi32>, vector<16xi32>, vector<16xi32>], vector<16xf32>,
        tpu.vector_store_idx %arg8[%parallel_loop3A_244, %parallel_loop3A_247, %add3A_70], %parallel_loop3A_254 : memref<4x8x128xf32, #tpu.memory_space<vmem>>[vector<16xi32>, vector<16xi32>, vector<16xi32>], vector<16xf32>,
        tpu.vector_store_idx %arg8[%parallel_loop3A_244, %parallel_loop3A_247, %add3A_73], %parallel_loop3A_255 : memref<4x8x128xf32, #tpu.memory_space<vmem>>[vector<16xi32>, vector<16xi32>, vector<16xi32>], vector<16xf32>,
      } {sc.loop_unroll_factor = 4 : i64, sc.parallel_access}
      %parallel_loop3A_198 = arith.constant 0 : i32
      %parallel_loop3A_199 = arith.constant 16 : i32
      %parallel_loop3A_200 = arith.constant 1 : i32
      scf.for %parallel_loop3A_233 = %parallel_loop3A_198 to %parallel_loop3A_199 step %parallel_loop3A_200  : i32 {
        %parallel_loop3A_234 = vector.broadcast %parallel_loop3A_233 : i32 to vector<16xi32>
        %parallel_loop3A_235 = arith.addi %iota3A, %parallel_loop3A_234 : vector<16xi32>
        %parallel_loop3A_236 = arith.constant 15 : i32
        %parallel_loop3A_237 = vector.broadcast %parallel_loop3A_236 : i32 to vector<16xi32>
        %parallel_loop3A_238 = arith.andi %parallel_loop3A_235, %parallel_loop3A_237 : vector<16xi32>
        %parallel_loop3A_239 = arith.constant 16 : i32
        %parallel_loop3A_240 = vector.broadcast %parallel_loop3A_239 : i32 to vector<16xi32>
        %parallel_loop3A_241 = arith.addi %parallel_loop3A_238, %parallel_loop3A_240 : vector<16xi32>
        %parallel_loop3A_242 = arith.constant 3 : i32
        %parallel_loop3A_243 = vector.broadcast %parallel_loop3A_242 : i32 to vector<16xi32>
        %parallel_loop3A_244 = arith.shrsi %parallel_loop3A_241, %parallel_loop3A_243 : vector<16xi32>
        %parallel_loop3A_245 = arith.constant 7 : i32
        %parallel_loop3A_246 = vector.broadcast %parallel_loop3A_245 : i32 to vector<16xi32>
        %parallel_loop3A_247 = arith.andi %parallel_loop3A_241, %parallel_loop3A_246 : vector<16xi32>
        %parallel_loop3A_248 = tpu.vector_load_idx %arg6[%add3A_52, %parallel_loop3A_241] : memref<128x32xf32, #tpu.memory_space<vmem>>[vector<16xi32>, vector<16xi32>], vector<16xf32>,
        %parallel_loop3A_249 = tpu.vector_load_idx %arg6[%add3A_55, %parallel_loop3A_241] : memref<128x32xf32, #tpu.memory_space<vmem>>[vector<16xi32>, vector<16xi32>], vector<16xf32>,
        %parallel_loop3A_250 = tpu.vector_load_idx %arg6[%add3A_58, %parallel_loop3A_241] : memref<128x32xf32, #tpu.memory_space<vmem>>[vector<16xi32>, vector<16xi32>], vector<16xf32>,
        %parallel_loop3A_251 = tpu.vector_load_idx %arg6[%add3A_61, %parallel_loop3A_241] : memref<128x32xf32, #tpu.memory_space<vmem>>[vector<16xi32>, vector<16xi32>], vector<16xf32>,
        %parallel_loop3A_252 = tpu.vector_load_idx %arg6[%add3A_64, %parallel_loop3A_241] : memref<128x32xf32, #tpu.memory_space<vmem>>[vector<16xi32>, vector<16xi32>], vector<16xf32>,
        %parallel_loop3A_253 = tpu.vector_load_idx %arg6[%add3A_67, %parallel_loop3A_241] : memref<128x32xf32, #tpu.memory_space<vmem>>[vector<16xi32>, vector<16xi32>], vector<16xf32>,
        %parallel_loop3A_254 = tpu.vector_load_idx %arg6[%add3A_70, %parallel_loop3A_241] : memref<128x32xf32, #tpu.memory_space<vmem>>[vector<16xi32>, vector<16xi32>], vector<16xf32>,
        %parallel_loop3A_255 = tpu.vector_load_idx %arg6[%add3A_73, %parallel_loop3A_241] : memref<128x32xf32, #tpu.memory_space<vmem>>[vector<16xi32>, vector<16xi32>], vector<16xf32>,
        tpu.vector_store_idx %arg8[%parallel_loop3A_244, %parallel_loop3A_247, %add3A_52], %parallel_loop3A_248 : memref<4x8x128xf32, #tpu.memory_space<vmem>>[vector<16xi32>, vector<16xi32>, vector<16xi32>], vector<16xf32>,
        tpu.vector_store_idx %arg8[%parallel_loop3A_244, %parallel_loop3A_247, %add3A_55], %parallel_loop3A_249 : memref<4x8x128xf32, #tpu.memory_space<vmem>>[vector<16xi32>, vector<16xi32>, vector<16xi32>], vector<16xf32>,
        tpu.vector_store_idx %arg8[%parallel_loop3A_244, %parallel_loop3A_247, %add3A_58], %parallel_loop3A_250 : memref<4x8x128xf32, #tpu.memory_space<vmem>>[vector<16xi32>, vector<16xi32>, vector<16xi32>], vector<16xf32>,
        tpu.vector_store_idx %arg8[%parallel_loop3A_244, %parallel_loop3A_247, %add3A_61], %parallel_loop3A_251 : memref<4x8x128xf32, #tpu.memory_space<vmem>>[vector<16xi32>, vector<16xi32>, vector<16xi32>], vector<16xf32>,
        tpu.vector_store_idx %arg8[%parallel_loop3A_244, %parallel_loop3A_247, %add3A_64], %parallel_loop3A_252 : memref<4x8x128xf32, #tpu.memory_space<vmem>>[vector<16xi32>, vector<16xi32>, vector<16xi32>], vector<16xf32>,
        tpu.vector_store_idx %arg8[%parallel_loop3A_244, %parallel_loop3A_247, %add3A_67], %parallel_loop3A_253 : memref<4x8x128xf32, #tpu.memory_space<vmem>>[vector<16xi32>, vector<16xi32>, vector<16xi32>], vector<16xf32>,
        tpu.vector_store_idx %arg8[%parallel_loop3A_244, %parallel_loop3A_247, %add3A_70], %parallel_loop3A_254 : memref<4x8x128xf32, #tpu.memory_space<vmem>>[vector<16xi32>, vector<16xi32>, vector<16xi32>], vector<16xf32>,
        tpu.vector_store_idx %arg8[%parallel_loop3A_244, %parallel_loop3A_247, %add3A_73], %parallel_loop3A_255 : memref<4x8x128xf32, #tpu.memory_space<vmem>>[vector<16xi32>, vector<16xi32>, vector<16xi32>], vector<16xf32>,
      } {sc.loop_unroll_factor = 4 : i64, sc.parallel_access}
      %dma_start3A_201 = arith.constant 0 : i32
      %dma_start3A_202 = arith.constant 0 : i32
      %dma_start3A_203 = arith.constant 0 : i32
      %dma_start3A_204 = tpu.memref_slice %arg4[%mul3A_104, %dma_start3A_201, %add3A, %dma_start3A_202, %dma_start3A_203] : memref<200x4x32x8x128xf32, #tpu.memory_space<hbm>> -> memref<1x4x1x8x128xf32, #tpu.memory_space<hbm>>
      %dma_start3A_205 = tpu.memref_squeeze %dma_start3A_204 : memref<1x4x1x8x128xf32, #tpu.memory_space<hbm>> -> memref<4x8x128xf32, #tpu.memory_space<hbm>>
      %dma_start3A_206 = arith.constant 0 : i32
      %dma_start3A_207 = arith.constant 0 : i32
      %dma_start3A_208 = arith.constant 0 : i32
      %dma_start3A_209 = tpu.memref_slice %arg4[%mul3A_104, %dma_start3A_206, %add3A, %dma_start3A_207, %dma_start3A_208] : memref<200x4x32x8x128xf32, #tpu.memory_space<hbm>> -> memref<1x4x1x8x128xf32, #tpu.memory_space<hbm>>
      %dma_start3A_210 = tpu.memref_squeeze %dma_start3A_209 : memref<1x4x1x8x128xf32, #tpu.memory_space<hbm>> -> memref<4x8x128xf32, #tpu.memory_space<hbm>>
      tpu.enqueue_dma source(%arg8 : memref<4x8x128xf32, #tpu.memory_space<vmem>>) target(%dma_start3A_210 : memref<4x8x128xf32, #tpu.memory_space<hbm>>) target_semaphore(%arg12 : memref<!tpu.dma_semaphore, #tpu.memory_space<semaphore_mem>>)
      %dma_wait3A_211 = arith.constant 0 : i32
      %dma_wait3A_212 = tpu.memref_slice %arg5[%select_n3A_167, %select_n3A_183, %dma_wait3A_211] : memref<25x8x128xi32, #tpu.memory_space<vmem>> -> memref<1x1x128xi32, #tpu.memory_space<vmem>>
      %dma_wait3A_213 = tpu.memref_squeeze %dma_wait3A_212 : memref<1x1x128xi32, #tpu.memory_space<vmem>> -> memref<128xi32, #tpu.memory_space<vmem>>
      %dma_wait3A_214 = arith.constant 0 : i32
      %dma_wait3A_215 = arith.constant 0 : i32
      %dma_wait3A_216 = tpu.memref_slice %arg3[%dma_wait3A_214, %dma_wait3A_215] : memref<1000000x32xf32, #tpu.memory_space<hbm>> -> memref<1000000x32xf32, #tpu.memory_space<hbm>>
      tpu.wait_indirect_dma semaphore(%arg11 : memref<!tpu.dma_semaphore, #tpu.memory_space<semaphore_mem>>) src(%dma_wait3A_216 : memref<1000000x32xf32, #tpu.memory_space<hbm>>) dst(%arg7 : memref<128x32xf32, #tpu.memory_space<vmem>>)
      %parallel_loop3A_217 = arith.constant 0 : i32
      %parallel_loop3A_218 = arith.constant 16 : i32
      %parallel_loop3A_219 = arith.constant 1 : i32
      scf.for %parallel_loop3A_233 = %parallel_loop3A_217 to %parallel_loop3A_218 step %parallel_loop3A_219  : i32 {
        %parallel_loop3A_234 = vector.broadcast %parallel_loop3A_233 : i32 to vector<16xi32>
        %parallel_loop3A_235 = arith.addi %iota3A, %parallel_loop3A_234 : vector<16xi32>
        %parallel_loop3A_236 = arith.constant 15 : i32
        %parallel_loop3A_237 = vector.broadcast %parallel_loop3A_236 : i32 to vector<16xi32>
        %parallel_loop3A_238 = arith.andi %parallel_loop3A_235, %parallel_loop3A_237 : vector<16xi32>
        %parallel_loop3A_239 = arith.constant 0 : i32
        %parallel_loop3A_240 = vector.broadcast %parallel_loop3A_239 : i32 to vector<16xi32>
        %parallel_loop3A_241 = arith.addi %parallel_loop3A_238, %parallel_loop3A_240 : vector<16xi32>
        %parallel_loop3A_242 = arith.constant 3 : i32
        %parallel_loop3A_243 = vector.broadcast %parallel_loop3A_242 : i32 to vector<16xi32>
        %parallel_loop3A_244 = arith.shrsi %parallel_loop3A_241, %parallel_loop3A_243 : vector<16xi32>
        %parallel_loop3A_245 = arith.constant 7 : i32
        %parallel_loop3A_246 = vector.broadcast %parallel_loop3A_245 : i32 to vector<16xi32>
        %parallel_loop3A_247 = arith.andi %parallel_loop3A_241, %parallel_loop3A_246 : vector<16xi32>
        %parallel_loop3A_248 = tpu.vector_load_idx %arg7[%add3A_52, %parallel_loop3A_241] : memref<128x32xf32, #tpu.memory_space<vmem>>[vector<16xi32>, vector<16xi32>], vector<16xf32>,
        %parallel_loop3A_249 = tpu.vector_load_idx %arg7[%add3A_55, %parallel_loop3A_241] : memref<128x32xf32, #tpu.memory_space<vmem>>[vector<16xi32>, vector<16xi32>], vector<16xf32>,
        %parallel_loop3A_250 = tpu.vector_load_idx %arg7[%add3A_58, %parallel_loop3A_241] : memref<128x32xf32, #tpu.memory_space<vmem>>[vector<16xi32>, vector<16xi32>], vector<16xf32>,
        %parallel_loop3A_251 = tpu.vector_load_idx %arg7[%add3A_61, %parallel_loop3A_241] : memref<128x32xf32, #tpu.memory_space<vmem>>[vector<16xi32>, vector<16xi32>], vector<16xf32>,
        %parallel_loop3A_252 = tpu.vector_load_idx %arg7[%add3A_64, %parallel_loop3A_241] : memref<128x32xf32, #tpu.memory_space<vmem>>[vector<16xi32>, vector<16xi32>], vector<16xf32>,
        %parallel_loop3A_253 = tpu.vector_load_idx %arg7[%add3A_67, %parallel_loop3A_241] : memref<128x32xf32, #tpu.memory_space<vmem>>[vector<16xi32>, vector<16xi32>], vector<16xf32>,
        %parallel_loop3A_254 = tpu.vector_load_idx %arg7[%add3A_70, %parallel_loop3A_241] : memref<128x32xf32, #tpu.memory_space<vmem>>[vector<16xi32>, vector<16xi32>], vector<16xf32>,
        %parallel_loop3A_255 = tpu.vector_load_idx %arg7[%add3A_73, %parallel_loop3A_241] : memref<128x32xf32, #tpu.memory_space<vmem>>[vector<16xi32>, vector<16xi32>], vector<16xf32>,
        tpu.vector_store_idx %arg9[%parallel_loop3A_244, %parallel_loop3A_247, %add3A_52], %parallel_loop3A_248 : memref<4x8x128xf32, #tpu.memory_space<vmem>>[vector<16xi32>, vector<16xi32>, vector<16xi32>], vector<16xf32>,
        tpu.vector_store_idx %arg9[%parallel_loop3A_244, %parallel_loop3A_247, %add3A_55], %parallel_loop3A_249 : memref<4x8x128xf32, #tpu.memory_space<vmem>>[vector<16xi32>, vector<16xi32>, vector<16xi32>], vector<16xf32>,
        tpu.vector_store_idx %arg9[%parallel_loop3A_244, %parallel_loop3A_247, %add3A_58], %parallel_loop3A_250 : memref<4x8x128xf32, #tpu.memory_space<vmem>>[vector<16xi32>, vector<16xi32>, vector<16xi32>], vector<16xf32>,
        tpu.vector_store_idx %arg9[%parallel_loop3A_244, %parallel_loop3A_247, %add3A_61], %parallel_loop3A_251 : memref<4x8x128xf32, #tpu.memory_space<vmem>>[vector<16xi32>, vector<16xi32>, vector<16xi32>], vector<16xf32>,
        tpu.vector_store_idx %arg9[%parallel_loop3A_244, %parallel_loop3A_247, %add3A_64], %parallel_loop3A_252 : memref<4x8x128xf32, #tpu.memory_space<vmem>>[vector<16xi32>, vector<16xi32>, vector<16xi32>], vector<16xf32>,
        tpu.vector_store_idx %arg9[%parallel_loop3A_244, %parallel_loop3A_247, %add3A_67], %parallel_loop3A_253 : memref<4x8x128xf32, #tpu.memory_space<vmem>>[vector<16xi32>, vector<16xi32>, vector<16xi32>], vector<16xf32>,
        tpu.vector_store_idx %arg9[%parallel_loop3A_244, %parallel_loop3A_247, %add3A_70], %parallel_loop3A_254 : memref<4x8x128xf32, #tpu.memory_space<vmem>>[vector<16xi32>, vector<16xi32>, vector<16xi32>], vector<16xf32>,
        tpu.vector_store_idx %arg9[%parallel_loop3A_244, %parallel_loop3A_247, %add3A_73], %parallel_loop3A_255 : memref<4x8x128xf32, #tpu.memory_space<vmem>>[vector<16xi32>, vector<16xi32>, vector<16xi32>], vector<16xf32>,
      } {sc.loop_unroll_factor = 4 : i64, sc.parallel_access}
      %parallel_loop3A_220 = arith.constant 0 : i32
      %parallel_loop3A_221 = arith.constant 16 : i32
      %parallel_loop3A_222 = arith.constant 1 : i32
      scf.for %parallel_loop3A_233 = %parallel_loop3A_220 to %parallel_loop3A_221 step %parallel_loop3A_222  : i32 {
        %parallel_loop3A_234 = vector.broadcast %parallel_loop3A_233 : i32 to vector<16xi32>
        %parallel_loop3A_235 = arith.addi %iota3A, %parallel_loop3A_234 : vector<16xi32>
        %parallel_loop3A_236 = arith.constant 15 : i32
        %parallel_loop3A_237 = vector.broadcast %parallel_loop3A_236 : i32 to vector<16xi32>
        %parallel_loop3A_238 = arith.andi %parallel_loop3A_235, %parallel_loop3A_237 : vector<16xi32>
        %parallel_loop3A_239 = arith.constant 16 : i32
        %parallel_loop3A_240 = vector.broadcast %parallel_loop3A_239 : i32 to vector<16xi32>
        %parallel_loop3A_241 = arith.addi %parallel_loop3A_238, %parallel_loop3A_240 : vector<16xi32>
        %parallel_loop3A_242 = arith.constant 3 : i32
        %parallel_loop3A_243 = vector.broadcast %parallel_loop3A_242 : i32 to vector<16xi32>
        %parallel_loop3A_244 = arith.shrsi %parallel_loop3A_241, %parallel_loop3A_243 : vector<16xi32>
        %parallel_loop3A_245 = arith.constant 7 : i32
        %parallel_loop3A_246 = vector.broadcast %parallel_loop3A_245 : i32 to vector<16xi32>
        %parallel_loop3A_247 = arith.andi %parallel_loop3A_241, %parallel_loop3A_246 : vector<16xi32>
        %parallel_loop3A_248 = tpu.vector_load_idx %arg7[%add3A_52, %parallel_loop3A_241] : memref<128x32xf32, #tpu.memory_space<vmem>>[vector<16xi32>, vector<16xi32>], vector<16xf32>,
        %parallel_loop3A_249 = tpu.vector_load_idx %arg7[%add3A_55, %parallel_loop3A_241] : memref<128x32xf32, #tpu.memory_space<vmem>>[vector<16xi32>, vector<16xi32>], vector<16xf32>,
        %parallel_loop3A_250 = tpu.vector_load_idx %arg7[%add3A_58, %parallel_loop3A_241] : memref<128x32xf32, #tpu.memory_space<vmem>>[vector<16xi32>, vector<16xi32>], vector<16xf32>,
        %parallel_loop3A_251 = tpu.vector_load_idx %arg7[%add3A_61, %parallel_loop3A_241] : memref<128x32xf32, #tpu.memory_space<vmem>>[vector<16xi32>, vector<16xi32>], vector<16xf32>,
        %parallel_loop3A_252 = tpu.vector_load_idx %arg7[%add3A_64, %parallel_loop3A_241] : memref<128x32xf32, #tpu.memory_space<vmem>>[vector<16xi32>, vector<16xi32>], vector<16xf32>,
        %parallel_loop3A_253 = tpu.vector_load_idx %arg7[%add3A_67, %parallel_loop3A_241] : memref<128x32xf32, #tpu.memory_space<vmem>>[vector<16xi32>, vector<16xi32>], vector<16xf32>,
        %parallel_loop3A_254 = tpu.vector_load_idx %arg7[%add3A_70, %parallel_loop3A_241] : memref<128x32xf32, #tpu.memory_space<vmem>>[vector<16xi32>, vector<16xi32>], vector<16xf32>,
        %parallel_loop3A_255 = tpu.vector_load_idx %arg7[%add3A_73, %parallel_loop3A_241] : memref<128x32xf32, #tpu.memory_space<vmem>>[vector<16xi32>, vector<16xi32>], vector<16xf32>,
        tpu.vector_store_idx %arg9[%parallel_loop3A_244, %parallel_loop3A_247, %add3A_52], %parallel_loop3A_248 : memref<4x8x128xf32, #tpu.memory_space<vmem>>[vector<16xi32>, vector<16xi32>, vector<16xi32>], vector<16xf32>,
        tpu.vector_store_idx %arg9[%parallel_loop3A_244, %parallel_loop3A_247, %add3A_55], %parallel_loop3A_249 : memref<4x8x128xf32, #tpu.memory_space<vmem>>[vector<16xi32>, vector<16xi32>, vector<16xi32>], vector<16xf32>,
        tpu.vector_store_idx %arg9[%parallel_loop3A_244, %parallel_loop3A_247, %add3A_58], %parallel_loop3A_250 : memref<4x8x128xf32, #tpu.memory_space<vmem>>[vector<16xi32>, vector<16xi32>, vector<16xi32>], vector<16xf32>,
        tpu.vector_store_idx %arg9[%parallel_loop3A_244, %parallel_loop3A_247, %add3A_61], %parallel_loop3A_251 : memref<4x8x128xf32, #tpu.memory_space<vmem>>[vector<16xi32>, vector<16xi32>, vector<16xi32>], vector<16xf32>,
        tpu.vector_store_idx %arg9[%parallel_loop3A_244, %parallel_loop3A_247, %add3A_64], %parallel_loop3A_252 : memref<4x8x128xf32, #tpu.memory_space<vmem>>[vector<16xi32>, vector<16xi32>, vector<16xi32>], vector<16xf32>,
        tpu.vector_store_idx %arg9[%parallel_loop3A_244, %parallel_loop3A_247, %add3A_67], %parallel_loop3A_253 : memref<4x8x128xf32, #tpu.memory_space<vmem>>[vector<16xi32>, vector<16xi32>, vector<16xi32>], vector<16xf32>,
        tpu.vector_store_idx %arg9[%parallel_loop3A_244, %parallel_loop3A_247, %add3A_70], %parallel_loop3A_254 : memref<4x8x128xf32, #tpu.memory_space<vmem>>[vector<16xi32>, vector<16xi32>, vector<16xi32>], vector<16xf32>,
        tpu.vector_store_idx %arg9[%parallel_loop3A_244, %parallel_loop3A_247, %add3A_73], %parallel_loop3A_255 : memref<4x8x128xf32, #tpu.memory_space<vmem>>[vector<16xi32>, vector<16xi32>, vector<16xi32>], vector<16xf32>,
      } {sc.loop_unroll_factor = 4 : i64, sc.parallel_access}
      %dma_start3A_223 = arith.constant 0 : i32
      %dma_start3A_224 = arith.constant 0 : i32
      %dma_start3A_225 = arith.constant 0 : i32
      %dma_start3A_226 = tpu.memref_slice %arg4[%add3A_106, %dma_start3A_223, %add3A, %dma_start3A_224, %dma_start3A_225] : memref<200x4x32x8x128xf32, #tpu.memory_space<hbm>> -> memref<1x4x1x8x128xf32, #tpu.memory_space<hbm>>
      %dma_start3A_227 = tpu.memref_squeeze %dma_start3A_226 : memref<1x4x1x8x128xf32, #tpu.memory_space<hbm>> -> memref<4x8x128xf32, #tpu.memory_space<hbm>>
      %dma_start3A_228 = arith.constant 0 : i32
      %dma_start3A_229 = arith.constant 0 : i32
      %dma_start3A_230 = arith.constant 0 : i32
      %dma_start3A_231 = tpu.memref_slice %arg4[%add3A_106, %dma_start3A_228, %add3A, %dma_start3A_229, %dma_start3A_230] : memref<200x4x32x8x128xf32, #tpu.memory_space<hbm>> -> memref<1x4x1x8x128xf32, #tpu.memory_space<hbm>>
      %dma_start3A_232 = tpu.memref_squeeze %dma_start3A_231 : memref<1x4x1x8x128xf32, #tpu.memory_space<hbm>> -> memref<4x8x128xf32, #tpu.memory_space<hbm>>
      tpu.enqueue_dma source(%arg9 : memref<4x8x128xf32, #tpu.memory_space<vmem>>) target(%dma_start3A_232 : memref<4x8x128xf32, #tpu.memory_space<hbm>>) target_semaphore(%arg13 : memref<!tpu.dma_semaphore, #tpu.memory_space<semaphore_mem>>)
    }
    %scan3A_78 = arith.constant 100 : i32
    %dma_wait3A = arith.constant 0 : i32
    %dma_wait3A_79 = arith.constant 0 : i32
    %dma_wait3A_80 = arith.constant 0 : i32
    %dma_wait3A_81 = arith.constant 0 : i32
    %dma_wait3A_82 = arith.constant 0 : i32
    %dma_wait3A_83 = tpu.memref_slice %arg4[%dma_wait3A, %dma_wait3A_80, %dma_wait3A_79, %dma_wait3A_81, %dma_wait3A_82] : memref<200x4x32x8x128xf32, #tpu.memory_space<hbm>> -> memref<1x4x1x8x128xf32, #tpu.memory_space<hbm>>
    %dma_wait3A_84 = tpu.memref_squeeze %dma_wait3A_83 : memref<1x4x1x8x128xf32, #tpu.memory_space<hbm>> -> memref<4x8x128xf32, #tpu.memory_space<hbm>>
    %dma_wait3A_85 = arith.constant 0 : i32
    %dma_wait3A_86 = arith.constant 0 : i32
    %dma_wait3A_87 = arith.constant 0 : i32
    %dma_wait3A_88 = tpu.memref_slice %arg4[%dma_wait3A, %dma_wait3A_85, %dma_wait3A_79, %dma_wait3A_86, %dma_wait3A_87] : memref<200x4x32x8x128xf32, #tpu.memory_space<hbm>> -> memref<1x4x1x8x128xf32, #tpu.memory_space<hbm>>
    %dma_wait3A_89 = tpu.memref_squeeze %dma_wait3A_88 : memref<1x4x1x8x128xf32, #tpu.memory_space<hbm>> -> memref<4x8x128xf32, #tpu.memory_space<hbm>>
    tpu.wait_dma2 semaphore(%arg12 : memref<!tpu.dma_semaphore, #tpu.memory_space<semaphore_mem>>) src(%dma_wait3A_89 : memref<4x8x128xf32, #tpu.memory_space<hbm>>) dst(%arg8 : memref<4x8x128xf32, #tpu.memory_space<vmem>>)
    %dma_wait3A_90 = arith.constant 0 : i32
    %dma_wait3A_91 = arith.constant 0 : i32
    %dma_wait3A_92 = arith.constant 0 : i32
    %dma_wait3A_93 = arith.constant 0 : i32
    %dma_wait3A_94 = arith.constant 0 : i32
    %dma_wait3A_95 = tpu.memref_slice %arg4[%dma_wait3A_90, %dma_wait3A_92, %dma_wait3A_91, %dma_wait3A_93, %dma_wait3A_94] : memref<200x4x32x8x128xf32, #tpu.memory_space<hbm>> -> memref<1x4x1x8x128xf32, #tpu.memory_space<hbm>>
    %dma_wait3A_96 = tpu.memref_squeeze %dma_wait3A_95 : memref<1x4x1x8x128xf32, #tpu.memory_space<hbm>> -> memref<4x8x128xf32, #tpu.memory_space<hbm>>
    %dma_wait3A_97 = arith.constant 0 : i32
    %dma_wait3A_98 = arith.constant 0 : i32
    %dma_wait3A_99 = arith.constant 0 : i32
    %dma_wait3A_100 = tpu.memref_slice %arg4[%dma_wait3A_90, %dma_wait3A_97, %dma_wait3A_91, %dma_wait3A_98, %dma_wait3A_99] : memref<200x4x32x8x128xf32, #tpu.memory_space<hbm>> -> memref<1x4x1x8x128xf32, #tpu.memory_space<hbm>>
    %dma_wait3A_101 = tpu.memref_squeeze %dma_wait3A_100 : memref<1x4x1x8x128xf32, #tpu.memory_space<hbm>> -> memref<4x8x128xf32, #tpu.memory_space<hbm>>
    tpu.wait_dma2 semaphore(%arg13 : memref<!tpu.dma_semaphore, #tpu.memory_space<semaphore_mem>>) src(%dma_wait3A_101 : memref<4x8x128xf32, #tpu.memory_space<hbm>>) dst(%arg9 : memref<4x8x128xf32, #tpu.memory_space<vmem>>)
    return
  }
}

</mosaic_0001>

<sc_bundles>
// kernel: kernel.3.cloned.1.call-start
scs
__scs_entry_jumppad:
0x0: {  	(pc) =	sbr.rel $0x88, $3  }
0x1: {  	(tag) =	ssettag $0x0;
	lr =	simm.s32 $0x1  }
0x2: {  	[smem:$0x3F9F] =	sst lr;
	_ =	strace $0xD0000000  }
0x3: {  	_ = 	snop  }
0x4: {  	_ = 	snop  }
0x5: {  	_ = 	snop  }
0x6: {  	_ = 	snop  }
0x7: {  	_ = 	snop  }
__scs_overlays_trampoline_lowered:
0x8: {  	[smem:$0x3FAE] =	sst s0  }
0x9: {  	[smem:$0x3FAF] =	sst s1  }
0xa: {  	[smem:$0x3FB0] =	sst s2  }
0xb: {  	[smem:$0x3FB1] =	sst s3  }
0xc: {  	[smem:$0x3FB2] =	sst s4  }
0xd: {  	[smem:$0x3FB3] =	sst s5  }
0xe: {  	[smem:$0x3FB4] =	sst s6  }
0xf: {  	[smem:$0x3FB5] =	sst s7  }
0x10: {  	[smem:$0x3FB6] =	sst s8  }
0x11: {  	[smem:$0x3FB7] =	sst s9;
	s0 =	simm.s32 @!p0 $0x0  }
0x12: {  	s1 =	sld [smem:$0x3F9D];
	s0 =	simm.s32 @p0 $0x1  }
0x13: {  	[smem:$0x3FB8] =	sst s0;
	s0 =	simm.s32 @!p1 $0x0  }
0x14: {  	s2 =	sld [smem:$0x3F9C];
	s0 =	simm.s32 @p1 $0x1  }
0x15: {  	[smem:$0x3FB9] =	sst s0;
	s0 =	simm.s32 @!p2 $0x0  }
0x16: {  	s3 =	sld [smem:$0x3FDB];
	s0 =	simm.s32 @p2 $0x1  }
0x17: {  	s4 =	simm.s32 $0x1BF5;
	[smem:$0x3FBB] =	sst s0  }
0x18: {  	s0 =	sld [smem:$0x3F9E];
	_ =	swait.ge [sflag:s4], $0x0  }
0x19: {  	s7 =	sld [smem:$0x3F9F]  }
0x1a: {  	s8 =	sadd.s32 $0xFFFFE003, lr  }
0x1b: {  	s9 =	sadd.s32 $0xFFFFFEF7, lr;
	s5 =	simm.s32 $0xFFFFFFFF;
	p2 =	slt.u32 s8, $0xFFFFF086  }
0x1c: {  	p1 =	slt.u32 s9, $0xF7A;
	s5 =	simm.s32 @!p2 $0x0  }
0x1d: {  	s5 =	simm.s32 @p1 $0x1;
	p0 =	seq.s32 s7, s2  }
0x1e: {  	s7 =	smul.u32 @!p0 $0xF7A, s2;
	p2 =	seq.s32 @!p0 s5, $0x0  }
0x1f: {  	s9 =	smul.u32 $0xF7A, s1;
	s8 =	simm.s32 @!p0 $0x1BF5;
	p2 =	por !p2, p0  }
0x20: {  	[sflag:s8] =	ssyncset.s32 @!p0 $0xFFFFF086;
	s6 =	sadd.s32 @!p0 s3, s7;
	s7 =	simm.s32 @!p0 $0x108  }
0x21: {  	s3 =	sadd.s32 s3, s9;
	s6 =	sadd.s32 @!p0 $0x88, s6;
	s7 =	simm.s32 @p2 $0x1082  }
0x22: {  	[simem:s7], [sflag:s8] =	dma.local @!p0 [hbm:s6], $0xF7A  }
0x23: {  	s9 =	sor.u32 $0xD0000000, s2;
	s6 =	simm.s32 $0x108;
	_ =	swait.ge @!p0 [sflag:s8], $0x0  }
0x24: {  	s3 =	sadd.s32 $0x88, s3;
	s6 =	simm.s32 @!p1 $0x1082;
	[sflag:s4] =	ssyncset.s32 $0xFFFFF086  }
0x25: {  	[simem:s6], [sflag:s4] =	dma.local [hbm:s3], $0xF7A  }
0x26: {  	[smem:$0x3F9F] =	sst s1;
	(tag) =	ssettag s2;
	_ =	strace s9  }
0x27: {  	s1 =	sld [smem:$0x3FAF]  }
0x28: {  	s2 =	sld [smem:$0x3FB0]  }
0x29: {  	s4 =	sld [smem:$0x3FB2]  }
0x2a: {  	p0 =	seq.s32 s5, $0x0;
	s5 =	sld [smem:$0x3FB3]  }
0x2b: {  	s6 =	sld [smem:$0x3FB4]  }
0x2c: {  	s7 =	sld [smem:$0x3FB5]  }
0x2d: {  	s3 =	simm.s32 $0x108;
	s8 =	sld [smem:$0x3FB6]  }
0x2e: {  	s3 =	simm.s32 @!p0 $0x1082;
	s9 =	sld [smem:$0x3FB7]  }
0x2f: {  	lr =	sadd.s32 s0, s3;
	s0 =	sld [smem:$0x3FAE]  }
0x30: {  	s3 =	sld [smem:$0x3FB1]  }
0x31: {  	[smem:$0x3FBA] =	sst s10  }
0x32: {  	s10 =	sld [smem:$0x3FB8];
	_ =	sdelay $0x3  }
0x33: {  	p0 =	seq.s32 s10, $0x1;
	s10 =	sld [smem:$0x3FBA];
	_ =	sdelay $0x3  }
0x34: {  	[smem:$0x3FBA] =	sst s10  }
0x35: {  	s10 =	sld [smem:$0x3FB9];
	_ =	sdelay $0x3  }
0x36: {  	p1 =	seq.s32 s10, $0x1;
	s10 =	sld [smem:$0x3FBA];
	_ =	sdelay $0x3  }
0x37: {  	[smem:$0x3FBA] =	sst s10  }
0x38: {  	s10 =	sld [smem:$0x3FBB]  }
0x39: {  	_ = 	snop;
	(pc) =	sbr.ind lr, $3  }
0x3a: {  	_ = 	snop  }
0x3b: {  	_ = 	snop  }
0x3c: {  	p2 =	seq.s32 s10, $0x1;
	s10 =	sld [smem:$0x3FBA]  }
0x3d: {  	_ =	shalt  }
0x3e: {  	_ =	shalt  }
0x3f: {  	_ =	shalt  }
0x40: {  	_ =	shalt  }
0x41: {  	_ =	shalt  }
0x42: {  	_ =	shalt  }
0x43: {  	_ =	shalt  }
0x44: {  	_ =	shalt  }
0x45: {  	_ =	shalt  }
0x46: {  	_ =	shalt  }
0x47: {  	_ =	shalt  }
0x48: {  	_ =	shalt  }
0x49: {  	_ =	shalt  }
0x4a: {  	_ =	shalt  }
0x4b: {  	_ =	shalt  }
0x4c: {  	_ =	shalt  }
0x4d: {  	_ =	shalt  }
0x4e: {  	_ =	shalt  }
0x4f: {  	_ =	shalt  }
0x50: {  	_ =	shalt  }
0x51: {  	_ =	shalt  }
0x52: {  	_ =	shalt  }
0x53: {  	_ =	shalt  }
0x54: {  	_ =	shalt  }
0x55: {  	_ =	shalt  }
0x56: {  	_ =	shalt  }
0x57: {  	_ =	shalt  }
0x58: {  	_ =	shalt  }
0x59: {  	_ =	shalt  }
0x5a: {  	_ =	shalt  }
0x5b: {  	_ =	shalt  }
0x5c: {  	_ =	shalt  }
0x5d: {  	_ =	shalt  }
0x5e: {  	_ =	shalt  }
0x5f: {  	_ =	shalt  }
0x60: {  	_ =	shalt  }
0x61: {  	_ =	shalt  }
0x62: {  	_ =	shalt  }
0x63: {  	_ =	shalt  }
0x64: {  	_ =	shalt  }
0x65: {  	_ =	shalt  }
0x66: {  	_ =	shalt  }
0x67: {  	_ =	shalt  }
0x68: {  	_ =	shalt  }
0x69: {  	_ =	shalt  }
0x6a: {  	_ =	shalt  }
0x6b: {  	_ =	shalt  }
0x6c: {  	_ =	shalt  }
0x6d: {  	_ =	shalt  }
0x6e: {  	_ =	shalt  }
0x6f: {  	_ =	shalt  }
0x70: {  	_ =	shalt  }
0x71: {  	_ =	shalt  }
0x72: {  	_ =	shalt  }
0x73: {  	_ =	shalt  }
0x74: {  	_ =	shalt  }
0x75: {  	_ =	shalt  }
0x76: {  	_ =	shalt  }
0x77: {  	_ =	shalt  }
0x78: {  	_ =	shalt  }
0x79: {  	_ =	shalt  }
0x7a: {  	_ =	shalt  }
0x7b: {  	_ =	shalt  }
0x7c: {  	_ =	shalt  }
0x7d: {  	_ =	shalt  }
0x7e: {  	_ =	shalt  }
0x7f: {  	_ =	shalt  }
0x80: {  	_ =	shalt  }
0x81: {  	_ =	shalt  }
0x82: {  	_ =	shalt  }
0x83: {  	_ =	shalt  }
0x84: {  	_ =	shalt  }
0x85: {  	_ =	shalt  }
0x86: {  	_ =	shalt  }
0x87: {  	_ =	shalt  }
.Lfunc_end0:
.L_simem_size_0:
called_computation_lowered:
.L_overlay_start_0:
0x88: {  	s2 =	sld [smem:$0x3FD9]  }
0x89: {  	s3 =	sld [smem:$0x3FFE];
	_ =	sdelay $0x1  }
0x8a: {  	s1 =	srdreg.scid  }
0x8b: {  	s0 =	sand.u32 $0x1, s1  }
0x8c: {  	s17 =	sshll.u32 s0, $0xA;
	s2 =	sadd.s32 s3, s2  }
0x8d: {  	s2 =	sadd.s32 s2, s17  }
0x8e: {  	[smem:$0x3FC6] =	sst s2  }
0x8f: {  	_ = 	snop  }
0x90: {  	s2 =	sld [smem:$0x3FC9]  }
0x91: {  	s18 =	sld [smem:$0x3FD0];
	(tm) =	ssettm $0x1  }
0x92: {  	s4 =	sld [smem:$0x3FFB];
	_ =	sdelay $0x3  }
0x93: {  	_ =	strace s4  }
0x94: {  	s4 =	sld [smem:$0x3FFC];
	_ =	sdelay $0x3  }
0x95: {  	_ =	strace s4  }
0x96: {  	s4 =	sld [smem:$0x3FFD];
	_ =	sdelay $0x3  }
0x97: {  	_ =	strace s4  }
0x98: {  	_ =	strace $0x8FFFFFFF  }
0x99: {  	s19 =	sld [smem:$0x3FDB];
	_ =	sdelay $0x1  }
0x9a: {  	s5 =	simm.s32 $_scs_section_size  }
0x9b: {  	s6 =	simm.s32 $_size__tile_overlayer_lowered;
	s7 =	simm.s32 $_tile_overlayer_lowered  }
0x9c: {  	s22 =	simm.s32 $0x1BFF;
	s21 =	sshll.u32 s7, $0x1;
	s4 =	sadd.s32 s5, s19  }
0x9d: {  	s8 =	simm.s32 $0x0;
	s20 =	sshll.u32 s6, $0x1;
	s6 =	sadd.s32 s21, s4  }
0x9e: {  	[timem:s8], [sflag:s22] =	dma.local [hbm:s6], s20  }
0x9f: {  	_ =	swait.ge [sflag:s22], s20  }
0xa0: {  	s5 =	ssub.s32 $0x0, s20;
	[sflag:s22] =	ssyncset.done $0x0  }
0xa1: {  	[sflag:s22] =	ssyncadd.s32 s5;
	_ =	sdelay $0x1  }
0xa2: {  	s23 =	simm.s32 $0x1B8B  }
0xa3: {  	_ =	swait.ge [sflag:s23], $0x1  }
0xa4: {  	[sflag:s23] =	ssyncset.done $0x0  }
0xa5: {  	s25 =	simm.s32 $0x1B8E;
	s24 =	sld [smem:$0x3FFE];
	[sflag:s23] =	ssyncadd.s32 $0xFFFFFFFF  }
0xa6: {  	s26 =	simm.s32 $execute0_lowered;
	[smem:$0x3FD2] =	sst s25  }
0xa7: {  	s6 =	sshll.u32 s26, $0x1;
	_ =	strace $0x80000046;
	[dreg:$0x1] =	wrdreg $0xFFFFFFFF  }
0xa8: {  	s28 =	simm.s32 $_size_execute0_lowered;
	s4 =	sadd.s32 s4, s6;
	[dreg:$0x0] =	wrdreg $0x0  }
0xa9: {  	s6 =	sshll.u32 s28, $0x1;
	[dreg:$0x2] =	wrdreg s4  }
0xaa: {  	[dreg:$0x3] =	wrdreg s6  }
0xab: {  	[dreg:$0x4] =	wrdreg $0xC0  }
0xac: {  	_ =	task [dreg:s8], $0x5FFFF  }
0xad: {  	[dreg:$0x1] =	wrdreg $0xFFFFFFFF  }
0xae: {  	[dreg:$0x0] =	wrdreg $0x60  }
0xaf: {  	[dreg:$0x2] =	wrdreg s2  }
0xb0: {  	[dreg:$0x3] =	wrdreg s24  }
0xb1: {  	[dreg:$0x4] =	wrdreg s18  }
0xb2: {  	[dreg:$0x5] =	wrdreg $0x9  }
0xb3: {  	_ =	task.clear_ibuf [dreg:s8], $0x6FFFF;
	_ =	strace $0x90000046  }
0xb4: {  	s29 =	simm.s32 $0x9;
	_ =	strace $0x80000048  }
0xb5: {  	_ =	swait.ge [sflag:s29], $0x1  }
0xb6: {  	[sflag:s29] =	ssyncadd.s32 $0xFFFFFFFF  }
0xb7: {  	_ =	strace $0x90000048  }
0xb8: {  	_ =	sfence  }
0xb9: {  	s30 =	sld [smem:$0x0];
	_ =	sdelay $0x2  }
0xba: {  	s31 =	sshll.u32 s1, $0xD;
	s1 =	sshrl.u32 s1, $0x2  }
0xbb: {  	s3 =	sand.u32 $0x4000, s31;
	s1 =	sadd.s32 s1, s30  }
0xbc: {  	s0 =	sor.u32 s3, s0;
	s1 =	sshll.u32 s1, $0x11  }
0xbd: {  	s0 =	sor.u32 s1, s0  }
0xbe: {  	s0 =	sadd.s32 $0x8F2B, s0  }
0xbf: {  	[sflag:s0] =	ssyncadd.remote.s32 $0x1  }
0xc0: {  	_ =	sfence.sel $0xFFFF  }
0xc1: {  	[dreg:$0x0] =	wrdreg $0xFFFFFFFF;
	(pc) =	sbr.abs _section_cstart, $3  }
0xc2: {  	[dreg:$0x1] =	wrdreg $0xFFFFFFFF  }
0xc3: {  	_ =	task.clear_ibuf [dreg:s8], $0x2FFFF;
	_ =	strace $0x9FFFFFFF  }
0xc4: {  	(tm) =	ssettm $0x7FFFFFFF  }
0xc5: {  	_ =	shalt  }
tec
execute0_lowered:
.L_overlay_start_1:
0x0: {  	(tag) =	ssettag $0x1  }
0x1: {  	s1 =	srdreg.scid  }
0x2: {  	s3 =	stileid.u32;
	s1 =	sand.u32 $0x1, s1  }
0x3: {  	s4 =	sshll.u32 s3, $0xB;
	s5 =	sshll.u32 s1, $0xA  }
0x4: {  	s0 =	rddreg [dreg:$0x0];
	s4 =	sor.u32 s5, s4  }
0x5: {  	s6 =	rddreg [dreg:$0x1];
	s5 =	sshrl.u32 s4, $0x3  }
0x6: {  	s2 =	rddreg [dreg:$0x2];
	s3 =	simm.s32 $0x0;
	s5 =	sadd.s32 s0, s5  }
0x7: {  	[smem:$0x7FF] =	sst s3;
	s9 =	sadd.s32 $0x1000, s5  }
0x8: {  	_ =	strace $0x80000047;
	s10 =	sadd.s32 $0x2000, s5;
	[dreg:$0x4] =	wrdreg s9  }
0x9: {  	s11 =	sadd.s32 $0x3000, s5;
	[dreg:$0x5] =	wrdreg s10  }
0xa: {  	s12 =	sadd.s32 $0x4000, s5;
	[dreg:$0x6] =	wrdreg s11  }
0xb: {  	s13 =	sadd.s32 $0x5000, s5;
	[dreg:$0x7] =	wrdreg s12  }
0xc: {  	s14 =	sadd.s32 $0x6000, s5;
	[dreg:$0x8] =	wrdreg s13  }
0xd: {  	v5 =	vlaneseq.u32;
	s15 =	sadd.s32 $0x7000, s5;
	[dreg:$0x9] =	wrdreg s14  }
0xe: {  	v6 =	vmul.u32 $0x20, v5;
	v15 =	vor.u32 $0x20, v5;
	s16 =	sadd.s32 $0x8000, s5;
	[dreg:$0xa] =	wrdreg s15  }
0xf: {  	s6 =	sadd.s32 $0xF42800, s6;
	[tilespmem:$0x1FF50] =	vst v15;
	s17 =	sadd.s32 $0x9000, s5;
	[dreg:$0xb] =	wrdreg s16  }
0x10: {  	v51 =	vor.u32 $0x50, v5;
	s1 =	ssub.s32 $0x2, s1;
	[tilespmem:$0x1FF60] =	vst v6;
	s18 =	sadd.s32 $0xA000, s5;
	[dreg:$0xc] =	wrdreg s17  }
0x11: {  	v14 =	vor.u32 $0x10, v5;
	s7 =	sshrl.u32 s1, $0x1;
	[tilespmem:$0x1FF80] =	vst v51;
	s19 =	sadd.s32 $0xB000, s5;
	[dreg:$0xd] =	wrdreg s18  }
0x12: {  	v56 =	vor.u32 $0x30, v5;
	[tilespmem:$0x1FFB0] =	vst v14;
	s8 =	ssub.s32 s1, s7;
	s20 =	sadd.s32 $0xC000, s5;
	[dreg:$0xe] =	wrdreg s19  }
0x13: {  	v57 =	vor.u32 $0x60, v5;
	[tilespmem:$0x1FFC0] =	vst v56;
	s7 =	simm.s32 $0x400;
	s21 =	sadd.s32 $0xD000, s5;
	[dreg:$0xf] =	wrdreg s20  }
0x14: {  	v58 =	vor.u32 $0x70, v5;
	[tilespmem:$0x1FFD0] =	vst v57;
	s0 =	simm.s32 $0x5;
	s22 =	sadd.s32 $0xE000, s5;
	[dreg:$0x10] =	wrdreg s21  }
0x15: {  	v59 =	vor.u32 $0x40, v5;
	[tilespmem:$0x1FFE0] =	vst v58;
	s23 =	sadd.s32 $0xF000, s5;
	s24 =	sadd.s32 $0x10000, s5;
	[dreg:$0x11] =	wrdreg s22  }
0x16: {  	v8 =	vor.u32 $0x400, v6;
	[tilespmem:$0x1FFF0] =	vst v59;
	s25 =	sadd.s32 $0x11000, s5;
	s26 =	sadd.s32 $0x12000, s5;
	[dreg:$0x12] =	wrdreg s23  }
0x17: {  	v9 =	vor.u32 $0x600, v6;
	[tilespmem:$0x1FF10] =	vst v8;
	s28 =	sadd.s32 $0x14000, s5;
	s29 =	sadd.s32 $0x15000, s5;
	[dreg:$0x13] =	wrdreg s24  }
0x18: {  	v13 =	vor.u32 $0xE00, v6;
	[tilespmem:$0x1FF20] =	vst v9;
	s30 =	sadd.s32 $0x16000, s5;
	s31 =	sadd.s32 $0x17000, s5;
	[dreg:$0x14] =	wrdreg s25  }
0x19: {  	v10 =	vor.u32 $0x800, v6;
	[tilespmem:$0x1FF30] =	vst v13;
	s1 =	sadd.s32 $0x18000, s5;
	[dreg:$0x15] =	wrdreg s26;
	s25 =	smax.u32 s8, $0x1  }
0x1a: {  	v12 =	vor.u32 $0xC00, v6;
	[tilespmem:$0x1FF40] =	vst v10;
	s26 =	sadd.s32 $0x13000, s5;
	s8 =	simm.s32 $0x80;
	s9 =	simm.s32 $0x6400  }
0x1b: {  	v11 =	vor.u32 $0xA00, v6;
	[tilespmem:$0x1FF70] =	vst v12;
	s10 =	simm.s32 $0x7400;
	s11 =	simm.s32 $0x1;
	s12 =	simm.s32 $0x8400  }
0x1c: {  	v7 =	vor.u32 $0x200, v6;
	[tilespmem:$0x1FF90] =	vst v11;
	s13 =	simm.s32 $0x8000;
	s14 =	simm.s32 $0x2;
	s15 =	simm.s32 $0x9400  }
0x1d: {  	[tilespmem:$0x1FFA0] =	vst v7;
	s16 =	simm.s32 $0x3;
	s17 =	simm.s32 $0x4;
	s18 =	simm.s32 $0x0  }
.LBB2_1:
0x1e: {  	[tilespmem:s3], [sflag:$0x5] =	stream.linear.gather [hbm4b:s5+s3], $0x400, $0x38;
	[tilespmem:$0xA400] =	vst v63  }
0x1f: {  	_ =	swait.ge [sflag:s0], $0x400  }
0x20: {  	[sflag:s0] =	ssyncset.done $0x0  }
0x21: {  	s19 =	rddreg [dreg:$0x4];
	[sflag:s0] =	ssyncadd.s32 $0xFFFFFC00  }
0x22: {  	[tilespmem:s7], [sflag:$0x5] =	stream.linear.gather [hbm4b:s19+s3], $0x400, $0x38;
	[tilespmem:$0xA400] =	vst v63  }
0x23: {  	_ =	swait.ge [sflag:s0], $0x400  }
0x24: {  	[sflag:s0] =	ssyncset.done $0x0  }
0x25: {  	s20 =	simm.s32 $0x800;
	s24 =	rddreg [dreg:$0x5];
	[sflag:s0] =	ssyncadd.s32 $0xFFFFFC00  }
0x26: {  	[tilespmem:s20], [sflag:$0x5] =	stream.linear.gather [hbm4b:s24+s3], $0x400, $0x38;
	[tilespmem:$0xA400] =	vst v63  }
0x27: {  	_ =	swait.ge [sflag:s0], $0x400  }
0x28: {  	[sflag:s0] =	ssyncset.done $0x0  }
0x29: {  	s22 =	simm.s32 $0xC00;
	s21 =	rddreg [dreg:$0x6];
	[sflag:s0] =	ssyncadd.s32 $0xFFFFFC00  }
0x2a: {  	[tilespmem:s22], [sflag:$0x5] =	stream.linear.gather [hbm4b:s21+s3], $0x400, $0x38;
	[tilespmem:$0xA400] =	vst v63  }
0x2b: {  	_ =	swait.ge [sflag:s0], $0x400  }
0x2c: {  	[sflag:s0] =	ssyncset.done $0x0  }
0x2d: {  	s24 =	simm.s32 $0x1000;
	s23 =	rddreg [dreg:$0x7];
	[sflag:s0] =	ssyncadd.s32 $0xFFFFFC00  }
0x2e: {  	[tilespmem:s24], [sflag:$0x5] =	stream.linear.gather [hbm4b:s23+s3], $0x400, $0x38;
	[tilespmem:$0xA400] =	vst v63  }
0x2f: {  	_ =	swait.ge [sflag:s0], $0x400  }
0x30: {  	[sflag:s0] =	ssyncset.done $0x0  }
0x31: {  	s22 =	simm.s32 $0x1400;
	s21 =	rddreg [dreg:$0x8];
	[sflag:s0] =	ssyncadd.s32 $0xFFFFFC00  }
0x32: {  	[tilespmem:s22], [sflag:$0x5] =	stream.linear.gather [hbm4b:s21+s3], $0x400, $0x38;
	[tilespmem:$0xA400] =	vst v63  }
0x33: {  	_ =	swait.ge [sflag:s0], $0x400  }
0x34: {  	[sflag:s0] =	ssyncset.done $0x0  }
0x35: {  	s24 =	simm.s32 $0x1800;
	s23 =	rddreg [dreg:$0x9];
	[sflag:s0] =	ssyncadd.s32 $0xFFFFFC00  }
0x36: {  	[tilespmem:s24], [sflag:$0x5] =	stream.linear.gather [hbm4b:s23+s3], $0x400, $0x38;
	[tilespmem:$0xA400] =	vst v63  }
0x37: {  	_ =	swait.ge [sflag:s0], $0x400  }
0x38: {  	[sflag:s0] =	ssyncset.done $0x0  }
0x39: {  	s22 =	simm.s32 $0x1C00;
	s21 =	rddreg [dreg:$0xa];
	[sflag:s0] =	ssyncadd.s32 $0xFFFFFC00  }
0x3a: {  	[tilespmem:s22], [sflag:$0x5] =	stream.linear.gather [hbm4b:s21+s3], $0x400, $0x38;
	[tilespmem:$0xA400] =	vst v63  }
0x3b: {  	_ =	swait.ge [sflag:s0], $0x400  }
0x3c: {  	[sflag:s0] =	ssyncset.done $0x0  }
0x3d: {  	s24 =	simm.s32 $0x2000;
	s23 =	rddreg [dreg:$0xb];
	[sflag:s0] =	ssyncadd.s32 $0xFFFFFC00  }
0x3e: {  	[tilespmem:s24], [sflag:$0x5] =	stream.linear.gather [hbm4b:s23+s3], $0x400, $0x38;
	[tilespmem:$0xA400] =	vst v63  }
0x3f: {  	_ =	swait.ge [sflag:s0], $0x400  }
0x40: {  	[sflag:s0] =	ssyncset.done $0x0  }
0x41: {  	s22 =	simm.s32 $0x2400;
	s21 =	rddreg [dreg:$0xc];
	[sflag:s0] =	ssyncadd.s32 $0xFFFFFC00  }
0x42: {  	[tilespmem:s22], [sflag:$0x5] =	stream.linear.gather [hbm4b:s21+s3], $0x400, $0x38;
	[tilespmem:$0xA400] =	vst v63  }
0x43: {  	_ =	swait.ge [sflag:s0], $0x400  }
0x44: {  	[sflag:s0] =	ssyncset.done $0x0  }
0x45: {  	s24 =	simm.s32 $0x2800;
	s23 =	rddreg [dreg:$0xd];
	[sflag:s0] =	ssyncadd.s32 $0xFFFFFC00  }
0x46: {  	[tilespmem:s24], [sflag:$0x5] =	stream.linear.gather [hbm4b:s23+s3], $0x400, $0x38;
	[tilespmem:$0xA400] =	vst v63  }
0x47: {  	_ =	swait.ge [sflag:s0], $0x400  }
0x48: {  	[sflag:s0] =	ssyncset.done $0x0  }
0x49: {  	s22 =	simm.s32 $0x2C00;
	s21 =	rddreg [dreg:$0xe];
	[sflag:s0] =	ssyncadd.s32 $0xFFFFFC00  }
0x4a: {  	[tilespmem:s22], [sflag:$0x5] =	stream.linear.gather [hbm4b:s21+s3], $0x400, $0x38;
	[tilespmem:$0xA400] =	vst v63  }
0x4b: {  	_ =	swait.ge [sflag:s0], $0x400  }
0x4c: {  	[sflag:s0] =	ssyncset.done $0x0  }
0x4d: {  	s24 =	simm.s32 $0x3000;
	s23 =	rddreg [dreg:$0xf];
	[sflag:s0] =	ssyncadd.s32 $0xFFFFFC00  }
0x4e: {  	[tilespmem:s24], [sflag:$0x5] =	stream.linear.gather [hbm4b:s23+s3], $0x400, $0x38;
	[tilespmem:$0xA400] =	vst v63  }
0x4f: {  	_ =	swait.ge [sflag:s0], $0x400  }
0x50: {  	[sflag:s0] =	ssyncset.done $0x0  }
0x51: {  	s22 =	simm.s32 $0x3400;
	s21 =	rddreg [dreg:$0x10];
	[sflag:s0] =	ssyncadd.s32 $0xFFFFFC00  }
0x52: {  	[tilespmem:s22], [sflag:$0x5] =	stream.linear.gather [hbm4b:s21+s3], $0x400, $0x38;
	[tilespmem:$0xA400] =	vst v63  }
0x53: {  	_ =	swait.ge [sflag:s0], $0x400  }
0x54: {  	[sflag:s0] =	ssyncset.done $0x0  }
0x55: {  	s24 =	simm.s32 $0x3800;
	s23 =	rddreg [dreg:$0x11];
	[sflag:s0] =	ssyncadd.s32 $0xFFFFFC00  }
0x56: {  	[tilespmem:s24], [sflag:$0x5] =	stream.linear.gather [hbm4b:s23+s3], $0x400, $0x38;
	[tilespmem:$0xA400] =	vst v63  }
0x57: {  	_ =	swait.ge [sflag:s0], $0x400  }
0x58: {  	[sflag:s0] =	ssyncset.done $0x0  }
0x59: {  	s22 =	simm.s32 $0x3C00;
	s21 =	rddreg [dreg:$0x12];
	[sflag:s0] =	ssyncadd.s32 $0xFFFFFC00  }
0x5a: {  	[tilespmem:s22], [sflag:$0x5] =	stream.linear.gather [hbm4b:s21+s3], $0x400, $0x38;
	[tilespmem:$0xA400] =	vst v63  }
0x5b: {  	_ =	swait.ge [sflag:s0], $0x400  }
0x5c: {  	[sflag:s0] =	ssyncset.done $0x0  }
0x5d: {  	s24 =	simm.s32 $0x4000;
	s23 =	rddreg [dreg:$0x13];
	[sflag:s0] =	ssyncadd.s32 $0xFFFFFC00  }
0x5e: {  	[tilespmem:s24], [sflag:$0x5] =	stream.linear.gather [hbm4b:s23+s3], $0x400, $0x38;
	[tilespmem:$0xA400] =	vst v63  }
0x5f: {  	_ =	swait.ge [sflag:s0], $0x400  }
0x60: {  	[sflag:s0] =	ssyncset.done $0x0  }
0x61: {  	s21 =	simm.s32 $0x4400;
	s20 =	rddreg [dreg:$0x14];
	[sflag:s0] =	ssyncadd.s32 $0xFFFFFC00  }
0x62: {  	[tilespmem:s21], [sflag:$0x5] =	stream.linear.gather [hbm4b:s20+s3], $0x400, $0x38;
	[tilespmem:$0xA400] =	vst v63  }
0x63: {  	_ =	swait.ge [sflag:s0], $0x400  }
0x64: {  	[sflag:s0] =	ssyncset.done $0x0  }
0x65: {  	s23 =	simm.s32 $0x4800;
	s22 =	rddreg [dreg:$0x15];
	[sflag:s0] =	ssyncadd.s32 $0xFFFFFC00  }
0x66: {  	[tilespmem:s23], [sflag:$0x5] =	stream.linear.gather [hbm4b:s22+s3], $0x400, $0x38;
	[tilespmem:$0xA400] =	vst v63  }
0x67: {  	_ =	swait.ge [sflag:s0], $0x400  }
0x68: {  	[sflag:s0] =	ssyncset.done $0x0  }
0x69: {  	s24 =	simm.s32 $0x4C00;
	[sflag:s0] =	ssyncadd.s32 $0xFFFFFC00  }
0x6a: {  	[tilespmem:s24], [sflag:$0x5] =	stream.linear.gather [hbm4b:s26+s3], $0x400, $0x38;
	[tilespmem:$0xA400] =	vst v63  }
0x6b: {  	_ =	swait.ge [sflag:s0], $0x400  }
0x6c: {  	[sflag:s0] =	ssyncset.done $0x0  }
0x6d: {  	s20 =	simm.s32 $0x5000;
	[sflag:s0] =	ssyncadd.s32 $0xFFFFFC00  }
0x6e: {  	[tilespmem:s20], [sflag:$0x5] =	stream.linear.gather [hbm4b:s28+s3], $0x400, $0x38;
	[tilespmem:$0xA400] =	vst v63  }
0x6f: {  	_ =	swait.ge [sflag:s0], $0x400  }
0x70: {  	[sflag:s0] =	ssyncset.done $0x0  }
0x71: {  	s21 =	simm.s32 $0x5400;
	[sflag:s0] =	ssyncadd.s32 $0xFFFFFC00  }
0x72: {  	[tilespmem:s21], [sflag:$0x5] =	stream.linear.gather [hbm4b:s29+s3], $0x400, $0x38;
	[tilespmem:$0xA400] =	vst v63  }
0x73: {  	_ =	swait.ge [sflag:s0], $0x400  }
0x74: {  	[sflag:s0] =	ssyncset.done $0x0  }
0x75: {  	s22 =	simm.s32 $0x5800;
	[sflag:s0] =	ssyncadd.s32 $0xFFFFFC00  }
0x76: {  	[tilespmem:s22], [sflag:$0x5] =	stream.linear.gather [hbm4b:s30+s3], $0x400, $0x38;
	[tilespmem:$0xA400] =	vst v63  }
0x77: {  	_ =	swait.ge [sflag:s0], $0x400  }
0x78: {  	[sflag:s0] =	ssyncset.done $0x0  }
0x79: {  	s23 =	simm.s32 $0x5C00;
	[sflag:s0] =	ssyncadd.s32 $0xFFFFFC00  }
0x7a: {  	[tilespmem:s23], [sflag:$0x5] =	stream.linear.gather [hbm4b:s31+s3], $0x400, $0x38;
	[tilespmem:$0xA400] =	vst v63  }
0x7b: {  	_ =	swait.ge [sflag:s0], $0x400  }
0x7c: {  	[sflag:s0] =	ssyncset.done $0x0  }
0x7d: {  	s24 =	simm.s32 $0x6000;
	[sflag:s0] =	ssyncadd.s32 $0xFFFFFC00  }
0x7e: {  	[tilespmem:s24], [sflag:$0x5] =	stream.linear.gather [hbm4b:s1+s3], $0x400, $0x38;
	[tilespmem:$0xA400] =	vst v63  }
0x7f: {  	_ =	swait.ge [sflag:s0], $0x400  }
0x80: {  	[sflag:s0] =	ssyncset.done $0x0  }
0x81: {  	s19 =	simm.s32 $0x0;
	[sflag:s0] =	ssyncadd.s32 $0xFFFFFC00  }
.LBB2_2:
0x82: {  	p0 =	seq.s32 s19, $0x0  }
0x83: {  	s20 =	simm.s32 @!p0 $0x3  }
0x84: {  	_ =	swait.ge @!p0 [sflag:s20], $0x1000  }
0x85: {  	[sflag:s20] =	ssyncset.done @!p0 $0x0  }
0x86: {  	[sflag:s20] =	ssyncadd.s32 @!p0 $0xFFFFF000;
	s20 =	simm.s32 @!p0 $0x4  }
0x87: {  	_ =	swait.ge @!p0 [sflag:s20], $0x1000  }
0x88: {  	s22 =	sshll.u32 s19, $0x8;
	s21 =	simm.s32 $0x0;
	[sflag:s20] =	ssyncset.done @!p0 $0x0  }
0x89: {  	s23 =	sand.u32 $0x7F00, s22;
	[sflag:s20] =	ssyncadd.s32 @!p0 $0xFFFFF000;
	s20 =	sshllo.u32 s19, $0x1  }
0x8a: {  	[tilespmem:s9], [sflag:$0x1] =	stream.indirect.gather [hbm4b:s6+s8], $0x20, s23, s8, $0xb8;
	[tilespmem:$0xA400] =	vst v63  }
0x8b: {  	v0 =	vadd.s32 s21, v5;
	s23 =	sshll.u32 s20, $0x7  }
0x8c: {  	s22 =	sand.u32 $0x7C00, s22;
	v1 =	vand.u32 $0xF, v0;
	s23 =	sand.u32 $0x380, s23  }
0x8d: {  	v2 =	vor.u32 v6, v1;
	s22 =	sor.u32 s23, s22  }
0x8e: {  	v3 =	vor.u32 v7, v1;
	[tilespmem:s10], [sflag:$0x2] =	stream.indirect.gather [hbm4b:s6+s8], $0x20, s22, s8, $0xb8;
	[tilespmem:$0xA400] =	vst v63  }
0x8f: {  	v4 =	vor.u32 v8, v1;
	_ =	swait.ge [sflag:s11], $0x1000  }
0x90: {  	v16 =	vor.u32 v9, v1;
	[sflag:s11] =	ssyncset.done $0x0  }
0x91: {  	v17 =	vor.u32 v10, v1;
	[sflag:s11] =	ssyncadd.s32 $0xFFFFF000  }
0x92: {  	s24 =	simm.s32 $0x3;
	v18 =	vor.u32 v11, v1;
	v2 =	vld.idx.msk [tilespmem:v2+s9+$0x0], $0xffff  }
0x93: {  	v20 =	vadd.s32 s24, v5;
	v0 =	vshll.u32 v0, $0x7;
	v19 =	vor.u32 v12, v1;
	v3 =	vld.idx.msk [tilespmem:v3+s9+$0x0], $0xffff  }
0x94: {  	v21 =	vand.u32 $0xF, v20;
	v1 =	vor.u32 v13, v1;
	v0 =	vand.u32 $0x780, v0;
	v4 =	vld.idx.msk [tilespmem:v4+s9+$0x0], $0xffff  }
0x95: {  	v23 =	vor.u32 v6, v21;
	v22 =	vor.u32 v5, v0;
	v16 =	vld.idx.msk [tilespmem:v16+s9+$0x0], $0xffff  }
0x96: {  	v24 =	vor.u32 v14, v0;
	v17 =	vld.idx.msk [tilespmem:v17+s9+$0x0], $0xffff  }
0x97: {  	v25 =	vor.u32 v7, v21;
	v26 =	vor.u32 v15, v0;
	v18 =	vld.idx.msk [tilespmem:v18+s9+$0x0], $0xffff  }
0x98: {  	v27 =	vor.u32 v8, v21;
	v30 =	vor.u32 v9, v21;
	v28 =	vor.u32 v56, v0;
	v19 =	vld.idx.msk [tilespmem:v19+s9+$0x0], $0xffff  }
0x99: {  	v33 =	vor.u32 v10, v21;
	v29 =	vor.u32 v59, v0;
	v31 =	vor.u32 v51, v0;
	v1 =	vld.idx.msk [tilespmem:v1+s9+$0x0], $0xffff  }
0x9a: {  	v32 =	vor.u32 v57, v0;
	v0 =	vor.u32 v58, v0;
	[tilespmem:v22+s12+$0x0] =	vst.idx.msk $0xffff, v2;
	v2 =	vld.idx.msk [tilespmem:v23+s9+$0x0], $0xffff  }
0x9b: {  	v22 =	vor.u32 v11, v21;
	v23 =	vor.u32 v12, v21;
	[tilespmem:v24+s12+$0x0] =	vst.idx.msk $0xffff, v3;
	v3 =	vshll.u32 v20, $0x7  }
0x9c: {  	s23 =	simm.s32 $0x2;
	v21 =	vor.u32 v13, v21;
	v20 =	vld.idx.msk [tilespmem:v25+s9+$0x0], $0xffff;
	[tilespmem:v26+s12+$0x0] =	vst.idx.msk $0xffff, v4;
	v3 =	vand.u32 $0x780, v3  }
0x9d: {  	v24 =	vld.idx.msk [tilespmem:v30+s9+$0x0], $0xffff;
	v25 =	vadd.s32 s23, v5;
	[tilespmem:v28+s12+$0x0] =	vst.idx.msk $0xffff, v16;
	v16 =	vor.u32 v5, v3  }
0x9e: {  	v4 =	vld.idx.msk [tilespmem:v27+s9+$0x0], $0xffff;
	v27 =	vand.u32 $0xF, v25;
	[tilespmem:v29+s12+$0x0] =	vst.idx.msk $0xffff, v17;
	v17 =	vor.u32 v14, v3  }
0x9f: {  	v26 =	vld.idx.msk [tilespmem:v33+s9+$0x0], $0xffff;
	v28 =	vor.u32 v6, v27;
	[tilespmem:v31+s12+$0x0] =	vst.idx.msk $0xffff, v18;
	v18 =	vor.u32 v15, v3  }
0xa0: {  	v22 =	vld.idx.msk [tilespmem:v22+s9+$0x0], $0xffff;
	[tilespmem:v32+s12+$0x0] =	vst.idx.msk $0xffff, v19;
	v19 =	vor.u32 v56, v3  }
0xa1: {  	v29 =	vor.u32 v7, v27;
	v23 =	vld.idx.msk [tilespmem:v23+s9+$0x0], $0xffff;
	[tilespmem:v0+s12+$0x0] =	vst.idx.msk $0xffff, v1;
	v0 =	vor.u32 v59, v3  }
0xa2: {  	v63 =	vor.u32 v13, v27;
	v21 =	vld.idx.msk [tilespmem:v21+s9+$0x0], $0xffff;
	v1 =	vor.u32 v8, v27;
	[tilespmem:v16+s12+$0x0] =	vst.idx.msk $0xffff, v2  }
0xa3: {  	v2 =	vor.u32 v51, v3;
	v16 =	vor.u32 v9, v27;
	[tilespmem:v17+s12+$0x0] =	vst.idx.msk $0xffff, v20  }
0xa4: {  	v30 =	vld.idx.msk [tilespmem:v28+s9+$0x0], $0xffff;
	v28 =	vor.u32 v11, v27;
	v17 =	vor.u32 v57, v3;
	[tilespmem:v18+s12+$0x0] =	vst.idx.msk $0xffff, v4  }
0xa5: {  	s24 =	simm.s32 $0x1;
	v20 =	vor.u32 v10, v27;
	v18 =	vor.u32 v58, v3;
	v3 =	vshll.u32 v25, $0x7;
	[tilespmem:v19+s12+$0x0] =	vst.idx.msk $0xffff, v24  }
0xa6: {  	v62 =	vadd.s32 s24, v5;
	v31 =	vld.idx.msk [tilespmem:v29+s9+$0x0], $0xffff;
	v19 =	vor.u32 v12, v27;
	v29 =	vand.u32 $0x780, v3;
	[tilespmem:v0+s12+$0x0] =	vst.idx.msk $0xffff, v26  }
0xa7: {  	v1 =	vld.idx.msk [tilespmem:v1+s9+$0x0], $0xffff;
	v0 =	vand.u32 $0xF, v62;
	v34 =	vor.u32 v5, v29;
	v36 =	vor.u32 v14, v29  }
0xa8: {  	v4 =	vor.u32 v15, v29;
	[tilespmem:v2+s12+$0x0] =	vst.idx.msk $0xffff, v22;
	v2 =	vld.idx.msk [tilespmem:v16+s9+$0x0], $0xffff;
	v35 =	vor.u32 v6, v0  }
0xa9: {  	v24 =	vor.u32 v56, v29;
	v26 =	vor.u32 v7, v0;
	v16 =	vld.idx.msk [tilespmem:v28+s9+$0x0], $0xffff;
	v27 =	vor.u32 v8, v0  }
0xaa: {  	v25 =	vor.u32 v9, v0;
	v22 =	vor.u32 v51, v29;
	[tilespmem:v17+s12+$0x0] =	vst.idx.msk $0xffff, v23;
	v3 =	vld.idx.msk [tilespmem:v20+s9+$0x0], $0xffff  }
0xab: {  	v28 =	vor.u32 v10, v0;
	v23 =	vor.u32 v59, v29;
	[tilespmem:v18+s12+$0x0] =	vst.idx.msk $0xffff, v21;
	v18 =	vld.idx.msk [tilespmem:v63+s9+$0x0], $0xffff  }
0xac: {  	v20 =	vor.u32 v57, v29;
	v21 =	vor.u32 v58, v29;
	v17 =	vld.idx.msk [tilespmem:v19+s9+$0x0], $0xffff;
	[tilespmem:v34+s12+$0x0] =	vst.idx.msk $0xffff, v30  }
0xad: {  	s22 =	simm.s32 $0x4;
	v29 =	vor.u32 v11, v0;
	v30 =	vshll.u32 v62, $0x7;
	v19 =	vld.idx.msk [tilespmem:v35+s9+$0x0], $0xffff;
	[tilespmem:v36+s12+$0x0] =	vst.idx.msk $0xffff, v31  }
.LBB2_3:
0xae: {  	p0 =	slt.u32 s22, $0xC;
	v26 =	vld.idx.msk [tilespmem:v26+s9+$0x0], $0xffff;
	v31 =	vor.u32 v12, v0;
	v30 =	vand.u32 $0x780, v30;
	[tilespmem:v4+s12+$0x0] =	vst.idx.msk $0xffff, v1  }
0xaf: {  	v0 =	vor.u32 v13, v0;
	v1 =	vld.idx.msk [tilespmem:v27+s9+$0x0], $0xffff;
	v4 =	vor.u32 v5, v30;
	[tilespmem:v24+s12+$0x0] =	vst.idx.msk $0xffff, v2  }
0xb0: {  	v2 =	vadd.s32 s22, v5;
	v24 =	vld.idx.msk [tilespmem:v25+s9+$0x0], $0xffff;
	v25 =	vor.u32 v14, v30;
	[tilespmem:v23+s12+$0x0] =	vst.idx.msk $0xffff, v3  }
0xb1: {  	v27 =	vor.u32 v15, v30;
	v3 =	vand.u32 $0xF, v2;
	v23 =	vld.idx.msk [tilespmem:v28+s9+$0x0], $0xffff;
	[tilespmem:v22+s12+$0x0] =	vst.idx.msk $0xffff, v16  }
0xb2: {  	v16 =	vor.u32 v6, v3;
	v28 =	vor.u32 v56, v30;
	v22 =	vld.idx.msk [tilespmem:v29+s9+$0x0], $0xffff;
	[tilespmem:v20+s12+$0x0] =	vst.idx.msk $0xffff, v17  }
0xb3: {  	v17 =	vor.u32 v7, v3;
	v29 =	vor.u32 v59, v30;
	v20 =	vld.idx.msk [tilespmem:v31+s9+$0x0], $0xffff;
	[tilespmem:v21+s12+$0x0] =	vst.idx.msk $0xffff, v18  }
0xb4: {  	v18 =	vor.u32 v8, v3;
	v0 =	vld.idx.msk [tilespmem:v0+s9+$0x0], $0xffff;
	[tilespmem:v4+s12+$0x0] =	vst.idx.msk $0xffff, v19;
	v4 =	vor.u32 v51, v30  }
0xb5: {  	v21 =	vor.u32 v57, v30;
	v19 =	vor.u32 v9, v3;
	[tilespmem:v25+s12+$0x0] =	vst.idx.msk $0xffff, v26  }
0xb6: {  	v2 =	vshll.u32 v2, $0x7;
	v25 =	vor.u32 v10, v3;
	[tilespmem:v27+s12+$0x0] =	vst.idx.msk $0xffff, v1;
	v1 =	vor.u32 v58, v30  }
0xb7: {  	s23 =	sadd.s32 $0x3, s22;
	v26 =	vor.u32 v11, v3;
	v27 =	vor.u32 v12, v3;
	v16 =	vld.idx.msk [tilespmem:v16+s9+$0x0], $0xffff;
	[tilespmem:v28+s12+$0x0] =	vst.idx.msk $0xffff, v24  }
0xb8: {  	v2 =	vand.u32 $0x780, v2;
	v3 =	vor.u32 v13, v3;
	v24 =	vadd.s32 s23, v5;
	v17 =	vld.idx.msk [tilespmem:v17+s9+$0x0], $0xffff;
	[tilespmem:v29+s12+$0x0] =	vst.idx.msk $0xffff, v23  }
0xb9: {  	v23 =	vor.u32 v5, v2;
	v28 =	vand.u32 $0xF, v24;
	v18 =	vld.idx.msk [tilespmem:v18+s9+$0x0], $0xffff;
	[tilespmem:v4+s12+$0x0] =	vst.idx.msk $0xffff, v22  }
0xba: {  	v22 =	vor.u32 v6, v28;
	v4 =	vld.idx.msk [tilespmem:v19+s9+$0x0], $0xffff;
	v19 =	vor.u32 v14, v2;
	[tilespmem:v21+s12+$0x0] =	vst.idx.msk $0xffff, v20  }
0xbb: {  	v21 =	vor.u32 v15, v2;
	v20 =	vld.idx.msk [tilespmem:v25+s9+$0x0], $0xffff;
	v25 =	vor.u32 v7, v28;
	[tilespmem:v1+s12+$0x0] =	vst.idx.msk $0xffff, v0  }
0xbc: {  	v29 =	vor.u32 v8, v28;
	v1 =	vor.u32 v56, v2;
	v0 =	vld.idx.msk [tilespmem:v26+s9+$0x0], $0xffff;
	v26 =	vor.u32 v59, v2  }
0xbd: {  	v31 =	vor.u32 v57, v2;
	v30 =	vor.u32 v51, v2;
	v32 =	vor.u32 v9, v28;
	v27 =	vld.idx.msk [tilespmem:v27+s9+$0x0], $0xffff  }
0xbe: {  	v2 =	vor.u32 v58, v2;
	v3 =	vld.idx.msk [tilespmem:v3+s9+$0x0], $0xffff;
	[tilespmem:v23+s12+$0x0] =	vst.idx.msk $0xffff, v16;
	v16 =	vor.u32 v10, v28  }
0xbf: {  	[tilespmem:v19+s12+$0x0] =	vst.idx.msk $0xffff, v17;
	v17 =	vld.idx.msk [tilespmem:v22+s9+$0x0], $0xffff;
	v19 =	vor.u32 v11, v28;
	v22 =	vshll.u32 v24, $0x7  }
0xc0: {  	[tilespmem:v21+s12+$0x0] =	vst.idx.msk $0xffff, v18;
	v18 =	vld.idx.msk [tilespmem:v25+s9+$0x0], $0xffff;
	v21 =	vor.u32 v12, v28;
	v22 =	vand.u32 $0x780, v22  }
0xc1: {  	[tilespmem:v1+s12+$0x0] =	vst.idx.msk $0xffff, v4;
	v1 =	vld.idx.msk [tilespmem:v29+s9+$0x0], $0xffff;
	v4 =	vor.u32 v13, v28;
	v23 =	vor.u32 v5, v22  }
0xc2: {  	s23 =	sadd.s32 $0x2, s22;
	v24 =	vor.u32 v14, v22;
	[tilespmem:v26+s12+$0x0] =	vst.idx.msk $0xffff, v20;
	v20 =	vld.idx.msk [tilespmem:v32+s9+$0x0], $0xffff  }
0xc3: {  	v25 =	vor.u32 v15, v22;
	[tilespmem:v30+s12+$0x0] =	vst.idx.msk $0xffff, v0;
	v0 =	vadd.s32 s23, v5;
	v16 =	vld.idx.msk [tilespmem:v16+s9+$0x0], $0xffff  }
0xc4: {  	[tilespmem:v31+s12+$0x0] =	vst.idx.msk $0xffff, v27;
	v26 =	vand.u32 $0xF, v0;
	v19 =	vld.idx.msk [tilespmem:v19+s9+$0x0], $0xffff;
	v27 =	vor.u32 v56, v22  }
0xc5: {  	[tilespmem:v2+s12+$0x0] =	vst.idx.msk $0xffff, v3;
	v2 =	vor.u32 v6, v26;
	v3 =	vld.idx.msk [tilespmem:v21+s9+$0x0], $0xffff;
	v21 =	vor.u32 v59, v22  }
0xc6: {  	v28 =	vor.u32 v7, v26;
	v29 =	vld.idx.msk [tilespmem:v4+s9+$0x0], $0xffff;
	[tilespmem:v23+s12+$0x0] =	vst.idx.msk $0xffff, v17;
	v4 =	vor.u32 v51, v22  }
0xc7: {  	v17 =	vor.u32 v8, v26;
	[tilespmem:v24+s12+$0x0] =	vst.idx.msk $0xffff, v18  }
0xc8: {  	v23 =	vor.u32 v57, v22;
	v18 =	vor.u32 v9, v26;
	[tilespmem:v25+s12+$0x0] =	vst.idx.msk $0xffff, v1  }
0xc9: {  	v24 =	vor.u32 v10, v26;
	[tilespmem:v27+s12+$0x0] =	vst.idx.msk $0xffff, v20;
	v20 =	vor.u32 v58, v22  }
0xca: {  	s23 =	sadd.s32 $0x1, s22;
	v0 =	vshll.u32 v0, $0x7;
	v22 =	vor.u32 v11, v26;
	v30 =	vld.idx.msk [tilespmem:v2+s9+$0x0], $0xffff;
	[tilespmem:v21+s12+$0x0] =	vst.idx.msk $0xffff, v16  }
0xcb: {  	v31 =	vadd.s32 s23, v5;
	v33 =	vand.u32 $0x780, v0;
	v21 =	vor.u32 v12, v26;
	v32 =	vld.idx.msk [tilespmem:v28+s9+$0x0], $0xffff;
	[tilespmem:v4+s12+$0x0] =	vst.idx.msk $0xffff, v19  }
0xcc: {  	v0 =	vand.u32 $0xF, v31;
	v34 =	vor.u32 v5, v33;
	v19 =	vor.u32 v13, v26;
	v1 =	vld.idx.msk [tilespmem:v17+s9+$0x0], $0xffff  }
0xcd: {  	v35 =	vor.u32 v6, v0;
	v36 =	vor.u32 v14, v33;
	v2 =	vld.idx.msk [tilespmem:v18+s9+$0x0], $0xffff;
	[tilespmem:v23+s12+$0x0] =	vst.idx.msk $0xffff, v3  }
.Ltmp0:
0xce: {  	v26 =	vor.u32 v7, v0;
	v4 =	vor.u32 v15, v33;
	v3 =	vld.idx.msk [tilespmem:v24+s9+$0x0], $0xffff;
	[tilespmem:v20+s12+$0x0] =	vst.idx.msk $0xffff, v29;
	(pc) =	sbr.rel @p0 .LBB2_3-.Ltmp0, $4  }
0xcf: {  	v27 =	vor.u32 v8, v0;
	v23 =	vor.u32 v59, v33;
	v24 =	vor.u32 v56, v33;
	v16 =	vld.idx.msk [tilespmem:v22+s9+$0x0], $0xffff  }
0xd0: {  	v25 =	vor.u32 v9, v0;
	v20 =	vor.u32 v57, v33;
	v22 =	vor.u32 v51, v33;
	v17 =	vld.idx.msk [tilespmem:v21+s9+$0x0], $0xffff  }
0xd1: {  	v28 =	vor.u32 v10, v0;
	v21 =	vor.u32 v58, v33;
	v18 =	vld.idx.msk [tilespmem:v19+s9+$0x0], $0xffff;
	[tilespmem:v34+s12+$0x0] =	vst.idx.msk $0xffff, v30  }
0xd2: {  	s22 =	sadd.s32 $0x4, s22;
	v29 =	vor.u32 v11, v0;
	v30 =	vshll.u32 v31, $0x7;
	v19 =	vld.idx.msk [tilespmem:v35+s9+$0x0], $0xffff;
	[tilespmem:v36+s12+$0x0] =	vst.idx.msk $0xffff, v32  }
0xd3: {  	_ =	sdelay $0x3  }
0xd4: {  	v26 =	vld.idx.msk [tilespmem:v26+s9+$0x0], $0xffff;
	v31 =	vor.u32 v12, v0;
	v30 =	vand.u32 $0x780, v30;
	[tilespmem:v4+s12+$0x0] =	vst.idx.msk $0xffff, v1  }
0xd5: {  	v1 =	vld.idx.msk [tilespmem:v27+s9+$0x0], $0xffff;
	v0 =	vor.u32 v13, v0;
	v4 =	vor.u32 v5, v30;
	[tilespmem:v24+s12+$0x0] =	vst.idx.msk $0xffff, v2  }
0xd6: {  	v2 =	vld.idx.msk [tilespmem:v25+s9+$0x0], $0xffff;
	v24 =	vor.u32 v14, v30;
	[tilespmem:v23+s12+$0x0] =	vst.idx.msk $0xffff, v3  }
0xd7: {  	v3 =	vld.idx.msk [tilespmem:v28+s9+$0x0], $0xffff;
	v23 =	vor.u32 v15, v30;
	[tilespmem:v22+s12+$0x0] =	vst.idx.msk $0xffff, v16  }
0xd8: {  	v16 =	vld.idx.msk [tilespmem:v29+s9+$0x0], $0xffff;
	v22 =	vor.u32 v56, v30;
	[tilespmem:v20+s12+$0x0] =	vst.idx.msk $0xffff, v17  }
0xd9: {  	v20 =	vor.u32 v59, v30;
	v17 =	vld.idx.msk [tilespmem:v31+s9+$0x0], $0xffff;
	[tilespmem:v21+s12+$0x0] =	vst.idx.msk $0xffff, v18  }
0xda: {  	v0 =	vld.idx.msk [tilespmem:v0+s9+$0x0], $0xffff;
	[tilespmem:v4+s12+$0x0] =	vst.idx.msk $0xffff, v19  }
0xdb: {  	s24 =	simm.s32 $0x1;
	[tilespmem:v24+s12+$0x0] =	vst.idx.msk $0xffff, v26  }
0xdc: {  	s22 =	simm.s32 $0x2;
	v4 =	vor.u32 v51, v30;
	[tilespmem:v23+s12+$0x0] =	vst.idx.msk $0xffff, v1;
	v23 =	vadd.s32 s24, v5  }
0xdd: {  	v18 =	vadd.s32 s22, v5;
	v19 =	vor.u32 v57, v30;
	[tilespmem:v22+s12+$0x0] =	vst.idx.msk $0xffff, v2;
	v2 =	vor.u32 $0x10, v23  }
0xde: {  	v21 =	vor.u32 v58, v30;
	v24 =	vor.u32 $0x10, v18;
	[tilespmem:v20+s12+$0x0] =	vst.idx.msk $0xffff, v3;
	v3 =	vand.u32 $0x1F, v2  }
0xdf: {  	v25 =	vand.u32 $0x1F, v24;
	v28 =	vor.u32 v10, v3  }
0xe0: {  	v26 =	vor.u32 v8, v25  }
0xe1: {  	v20 =	vor.u32 v6, v25;
	[tilespmem:v4+s12+$0x0] =	vst.idx.msk $0xffff, v16  }
0xe2: {  	v16 =	vor.u32 v6, v3;
	[tilespmem:v19+s12+$0x0] =	vst.idx.msk $0xffff, v17  }
0xe3: {  	s23 =	simm.s32 $0x3;
	v1 =	vadd.s32 s21, v5;
	v17 =	vor.u32 v7, v25;
	[tilespmem:v21+s12+$0x0] =	vst.idx.msk $0xffff, v0  }
0xe4: {  	v22 =	vadd.s32 s23, v5;
	v0 =	vshll.u32 v23, $0x7;
	v23 =	vor.u32 v7, v3;
	v5 =	vld.idx.msk [tilespmem:v28+s9+$0x0], $0xffff  }
0xe5: {  	v21 =	vshll.u32 v24, $0x7;
	v24 =	vor.u32 v12, v3;
	v29 =	vld.idx.msk [tilespmem:v26+s9+$0x0], $0xffff  }
0xe6: {  	v20 =	vld.idx.msk [tilespmem:v20+s9+$0x0], $0xffff  }
0xe7: {  	v34 =	vld.idx.msk [tilespmem:v16+s9+$0x0], $0xffff  }
0xe8: {  	v36 =	vld.idx.msk [tilespmem:v17+s9+$0x0], $0xffff  }
0xe9: {  	v33 =	vor.u32 $0x10, v22;
	v41 =	vld.idx.msk [tilespmem:v23+s9+$0x0], $0xffff;
	[tilespmem:$0x1FE90] =	vst v5  }
0xea: {  	v35 =	vand.u32 $0x1F, v33;
	v26 =	vor.u32 v10, v25;
	v16 =	vld.idx.msk [tilespmem:v24+s9+$0x0], $0xffff  }
0xeb: {  	v40 =	vor.u32 v10, v35;
	_ =	sdelay $0x1  }
0xec: {  	v18 =	vshll.u32 v18, $0x7  }
0xed: {  	v18 =	vand.u32 $0x380, v18;
	v21 =	vand.u32 $0xC00, v21  }
0xee: {  	v21 =	vor.u32 v18, v21;
	v18 =	vor.u32 v11, v25;
	v43 =	vld.idx.msk [tilespmem:v26+s9+$0x0], $0xffff;
	[tilespmem:$0x1FEA0] =	vst v16  }
0xef: {  	v39 =	vor.u32 v8, v35;
	v16 =	vld.idx.msk [tilespmem:v40+s9+$0x0], $0xffff  }
0xf0: {  	v2 =	vshll.u32 v2, $0x7;
	v42 =	vor.u32 v6, v35  }
0xf1: {  	v32 =	vor.u32 v9, v25;
	v4 =	vor.u32 $0x10, v1;
	v2 =	vand.u32 $0xC00, v2  }
0xf2: {  	v27 =	vand.u32 $0x1F, v4;
	v0 =	vand.u32 $0x380, v0;
	v23 =	vor.u32 v12, v25  }
0xf3: {  	v0 =	vor.u32 v0, v2;
	v2 =	vld.idx.msk [tilespmem:v18+s9+$0x0], $0xffff;
	v18 =	vor.u32 v10, v27  }
0xf4: {  	v31 =	vor.u32 v9, v3;
	v19 =	vor.u32 v13, v25;
	v63 =	vld.idx.msk [tilespmem:v39+s9+$0x0], $0xffff;
	[tilespmem:$0x1FEE0] =	vst v16  }
0xf5: {  	v37 =	vor.u32 v13, v3;
	v48 =	vor.u32 v8, v3;
	v3 =	vor.u32 v11, v3;
	v62 =	vld.idx.msk [tilespmem:v42+s9+$0x0], $0xffff  }
0xf6: {  	v32 =	vld.idx.msk [tilespmem:v32+s9+$0x0], $0xffff  }
0xf7: {  	v28 =	vshll.u32 v33, $0x7;
	v17 =	vmov v56;
	v23 =	vld.idx.msk [tilespmem:v23+s9+$0x0], $0xffff  }
0xf8: {  	v44 =	vlaneseq.u32;
	v60 =	vld.idx.msk [tilespmem:v18+s9+$0x0], $0xffff;
	v18 =	vand.u32 $0xC00, v28;
	v28 =	vor.u32 v17, v0  }
0xf9: {  	v38 =	vor.u32 v44, v21;
	v19 =	vld.idx.msk [tilespmem:v19+s9+$0x0], $0xffff;
	[tilespmem:$0x1FEF0] =	vst v28  }
0xfa: {  	v16 =	vmov v51;
	v51 =	vor.u32 v7, v35;
	v3 =	vld.idx.msk [tilespmem:v3+s9+$0x0], $0xffff;
	_ =	sdelay $0x3  }
0xfb: {  	v22 =	vshll.u32 v22, $0x7;
	[tilespmem:v38+s12+$0x0] =	vst.idx.msk $0xffff, v20  }
0xfc: {  	v22 =	vand.u32 $0x380, v22;
	v25 =	vor.u32 v14, v21;
	v28 =	vld.idx.msk [tilespmem:v51+s9+$0x0], $0xffff;
	[tilespmem:$0x1FEB0] =	vst v3  }
0xfd: {  	v38 =	vor.u32 v22, v18;
	v18 =	vld.idx.msk [tilespmem:v31+s9+$0x0], $0xffff  }
0xfe: {  	v5 =	vor.u32 v15, v21  }
0xff: {  	v54 =	vor.u32 v11, v27;
	v45 =	vor.u32 v56, v21  }
0x100: {  	v46 =	vor.u32 v12, v35;
	v24 =	vor.u32 v59, v21  }
0x101: {  	v47 =	vor.u32 v13, v35;
	v26 =	vmov v57;
	v42 =	vor.u32 v16, v21;
	[tilespmem:v25+s12+$0x0] =	vst.idx.msk $0xffff, v36  }
0x102: {  	v1 =	vshll.u32 v1, $0x7;
	v40 =	vmovc v58;
	v3 =	vor.u32 v26, v21;
	v31 =	vor.u32 v7, v27;
	[tilespmem:$0x1FF00] =	vst v18  }
0x103: {  	v4 =	vshll.u32 v4, $0x7;
	v30 =	vor.u32 v6, v27;
	v25 =	vor.u32 v40, v21;
	[tilespmem:v5+s12+$0x0] =	vst.idx.msk $0xffff, v29  }
0x104: {  	v1 =	vand.u32 $0x380, v1;
	v50 =	vor.u32 v9, v27;
	v4 =	vand.u32 $0xC00, v4;
	v51 =	vld.idx.msk [tilespmem:v54+s9+$0x0], $0xffff;
	[tilespmem:v45+s12+$0x0] =	vst.idx.msk $0xffff, v32  }
0x105: {  	v52 =	vor.u32 v8, v27;
	v1 =	vor.u32 v1, v4;
	v4 =	vld.idx.msk [tilespmem:v48+s9+$0x0], $0xffff;
	[tilespmem:v24+s12+$0x0] =	vst.idx.msk $0xffff, v43  }
0x106: {  	v55 =	vor.u32 v12, v27;
	v56 =	vor.u32 v13, v27;
	v27 =	vld.idx.msk [tilespmem:v46+s9+$0x0], $0xffff;
	[tilespmem:v42+s12+$0x0] =	vst.idx.msk $0xffff, v2  }
0x107: {  	v31 =	vld.idx.msk [tilespmem:v31+s9+$0x0], $0xffff;
	[tilespmem:v3+s12+$0x0] =	vst.idx.msk $0xffff, v23  }
0x108: {  	v45 =	vld.idx.msk [tilespmem:v30+s9+$0x0], $0xffff;
	v2 =	vor.u32 v40, v38;
	[tilespmem:v25+s12+$0x0] =	vst.idx.msk $0xffff, v19  }
0x109: {  	v19 =	vld.idx.msk [tilespmem:v47+s9+$0x0], $0xffff;
	[tilespmem:$0x1FEC0] =	vst v2  }
0x10a: {  	v2 =	vld.idx.msk [tilespmem:v37+s9+$0x0], $0xffff  }
0x10b: {  	v57 =	vor.u32 v9, v35  }
0x10c: {  	v35 =	vor.u32 v11, v35  }
0x10d: {  	v49 =	vor.u32 v44, v0;
	v61 =	vor.u32 v26, v1;
	v18 =	vmov v59  }
0x10e: {  	v36 =	vor.u32 v44, v38;
	v46 =	vor.u32 v16, v1;
	v48 =	vor.u32 v18, v1  }
0x10f: {  	v54 =	vor.u32 v15, v1;
	v24 =	vor.u32 v40, v1;
	v23 =	vor.u32 v40, v0;
	[tilespmem:$0x1FED0] =	vst v2  }
0x110: {  	v47 =	vor.u32 v17, v1;
	v37 =	vor.u32 v14, v1;
	v1 =	vor.u32 v44, v1;
	v40 =	vld.idx.msk [tilespmem:v57+s9+$0x0], $0xffff  }
0x111: {  	v53 =	vor.u32 v14, v0;
	v25 =	vld.idx.msk [tilespmem:v35+s9+$0x0], $0xffff  }
0x112: {  	v29 =	vor.u32 v14, v38;
	v42 =	vld.idx.msk [tilespmem:v55+s9+$0x0], $0xffff  }
0x113: {  	[tilespmem:v49+s12+$0x0] =	vst.idx.msk $0xffff, v34;
	v50 =	vld.idx.msk [tilespmem:v50+s9+$0x0], $0xffff  }
0x114: {  	v39 =	vor.u32 v15, v0;
	v52 =	vld.idx.msk [tilespmem:v52+s9+$0x0], $0xffff;
	[tilespmem:v36+s12+$0x0] =	vst.idx.msk $0xffff, v62  }
0x115: {  	v58 =	vor.u32 v15, v38;
	v33 =	vld.idx.msk [tilespmem:v56+s9+$0x0], $0xffff;
	[tilespmem:v1+s12+$0x0] =	vst.idx.msk $0xffff, v45  }
0x116: {  	s23 =	simm.s32 $0x6;
	v20 =	vor.u32 v59, v0;
	[tilespmem:v53+s12+$0x0] =	vst.idx.msk $0xffff, v41  }
0x117: {  	v22 =	vor.u32 v26, v0;
	v59 =	vor.u32 v17, v38;
	v57 =	vadd.s32 s23, v44;
	[tilespmem:v29+s12+$0x0] =	vst.idx.msk $0xffff, v28  }
0x118: {  	s24 =	simm.s32 $0x4;
	v21 =	vor.u32 v16, v0;
	v16 =	vor.u32 v16, v38;
	v49 =	vor.u32 $0x10, v57;
	[tilespmem:v37+s12+$0x0] =	vst.idx.msk $0xffff, v31  }
0x119: {  	s22 =	simm.s32 $0x5;
	v5 =	vadd.s32 s24, v44;
	v32 =	vor.u32 v26, v38;
	v53 =	vand.u32 $0x1F, v49;
	[tilespmem:v39+s12+$0x0] =	vst.idx.msk $0xffff, v4  }
0x11a: {  	s24 =	simm.s32 $0x7;
	v26 =	vor.u32 v18, v38;
	v35 =	vadd.s32 s22, v44;
	[tilespmem:v58+s12+$0x0] =	vst.idx.msk $0xffff, v63;
	v3 =	vor.u32 v7, v53  }
0x11b: {  	v30 =	vadd.s32 s24, v44;
	v2 =	vor.u32 $0x10, v5;
	v43 =	vor.u32 $0x10, v35;
	[tilespmem:v54+s12+$0x0] =	vst.idx.msk $0xffff, v52  }
0x11c: {  	v55 =	vshll.u32 v57, $0x7;
	v28 =	vand.u32 $0x1F, v2;
	v1 =	vshll.u32 v35, $0x7;
	[tilespmem:v59+s12+$0x0] =	vst.idx.msk $0xffff, v40  }
0x11d: {  	v38 =	vand.u32 $0x1F, v43;
	v49 =	vshll.u32 v49, $0x7;
	v55 =	vand.u32 $0x380, v55;
	[tilespmem:v47+s12+$0x0] =	vst.idx.msk $0xffff, v50  }
0x11e: {  	v29 =	vor.u32 v6, v53;
	v35 =	vand.u32 $0xC00, v49;
	[tilespmem:v48+s12+$0x0] =	vst.idx.msk $0xffff, v60;
	v60 =	vor.u32 $0x10, v30  }
0x11f: {  	v39 =	vor.u32 v55, v35;
	[tilespmem:v46+s12+$0x0] =	vst.idx.msk $0xffff, v51;
	v55 =	vand.u32 $0x1F, v60;
	v54 =	vshll.u32 v60, $0x7;
	v60 =	vld.idx.msk [tilespmem:v3+s9+$0x0], $0xffff  }
0x120: {  	v36 =	vor.u32 v6, v28;
	v0 =	vor.u32 v6, v38;
	v3 =	vor.u32 v6, v55;
	v6 =	vld [tilespmem:$0x1FEE0];
	_ =	sdelay $0x2  }
0x121: {  	v62 =	vor.u32 v8, v53;
	[tilespmem:v61+s12+$0x0] =	vst.idx.msk $0xffff, v42  }
0x122: {  	v34 =	vshll.u32 v43, $0x7;
	v48 =	vld.idx.msk [tilespmem:v29+s9+$0x0], $0xffff;
	[tilespmem:v24+s12+$0x0] =	vst.idx.msk $0xffff, v33  }
0x123: {  	v1 =	vand.u32 $0x380, v1;
	v4 =	vor.u32 v7, v38;
	v29 =	vld.idx.msk [tilespmem:v0+s9+$0x0], $0xffff;
	v0 =	vand.u32 $0xC00, v34;
	[tilespmem:v26+s12+$0x0] =	vst.idx.msk $0xffff, v6  }
0x124: {  	v49 =	vor.u32 v10, v38;
	v35 =	vor.u32 v1, v0;
	v0 =	vld [tilespmem:$0x1FEF0]  }
0x125: {  	v41 =	vor.u32 v13, v53;
	v47 =	vor.u32 v10, v53  }
0x126: {  	v43 =	vor.u32 v12, v38;
	v37 =	vor.u32 v9, v38;
	v57 =	vor.u32 v9, v53;
	v45 =	vld.idx.msk [tilespmem:v62+s9+$0x0], $0xffff  }
0x127: {  	v31 =	vor.u32 v13, v38;
	v52 =	vor.u32 v44, v39;
	v26 =	vor.u32 v8, v55;
	v1 =	vld [tilespmem:$0x1FF00]  }
0x128: {  	v58 =	vor.u32 v15, v39;
	v56 =	vor.u32 v17, v39;
	v50 =	vor.u32 v11, v53;
	v34 =	vld.idx.msk [tilespmem:v4+s9+$0x0], $0xffff  }
0x129: {  	v59 =	vor.u32 v18, v39;
	v40 =	vor.u32 v9, v28;
	v62 =	vor.u32 v12, v53;
	v46 =	vld.idx.msk [tilespmem:v49+s9+$0x0], $0xffff  }
0x12a: {  	v51 =	vor.u32 v14, v39;
	v4 =	vor.u32 v10, v55;
	v53 =	vor.u32 v12, v55;
	v63 =	vld.idx.msk [tilespmem:v47+s9+$0x0], $0xffff  }
0x12b: {  	v49 =	vor.u32 v13, v55;
	v61 =	vor.u32 v8, v38;
	v42 =	vor.u32 v44, v35;
	v8 =	vld.idx.msk [tilespmem:v43+s9+$0x0], $0xffff  }
0x12c: {  	v33 =	vor.u32 v15, v35;
	v43 =	vld.idx.msk [tilespmem:v26+s9+$0x0], $0xffff;
	[tilespmem:v0+s12+$0x0] =	vst.idx.msk $0xffff, v1;
	v0 =	vshll.u32 v2, $0x7  }
0x12d: {  	s21 =	simm.s32 $0x8;
	v47 =	vor.u32 v10, v28;
	[tilespmem:v16+s12+$0x0] =	vst.idx.msk $0xffff, v25;
	v1 =	vld.idx.msk [tilespmem:v50+s9+$0x0], $0xffff;
	v2 =	vshll.u32 v5, $0x7;
	v0 =	vand.u32 $0xC00, v0  }
.LBB2_5:
0x12e: {  	v6 =	vld [tilespmem:$0x1FE90]  }
0x12f: {  	v7 =	vld [tilespmem:$0x1FEB0];
	_ =	sdelay $0x3  }
0x130: {  	[tilespmem:v20+s12+$0x0] =	vst.idx.msk $0xffff, v6  }
0x131: {  	[tilespmem:v21+s12+$0x0] =	vst.idx.msk $0xffff, v7;
	v7 =	vld [tilespmem:$0x1FEA0];
	_ =	sdelay $0x4  }
0x132: {  	[tilespmem:v22+s12+$0x0] =	vst.idx.msk $0xffff, v7;
	v7 =	vld [tilespmem:$0x1FED0];
	_ =	sdelay $0x1  }
0x133: {  	v16 =	vld [tilespmem:$0x1FF10]  }
0x134: {  	v25 =	vld [tilespmem:$0x1FFA0]  }
0x135: {  	v4 =	vld.idx.msk [tilespmem:v4+s9+$0x0], $0xffff  }
0x136: {  	v14 =	vld [tilespmem:$0x1FF90];
	[tilespmem:v23+s12+$0x0] =	vst.idx.msk $0xffff, v7;
	v7 =	vmov v46  }
0x137: {  	[tilespmem:$0x1FE90] =	vst v7;
	v7 =	vld.idx.msk [tilespmem:v47+s9+$0x0], $0xffff  }
0x138: {  	v26 =	vld [tilespmem:$0x1FFB0]  }
0x139: {  	v24 =	vld [tilespmem:$0x1FF70]  }
0x13a: {  	[tilespmem:v32+s12+$0x0] =	vst.idx.msk $0xffff, v27;
	v27 =	vld.idx.msk [tilespmem:v57+s9+$0x0], $0xffff  }
0x13b: {  	v32 =	vld.idx.msk [tilespmem:v62+s9+$0x0], $0xffff  }
0x13c: {  	[tilespmem:$0x1FE40] =	vst v7;
	v7 =	vld [tilespmem:$0x1FEC0]  }
0x13d: {  	v44 =	vld [tilespmem:$0x1FF20]  }
0x13e: {  	v41 =	vld.idx.msk [tilespmem:v41+s9+$0x0], $0xffff;
	[tilespmem:$0x1FE50] =	vst v43  }
0x13f: {  	v43 =	vld [tilespmem:$0x1FFC0];
	[tilespmem:$0x1FE60] =	vst v4;
	v4 =	vor.u32 v14, v38  }
0x140: {  	v9 =	vld [tilespmem:$0x1FF80]  }
0x141: {  	v10 =	vld [tilespmem:$0x1FFD0]  }
0x142: {  	v11 =	vld [tilespmem:$0x1FFE0]  }
0x143: {  	v3 =	vld.idx.msk [tilespmem:v3+s9+$0x0], $0xffff  }
0x144: {  	v4 =	vld.idx.msk [tilespmem:v4+s9+$0x0], $0xffff;
	[tilespmem:v7+s12+$0x0] =	vst.idx.msk $0xffff, v19;
	v7 =	vor.u32 v43, v35  }
0x145: {  	v17 =	vshll.u32 v30, $0x7;
	v20 =	vor.u32 v14, v28;
	[tilespmem:$0x1FE70] =	vst v7;
	v7 =	vld.idx.msk [tilespmem:v37+s9+$0x0], $0xffff  }
0x146: {  	v18 =	vand.u32 $0xC00, v54;
	v2 =	vand.u32 $0x380, v2;
	v36 =	vld.idx.msk [tilespmem:v36+s9+$0x0], $0xffff;
	v17 =	vand.u32 $0x380, v17;
	[tilespmem:v52+s12+$0x0] =	vst.idx.msk $0xffff, v48  }
0x147: {  	v15 =	vld [tilespmem:$0x1FF60];
	v0 =	vor.u32 v2, v0;
	v52 =	vor.u32 v17, v18;
	[tilespmem:v51+s12+$0x0] =	vst.idx.msk $0xffff, v60  }
0x148: {  	v21 =	vld [tilespmem:$0x1FF30];
	[tilespmem:v58+s12+$0x0] =	vst.idx.msk $0xffff, v45;
	v22 =	vor.u32 v9, v39;
	v23 =	vor.u32 v25, v28  }
0x149: {  	v50 =	vor.u32 v25, v55;
	v2 =	vld.idx.msk [tilespmem:v61+s9+$0x0], $0xffff;
	[tilespmem:$0x1FEB0] =	vst v4;
	v4 =	vor.u32 v10, v39  }
0x14a: {  	v5 =	vor.u32 v16, v28;
	v19 =	vor.u32 v11, v39;
	[tilespmem:$0x1FE80] =	vst v7;
	v7 =	vld.idx.msk [tilespmem:v20+s9+$0x0], $0xffff  }
0x14b: {  	v12 =	vmov v8;
	v38 =	vor.u32 v26, v35;
	v62 =	vor.u32 v44, v55;
	[tilespmem:v56+s12+$0x0] =	vst.idx.msk $0xffff, v27;
	v20 =	vld [tilespmem:$0x1FFF0]  }
0x14c: {  	v17 =	vlaneseq.u32;
	v6 =	vor.u32 v24, v28;
	v30 =	vor.u32 v14, v55;
	[tilespmem:v59+s12+$0x0] =	vst.idx.msk $0xffff, v63;
	v59 =	vld.idx.msk [tilespmem:v31+s9+$0x0], $0xffff  }
0x14d: {  	s22 =	smov.u32 s21;
	v51 =	vor.u32 v17, v52;
	v8 =	vor.u32 v10, v0;
	[tilespmem:v22+s12+$0x0] =	vst.idx.msk $0xffff, v1;
	v39 =	vld.idx.msk [tilespmem:v23+s9+$0x0], $0xffff  }
0x14e: {  	s24 =	sadd.s32 $0x2, s22;
	v57 =	vor.u32 v21, v28;
	v1 =	vor.u32 v10, v35;
	[tilespmem:v4+s12+$0x0] =	vst.idx.msk $0xffff, v32;
	v48 =	vld.idx.msk [tilespmem:v50+s9+$0x0], $0xffff  }
0x14f: {  	s23 =	sadd.s32 $0x1, s22;
	v28 =	vadd.s32 s24, v17;
	v47 =	vor.u32 v9, v35;
	v23 =	vor.u32 v11, v35;
	[tilespmem:v19+s12+$0x0] =	vst.idx.msk $0xffff, v41;
	v19 =	vld [tilespmem:$0x1FF50]  }
0x150: {  	v60 =	vadd.s32 s23, v17;
	[tilespmem:v42+s12+$0x0] =	vst.idx.msk $0xffff, v29;
	v46 =	vor.u32 v20, v35;
	v35 =	vld.idx.msk [tilespmem:v62+s9+$0x0], $0xffff;
	v62 =	vor.u32 $0x10, v28  }
0x151: {  	v58 =	vor.u32 v11, v52;
	v27 =	vld.idx.msk [tilespmem:v53+s9+$0x0], $0xffff;
	v29 =	vor.u32 $0x10, v60;
	[tilespmem:v38+s12+$0x0] =	vst.idx.msk $0xffff, v34;
	v34 =	vand.u32 $0x1F, v62  }
0x152: {  	v22 =	vld.idx.msk [tilespmem:v49+s9+$0x0], $0xffff;
	v38 =	vand.u32 $0x1F, v29;
	v55 =	vshll.u32 v29, $0x7;
	v29 =	vor.u32 v16, v34  }
0x153: {  	v50 =	vor.u32 v11, v0;
	v11 =	vld.idx.msk [tilespmem:v30+s9+$0x0], $0xffff;
	[tilespmem:v51+s12+$0x0] =	vst.idx.msk $0xffff, v3;
	v3 =	vor.u32 v15, v38  }
0x154: {  	v40 =	vld.idx.msk [tilespmem:v40+s9+$0x0], $0xffff;
	v31 =	vor.u32 v26, v0;
	v4 =	vor.u32 v9, v0;
	v49 =	vor.u32 v43, v0  }
0x155: {  	v6 =	vld.idx.msk [tilespmem:v6+s9+$0x0], $0xffff;
	v54 =	vor.u32 v19, v0;
	v53 =	vor.u32 v20, v0;
	v0 =	vor.u32 v17, v0  }
0x156: {  	v5 =	vld.idx.msk [tilespmem:v5+s9+$0x0], $0xffff  }
0x157: {  	[tilespmem:v33+s12+$0x0] =	vst.idx.msk $0xffff, v2;
	v45 =	vld.idx.msk [tilespmem:v29+s9+$0x0], $0xffff  }
0x158: {  	[tilespmem:$0x1FEA0] =	vst v12;
	v29 =	vld.idx.msk [tilespmem:v3+s9+$0x0], $0xffff  }
0x159: {  	[tilespmem:$0x1FED0] =	vst v59;
	v3 =	vld [tilespmem:$0x1FE40]  }
0x15a: {  	v13 =	vld.idx.msk [tilespmem:v57+s9+$0x0], $0xffff;
	[tilespmem:v0+s12+$0x0] =	vst.idx.msk $0xffff, v36  }
0x15b: {  	v18 =	vld [tilespmem:$0x1FF40];
	v63 =	vor.u32 v43, v52;
	v9 =	vor.u32 v9, v52;
	[tilespmem:v31+s12+$0x0] =	vst.idx.msk $0xffff, v39  }
0x15c: {  	v56 =	vshll.u32 v60, $0x7;
	v32 =	vor.u32 v10, v52;
	v37 =	vor.u32 v26, v52;
	[tilespmem:v54+s12+$0x0] =	vst.idx.msk $0xffff, v5  }
0x15d: {  	v10 =	vadd.s32 s22, v17;
	v42 =	vor.u32 v24, v38;
	v51 =	vor.u32 v15, v34;
	[tilespmem:v49+s12+$0x0] =	vst.idx.msk $0xffff, v40  }
0x15e: {  	s22 =	sadd.s32 $0x3, s22;
	v12 =	vor.u32 $0x10, v10;
	v59 =	vor.u32 v19, v52;
	v33 =	vor.u32 v25, v34;
	[tilespmem:v53+s12+$0x0] =	vst.idx.msk $0xffff, v3  }
0x15f: {  	v30 =	vadd.s32 s22, v17;
	v61 =	vor.u32 v20, v52;
	v0 =	vor.u32 v25, v38;
	[tilespmem:v4+s12+$0x0] =	vst.idx.msk $0xffff, v7;
	v4 =	vld [tilespmem:$0x1FE50]  }
0x160: {  	v52 =	vshll.u32 v28, $0x7;
	v60 =	vshll.u32 v62, $0x7;
	v5 =	vor.u32 v18, v34  }
0x161: {  	[tilespmem:v37+s12+$0x0] =	vst.idx.msk $0xffff, v48;
	v52 =	vand.u32 $0x380, v52;
	v41 =	vor.u32 v21, v34;
	v62 =	vand.u32 $0xC00, v60  }
0x162: {  	v57 =	vor.u32 v44, v34;
	v14 =	vor.u32 v14, v34;
	v60 =	vor.u32 $0x10, v30;
	v48 =	vld.idx.msk [tilespmem:v51+s9+$0x0], $0xffff  }
0x163: {  	v54 =	vshll.u32 v60, $0x7;
	v40 =	vand.u32 $0xC00, v55;
	v55 =	vand.u32 $0x1F, v60;
	v60 =	vld.idx.msk [tilespmem:v33+s9+$0x0], $0xffff  }
0x164: {  	v39 =	vor.u32 v52, v62;
	v62 =	vor.u32 v24, v34;
	v34 =	vld.idx.msk [tilespmem:v0+s9+$0x0], $0xffff;
	[tilespmem:v59+s12+$0x0] =	vst.idx.msk $0xffff, v4  }
0x165: {  	v2 =	vor.u32 v18, v38;
	v28 =	vand.u32 $0x1F, v12;
	[tilespmem:v63+s12+$0x0] =	vst.idx.msk $0xffff, v35;
	v63 =	vld.idx.msk [tilespmem:v5+s9+$0x0], $0xffff  }
0x166: {  	v37 =	vor.u32 v44, v38;
	v36 =	vor.u32 v15, v28;
	v31 =	vor.u32 v21, v38;
	v5 =	vld [tilespmem:$0x1FE70]  }
0x167: {  	[tilespmem:$0x1FEC0] =	vst v58;
	v52 =	vor.u32 v17, v39;
	v51 =	vor.u32 v26, v39;
	v58 =	vor.u32 v19, v39;
	v0 =	vld [tilespmem:$0x1FE60]  }
0x168: {  	v49 =	vor.u32 v21, v55;
	v21 =	vmovc v47;
	v3 =	vor.u32 v15, v55;
	v15 =	vor.u32 v16, v55  }
0x169: {  	p0 =	slt.u32 s21, $0xC;
	v47 =	vor.u32 v18, v28;
	v53 =	vor.u32 v24, v55;
	v7 =	vand.u32 $0x380, v56;
	[tilespmem:v8+s12+$0x0] =	vst.idx.msk $0xffff, v6;
	v6 =	vld [tilespmem:$0x1FE80]  }
.Ltmp1:
0x16a: {  	v56 =	vor.u32 v43, v39;
	v8 =	vld.idx.msk [tilespmem:v42+s9+$0x0], $0xffff;
	[tilespmem:v50+s12+$0x0] =	vst.idx.msk $0xffff, v13;
	v59 =	vor.u32 v20, v39;
	(pc) =	sbr.rel @p0 .LBB2_5-.Ltmp1, $4  }
0x16b: {  	v20 =	vmovc v46;
	v4 =	vor.u32 v18, v55;
	v35 =	vor.u32 v7, v40;
	v40 =	vor.u32 v44, v28  }
0x16c: {  	v46 =	vld.idx.msk [tilespmem:v2+s9+$0x0], $0xffff;
	[tilespmem:v61+s12+$0x0] =	vst.idx.msk $0xffff, v0;
	v61 =	vor.u32 v16, v38;
	v42 =	vor.u32 v17, v35  }
0x16d: {  	v33 =	vor.u32 v19, v35;
	v0 =	vshll.u32 v12, $0x7;
	v43 =	vld.idx.msk [tilespmem:v15+s9+$0x0], $0xffff;
	[tilespmem:v9+s12+$0x0] =	vst.idx.msk $0xffff, v11  }
0x16e: {  	s21 =	sadd.s32 $0x4, s21;
	v2 =	vshll.u32 v10, $0x7;
	v19 =	vmovc v22;
	v22 =	vmov v1;
	v1 =	vld.idx.msk [tilespmem:v14+s9+$0x0], $0xffff;
	v0 =	vand.u32 $0xC00, v0;
	[tilespmem:v5+s12+$0x0] =	vst.idx.msk $0xffff, v6  }
0x16f: {  	_ =	sdelay $0x3  }
0x170: {  	[tilespmem:v32+s12+$0x0] =	vst.idx.msk $0xffff, v27  }
0x171: {  	v6 =	vld [tilespmem:$0x1FE90];
	_ =	sdelay $0x4  }
0x172: {  	v50 =	vld [tilespmem:$0x1FFA0];
	[tilespmem:v20+s12+$0x0] =	vst.idx.msk $0xffff, v6  }
0x173: {  	v9 =	vld [tilespmem:$0x1FEB0];
	_ =	sdelay $0x4  }
0x174: {  	v32 =	vld [tilespmem:$0x1FF90];
	[tilespmem:v21+s12+$0x0] =	vst.idx.msk $0xffff, v9  }
0x175: {  	v9 =	vld [tilespmem:$0x1FEA0];
	_ =	sdelay $0x4  }
0x176: {  	[tilespmem:v22+s12+$0x0] =	vst.idx.msk $0xffff, v9  }
0x177: {  	v11 =	vld [tilespmem:$0x1FED0];
	_ =	sdelay $0x4  }
0x178: {  	[tilespmem:v23+s12+$0x0] =	vst.idx.msk $0xffff, v11  }
0x179: {  	v12 =	vld [tilespmem:$0x1FEC0];
	_ =	sdelay $0x3  }
0x17a: {  	v7 =	vld.idx.msk [tilespmem:v57+s9+$0x0], $0xffff  }
0x17b: {  	v24 =	vld.idx.msk [tilespmem:v62+s9+$0x0], $0xffff  }
0x17c: {  	v10 =	vld.idx.msk [tilespmem:v41+s9+$0x0], $0xffff;
	[tilespmem:v52+s12+$0x0] =	vst.idx.msk $0xffff, v48  }
0x17d: {  	v4 =	vld.idx.msk [tilespmem:v4+s9+$0x0], $0xffff;
	[tilespmem:v51+s12+$0x0] =	vst.idx.msk $0xffff, v60  }
0x17e: {  	v3 =	vld.idx.msk [tilespmem:v3+s9+$0x0], $0xffff;
	[tilespmem:v12+s12+$0x0] =	vst.idx.msk $0xffff, v19  }
0x17f: {  	v5 =	vor.u32 v50, v55;
	v51 =	vld [tilespmem:$0x1FF80]  }
0x180: {  	v47 =	vld.idx.msk [tilespmem:v47+s9+$0x0], $0xffff;
	v15 =	vor.u32 v50, v28  }
0x181: {  	v13 =	vld.idx.msk [tilespmem:v37+s9+$0x0], $0xffff;
	[tilespmem:v58+s12+$0x0] =	vst.idx.msk $0xffff, v45  }
0x182: {  	v57 =	vld [tilespmem:$0x1FFD0]  }
0x183: {  	v17 =	vld.idx.msk [tilespmem:v61+s9+$0x0], $0xffff;
	v6 =	vor.u32 v32, v38  }
0x184: {  	v5 =	vld.idx.msk [tilespmem:v5+s9+$0x0], $0xffff;
	[tilespmem:v56+s12+$0x0] =	vst.idx.msk $0xffff, v7;
	v52 =	vor.u32 v51, v39  }
0x185: {  	v26 =	vld.idx.msk [tilespmem:v15+s9+$0x0], $0xffff;
	[tilespmem:v59+s12+$0x0] =	vst.idx.msk $0xffff, v63  }
0x186: {  	v37 =	vld [tilespmem:$0x1FF20]  }
0x187: {  	v21 =	vld.idx.msk [tilespmem:v53+s9+$0x0], $0xffff;
	v14 =	vor.u32 v57, v39  }
0x188: {  	v6 =	vld.idx.msk [tilespmem:v6+s9+$0x0], $0xffff  }
0x189: {  	v58 =	vld [tilespmem:$0x1FFE0];
	[tilespmem:v52+s12+$0x0] =	vst.idx.msk $0xffff, v1  }
0x18a: {  	v44 =	vor.u32 v32, v28;
	v63 =	vld [tilespmem:$0x1FF70]  }
0x18b: {  	v19 =	vor.u32 v32, v55;
	v16 =	vor.u32 v37, v55;
	v55 =	vld [tilespmem:$0x1FFB0]  }
0x18c: {  	v18 =	vshll.u32 v30, $0x7;
	v7 =	vld.idx.msk [tilespmem:v36+s9+$0x0], $0xffff;
	[tilespmem:v14+s12+$0x0] =	vst.idx.msk $0xffff, v24  }
0x18d: {  	v18 =	vand.u32 $0x380, v18;
	v59 =	vand.u32 $0xC00, v54;
	v36 =	vld [tilespmem:$0x1FF10]  }
0x18e: {  	v25 =	vlaneseq.u32;
	v12 =	vor.u32 v18, v59;
	v20 =	vor.u32 v58, v39;
	v39 =	vld [tilespmem:$0x1FF30]  }
0x18f: {  	v9 =	vld.idx.msk [tilespmem:v44+s9+$0x0], $0xffff;
	v15 =	vor.u32 v25, v12  }
0x190: {  	v22 =	vld.idx.msk [tilespmem:v49+s9+$0x0], $0xffff;
	v1 =	vor.u32 v63, v28;
	v18 =	vor.u32 v55, v35  }
0x191: {  	v2 =	vand.u32 $0x380, v2;
	v23 =	vld.idx.msk [tilespmem:v31+s9+$0x0], $0xffff  }
0x192: {  	v0 =	vor.u32 v2, v0;
	v61 =	vld.idx.msk [tilespmem:v19+s9+$0x0], $0xffff;
	[tilespmem:v42+s12+$0x0] =	vst.idx.msk $0xffff, v29;
	v60 =	vor.u32 v36, v28  }
0x193: {  	v16 =	vld.idx.msk [tilespmem:v16+s9+$0x0], $0xffff;
	[tilespmem:v20+s12+$0x0] =	vst.idx.msk $0xffff, v10;
	v2 =	vor.u32 v55, v12;
	v24 =	vor.u32 v39, v28  }
0x194: {  	v19 =	vor.u32 v25, v0;
	v20 =	vld.idx.msk [tilespmem:v40+s9+$0x0], $0xffff;
	[tilespmem:v15+s12+$0x0] =	vst.idx.msk $0xffff, v3  }
0x195: {  	v1 =	vld.idx.msk [tilespmem:v1+s9+$0x0], $0xffff;
	[tilespmem:v18+s12+$0x0] =	vst.idx.msk $0xffff, v34  }
0x196: {  	v40 =	vld [tilespmem:$0x1FF50]  }
0x197: {  	v14 =	vld.idx.msk [tilespmem:v60+s9+$0x0], $0xffff  }
0x198: {  	[tilespmem:v2+s12+$0x0] =	vst.idx.msk $0xffff, v5;
	v5 =	vld.idx.msk [tilespmem:v24+s9+$0x0], $0xffff  }
0x199: {  	v56 =	vld [tilespmem:$0x1FFC0];
	[tilespmem:v19+s12+$0x0] =	vst.idx.msk $0xffff, v7  }
0x19a: {  	v59 =	vld [tilespmem:$0x1FFF0]  }
0x19b: {  	v18 =	vor.u32 v55, v0  }
0x19c: {  	v3 =	vor.u32 v40, v0  }
0x19d: {  	[tilespmem:v33+s12+$0x0] =	vst.idx.msk $0xffff, v17;
	v17 =	vor.u32 v40, v12  }
0x19e: {  	v2 =	vor.u32 v56, v0  }
0x19f: {  	v7 =	vor.u32 v59, v0  }
0x1a0: {  	[tilespmem:v18+s12+$0x0] =	vst.idx.msk $0xffff, v26;
	v62 =	vor.u32 v56, v35  }
0x1a1: {  	v15 =	vor.u32 v51, v0;
	[tilespmem:v3+s12+$0x0] =	vst.idx.msk $0xffff, v14  }
0x1a2: {  	v3 =	vor.u32 v56, v12;
	[tilespmem:v17+s12+$0x0] =	vst.idx.msk $0xffff, v43  }
0x1a3: {  	[tilespmem:v2+s12+$0x0] =	vst.idx.msk $0xffff, v20;
	v2 =	vor.u32 v59, v12  }
0x1a4: {  	[tilespmem:v7+s12+$0x0] =	vst.idx.msk $0xffff, v47;
	v7 =	vor.u32 v57, v0  }
0x1a5: {  	[tilespmem:v62+s12+$0x0] =	vst.idx.msk $0xffff, v13;
	v0 =	vor.u32 v58, v0  }
0x1a6: {  	v14 =	vor.u32 v51, v12;
	[tilespmem:v15+s12+$0x0] =	vst.idx.msk $0xffff, v9  }
0x1a7: {  	[tilespmem:v3+s12+$0x0] =	vst.idx.msk $0xffff, v16;
	v3 =	vor.u32 v57, v12  }
0x1a8: {  	[tilespmem:v2+s12+$0x0] =	vst.idx.msk $0xffff, v4;
	v2 =	vor.u32 v59, v35  }
0x1a9: {  	[tilespmem:v7+s12+$0x0] =	vst.idx.msk $0xffff, v1;
	v1 =	vor.u32 v51, v35  }
0x1aa: {  	[tilespmem:v0+s12+$0x0] =	vst.idx.msk $0xffff, v5;
	v0 =	vor.u32 v57, v35  }
0x1ab: {  	[tilespmem:v14+s12+$0x0] =	vst.idx.msk $0xffff, v61;
	v5 =	vor.u32 v58, v12  }
0x1ac: {  	v4 =	vor.u32 v58, v35;
	[tilespmem:v3+s12+$0x0] =	vst.idx.msk $0xffff, v21  }
0x1ad: {  	[tilespmem:v2+s12+$0x0] =	vst.idx.msk $0xffff, v46  }
0x1ae: {  	[tilespmem:v1+s12+$0x0] =	vst.idx.msk $0xffff, v6  }
0x1af: {  	[tilespmem:v0+s12+$0x0] =	vst.idx.msk $0xffff, v8  }
0x1b0: {  	s22 =	sshll.u32 s19, $0x12;
	[tilespmem:v5+s12+$0x0] =	vst.idx.msk $0xffff, v22  }
0x1b1: {  	s22 =	sor.u32 s4, s22;
	[tilespmem:v4+s12+$0x0] =	vst.idx.msk $0xffff, v23  }
0x1b2: {  	s21 =	simm.s32 $0x0;
	s22 =	sshrl.u32 s22, $0x3;
	v44 =	vld [tilespmem:$0x1FF60]  }
0x1b3: {  	s22 =	sadd.s32 s2, s22;
	v0 =	vadd.s32 s21, v25  }
0x1b4: {  	v1 =	vand.u32 $0xF, v0;
	[hbm4b:s22+s7] =	stream.strided.scatter [tilespmem:s12], [sflag:$0x3], $0x1000, s13, s7, $0x38;
	[tilespmem:$0xA400] =	vst v63  }
0x1b5: {  	v3 =	vor.u32 v50, v1;
	_ =	swait.ge [sflag:s14], $0x1000  }
0x1b6: {  	v4 =	vor.u32 v36, v1;
	v38 =	vld [tilespmem:$0x1FF40]  }
0x1b7: {  	v2 =	vor.u32 v44, v1  }
0x1b8: {  	v5 =	vor.u32 v37, v1;
	[sflag:s14] =	ssyncset.done $0x0  }
0x1b9: {  	v7 =	vor.u32 v32, v1;
	[sflag:s14] =	ssyncadd.s32 $0xFFFFF000  }
0x1ba: {  	s24 =	simm.s32 $0x3;
	v0 =	vshll.u32 v0, $0x7;
	v33 =	vor.u32 v63, v1;
	v3 =	vld.idx.msk [tilespmem:v3+s10+$0x0], $0xffff  }
0x1bb: {  	v34 =	vadd.s32 s24, v25;
	v0 =	vand.u32 $0x780, v0;
	v4 =	vld.idx.msk [tilespmem:v4+s10+$0x0], $0xffff;
	v6 =	vor.u32 v38, v1  }
0x1bc: {  	v41 =	vand.u32 $0xF, v34;
	v35 =	vor.u32 v25, v0;
	v1 =	vor.u32 v39, v1;
	v2 =	vld.idx.msk [tilespmem:v2+s10+$0x0], $0xffff  }
0x1bd: {  	v49 =	vor.u32 v63, v41;
	v42 =	vor.u32 v55, v0;
	v5 =	vld.idx.msk [tilespmem:v5+s10+$0x0], $0xffff  }
0x1be: {  	v11 =	vor.u32 v39, v41;
	v45 =	vor.u32 v40, v0;
	v7 =	vld.idx.msk [tilespmem:v7+s10+$0x0], $0xffff  }
0x1bf: {  	v19 =	vor.u32 v37, v41;
	v17 =	vor.u32 v56, v0;
	v43 =	vor.u32 v44, v41;
	v8 =	vld.idx.msk [tilespmem:v33+s10+$0x0], $0xffff  }
0x1c0: {  	v15 =	vor.u32 v50, v41;
	v9 =	vshll.u32 v34, $0x7;
	v18 =	vor.u32 v59, v0;
	v6 =	vld.idx.msk [tilespmem:v6+s10+$0x0], $0xffff  }
0x1c1: {  	v16 =	vor.u32 v36, v41;
	v1 =	vld.idx.msk [tilespmem:v1+s10+$0x0], $0xffff;
	[tilespmem:v35+s15+$0x0] =	vst.idx.msk $0xffff, v2;
	v2 =	vor.u32 v51, v0  }
0x1c2: {  	v53 =	vld.idx.msk [tilespmem:v49+s10+$0x0], $0xffff;
	v46 =	vor.u32 v38, v41;
	[tilespmem:v42+s15+$0x0] =	vst.idx.msk $0xffff, v3;
	v3 =	vor.u32 v57, v0  }
0x1c3: {  	v9 =	vand.u32 $0x780, v9;
	v11 =	vld.idx.msk [tilespmem:v11+s10+$0x0], $0xffff;
	v0 =	vor.u32 v58, v0;
	[tilespmem:v45+s15+$0x0] =	vst.idx.msk $0xffff, v4  }
0x1c4: {  	s23 =	simm.s32 $0x2;
	v48 =	vor.u32 v32, v41;
	v47 =	vld.idx.msk [tilespmem:v43+s10+$0x0], $0xffff;
	[tilespmem:v17+s15+$0x0] =	vst.idx.msk $0xffff, v5;
	v5 =	vor.u32 v25, v9  }
0x1c5: {  	v4 =	vld.idx.msk [tilespmem:v15+s10+$0x0], $0xffff;
	v17 =	vadd.s32 s23, v25;
	[tilespmem:v18+s15+$0x0] =	vst.idx.msk $0xffff, v6;
	v6 =	vor.u32 v55, v9  }
0x1c6: {  	v15 =	vld.idx.msk [tilespmem:v16+s10+$0x0], $0xffff;
	v18 =	vand.u32 $0xF, v17;
	[tilespmem:v2+s15+$0x0] =	vst.idx.msk $0xffff, v7;
	v2 =	vor.u32 v40, v9  }
0x1c7: {  	v54 =	vor.u32 v56, v9;
	v10 =	vld.idx.msk [tilespmem:v46+s10+$0x0], $0xffff;
	v52 =	vor.u32 v44, v18;
	[tilespmem:v3+s15+$0x0] =	vst.idx.msk $0xffff, v8  }
0x1c8: {  	v60 =	vor.u32 v51, v9;
	v16 =	vld.idx.msk [tilespmem:v19+s10+$0x0], $0xffff;
	v3 =	vor.u32 v50, v18;
	[tilespmem:v0+s15+$0x0] =	vst.idx.msk $0xffff, v1  }
0x1c9: {  	s24 =	simm.s32 $0x1;
	v7 =	vld.idx.msk [tilespmem:v48+s10+$0x0], $0xffff;
	v0 =	vor.u32 v36, v18;
	v1 =	vor.u32 v59, v9;
	[tilespmem:v5+s15+$0x0] =	vst.idx.msk $0xffff, v47  }
0x1ca: {  	v62 =	vadd.s32 s24, v25;
	v5 =	vor.u32 v37, v18;
	[tilespmem:v6+s15+$0x0] =	vst.idx.msk $0xffff, v4;
	v4 =	vor.u32 v38, v18  }
0x1cb: {  	v30 =	vshll.u32 v62, $0x7;
	v6 =	vor.u32 v57, v9;
	v9 =	vor.u32 v58, v9;
	[tilespmem:v2+s15+$0x0] =	vst.idx.msk $0xffff, v15  }
0x1cc: {  	v13 =	vld.idx.msk [tilespmem:v52+s10+$0x0], $0xffff;
	v15 =	vor.u32 v32, v18;
	v2 =	vshll.u32 v17, $0x7;
	v17 =	vor.u32 v63, v18  }
0x1cd: {  	v33 =	vmov v36;
	v18 =	vor.u32 v39, v18;
	v19 =	vld.idx.msk [tilespmem:v3+s10+$0x0], $0xffff;
	[tilespmem:v54+s15+$0x0] =	vst.idx.msk $0xffff, v16;
	v61 =	vand.u32 $0x780, v2  }
0x1ce: {  	v52 =	vmov v32;
	v0 =	vld.idx.msk [tilespmem:v0+s10+$0x0], $0xffff;
	[tilespmem:v1+s15+$0x0] =	vst.idx.msk $0xffff, v10;
	v20 =	vor.u32 v25, v61;
	v1 =	vand.u32 $0xF, v62  }
0x1cf: {  	v2 =	vld.idx.msk [tilespmem:v5+s10+$0x0], $0xffff;
	[tilespmem:v60+s15+$0x0] =	vst.idx.msk $0xffff, v7;
	v5 =	vor.u32 v55, v61;
	v7 =	vor.u32 v44, v1  }
0x1d0: {  	v24 =	vor.u32 v56, v61;
	v26 =	vor.u32 v50, v1;
	v3 =	vld.idx.msk [tilespmem:v4+s10+$0x0], $0xffff;
	v4 =	vor.u32 v40, v61  }
0x1d1: {  	v22 =	vor.u32 v59, v61;
	v27 =	vor.u32 v36, v1;
	[tilespmem:v6+s15+$0x0] =	vst.idx.msk $0xffff, v53;
	v16 =	vld.idx.msk [tilespmem:v15+s10+$0x0], $0xffff  }
0x1d2: {  	v23 =	vor.u32 v51, v61;
	v25 =	vor.u32 v37, v1;
	[tilespmem:v9+s15+$0x0] =	vst.idx.msk $0xffff, v11;
	v17 =	vld.idx.msk [tilespmem:v17+s10+$0x0], $0xffff  }
0x1d3: {  	v21 =	vor.u32 v58, v61;
	v28 =	vor.u32 v38, v1;
	v18 =	vld.idx.msk [tilespmem:v18+s10+$0x0], $0xffff;
	[tilespmem:v20+s15+$0x0] =	vst.idx.msk $0xffff, v13  }
0x1d4: {  	v31 =	vlaneseq.u32;
	s22 =	simm.s32 $0x4;
	v29 =	vor.u32 v32, v1;
	v20 =	vor.u32 v57, v61;
	[tilespmem:v5+s15+$0x0] =	vst.idx.msk $0xffff, v19;
	v19 =	vld.idx.msk [tilespmem:v7+s10+$0x0], $0xffff  }
.LBB2_7:
0x1d5: {  	p0 =	slt.u32 s22, $0xC;
	v5 =	vld.idx.msk [tilespmem:v26+s10+$0x0], $0xffff;
	v6 =	vor.u32 v63, v1;
	v7 =	vand.u32 $0x780, v30;
	[tilespmem:v4+s15+$0x0] =	vst.idx.msk $0xffff, v0  }
0x1d6: {  	v1 =	vor.u32 v39, v1;
	v0 =	vld.idx.msk [tilespmem:v27+s10+$0x0], $0xffff;
	v4 =	vor.u32 v31, v7;
	[tilespmem:v24+s15+$0x0] =	vst.idx.msk $0xffff, v2  }
0x1d7: {  	v2 =	vadd.s32 s22, v31;
	v9 =	vor.u32 v55, v7;
	v8 =	vld.idx.msk [tilespmem:v25+s10+$0x0], $0xffff;
	[tilespmem:v22+s15+$0x0] =	vst.idx.msk $0xffff, v3  }
0x1d8: {  	v11 =	vor.u32 v40, v7;
	v3 =	vand.u32 $0xF, v2;
	v10 =	vld.idx.msk [tilespmem:v28+s10+$0x0], $0xffff;
	[tilespmem:v23+s15+$0x0] =	vst.idx.msk $0xffff, v16  }
0x1d9: {  	v14 =	vor.u32 v56, v7;
	v12 =	vor.u32 v44, v3;
	v13 =	vld.idx.msk [tilespmem:v29+s10+$0x0], $0xffff;
	[tilespmem:v20+s15+$0x0] =	vst.idx.msk $0xffff, v17  }
0x1da: {  	v15 =	vor.u32 v50, v3;
	v16 =	vor.u32 v59, v7;
	v6 =	vld.idx.msk [tilespmem:v6+s10+$0x0], $0xffff;
	[tilespmem:v21+s15+$0x0] =	vst.idx.msk $0xffff, v18  }
0x1db: {  	v17 =	vor.u32 v33, v3;
	v1 =	vld.idx.msk [tilespmem:v1+s10+$0x0], $0xffff;
	[tilespmem:v4+s15+$0x0] =	vst.idx.msk $0xffff, v19;
	v4 =	vor.u32 v51, v7  }
0x1dc: {  	v18 =	vor.u32 v37, v3;
	[tilespmem:v9+s15+$0x0] =	vst.idx.msk $0xffff, v5;
	v5 =	vor.u32 v57, v7  }
0x1dd: {  	v2 =	vshll.u32 v2, $0x7;
	v9 =	vor.u32 v38, v3;
	[tilespmem:v11+s15+$0x0] =	vst.idx.msk $0xffff, v0;
	v0 =	vor.u32 v58, v7  }
0x1de: {  	s23 =	sadd.s32 $0x3, s22;
	v11 =	vor.u32 v52, v3;
	v7 =	vld.idx.msk [tilespmem:v12+s10+$0x0], $0xffff;
	v12 =	vor.u32 v63, v3;
	[tilespmem:v14+s15+$0x0] =	vst.idx.msk $0xffff, v8  }
0x1df: {  	v2 =	vand.u32 $0x780, v2;
	v3 =	vor.u32 v39, v3;
	v14 =	vadd.s32 s23, v31;
	v8 =	vld.idx.msk [tilespmem:v15+s10+$0x0], $0xffff;
	[tilespmem:v16+s15+$0x0] =	vst.idx.msk $0xffff, v10  }
0x1e0: {  	v15 =	vor.u32 v31, v2;
	v16 =	vand.u32 $0xF, v14;
	v10 =	vld.idx.msk [tilespmem:v17+s10+$0x0], $0xffff;
	[tilespmem:v4+s15+$0x0] =	vst.idx.msk $0xffff, v13  }
0x1e1: {  	v13 =	vor.u32 v55, v2;
	v17 =	vor.u32 v44, v16;
	v4 =	vld.idx.msk [tilespmem:v18+s10+$0x0], $0xffff;
	[tilespmem:v5+s15+$0x0] =	vst.idx.msk $0xffff, v6  }
0x1e2: {  	v6 =	vor.u32 v40, v2;
	v5 =	vld.idx.msk [tilespmem:v9+s10+$0x0], $0xffff;
	v9 =	vor.u32 v50, v16;
	[tilespmem:v0+s15+$0x0] =	vst.idx.msk $0xffff, v1  }
0x1e3: {  	v18 =	vor.u32 v33, v16;
	v1 =	vor.u32 v56, v2;
	v0 =	vld.idx.msk [tilespmem:v11+s10+$0x0], $0xffff;
	v11 =	vor.u32 v59, v2  }
0x1e4: {  	v20 =	vor.u32 v57, v2;
	v19 =	vor.u32 v51, v2;
	v21 =	vor.u32 v37, v16;
	v12 =	vld.idx.msk [tilespmem:v12+s10+$0x0], $0xffff  }
0x1e5: {  	v2 =	vor.u32 v58, v2;
	v3 =	vld.idx.msk [tilespmem:v3+s10+$0x0], $0xffff;
	[tilespmem:v15+s15+$0x0] =	vst.idx.msk $0xffff, v7;
	v7 =	vor.u32 v38, v16  }
0x1e6: {  	v14 =	vshll.u32 v14, $0x7;
	[tilespmem:v13+s15+$0x0] =	vst.idx.msk $0xffff, v8;
	v8 =	vld.idx.msk [tilespmem:v17+s10+$0x0], $0xffff;
	v13 =	vor.u32 v52, v16  }
0x1e7: {  	[tilespmem:v6+s15+$0x0] =	vst.idx.msk $0xffff, v10;
	v6 =	vld.idx.msk [tilespmem:v9+s10+$0x0], $0xffff;
	v9 =	vor.u32 v63, v16;
	v10 =	vand.u32 $0x780, v14  }
0x1e8: {  	[tilespmem:v1+s15+$0x0] =	vst.idx.msk $0xffff, v4;
	v1 =	vld.idx.msk [tilespmem:v18+s10+$0x0], $0xffff;
	v4 =	vor.u32 v39, v16;
	v14 =	vor.u32 v31, v10  }
0x1e9: {  	s23 =	sadd.s32 $0x2, s22;
	[tilespmem:v11+s15+$0x0] =	vst.idx.msk $0xffff, v5;
	v5 =	vld.idx.msk [tilespmem:v21+s10+$0x0], $0xffff;
	v11 =	vor.u32 v55, v10  }
0x1ea: {  	v15 =	vor.u32 v40, v10;
	[tilespmem:v19+s15+$0x0] =	vst.idx.msk $0xffff, v0;
	v0 =	vadd.s32 s23, v31;
	v7 =	vld.idx.msk [tilespmem:v7+s10+$0x0], $0xffff  }
0x1eb: {  	v16 =	vor.u32 v56, v10;
	[tilespmem:v20+s15+$0x0] =	vst.idx.msk $0xffff, v12;
	v12 =	vand.u32 $0xF, v0;
	v13 =	vld.idx.msk [tilespmem:v13+s10+$0x0], $0xffff  }
0x1ec: {  	[tilespmem:v2+s15+$0x0] =	vst.idx.msk $0xffff, v3;
	v2 =	vor.u32 v44, v12;
	v3 =	vld.idx.msk [tilespmem:v9+s10+$0x0], $0xffff;
	v9 =	vor.u32 v59, v10  }
0x1ed: {  	v17 =	vor.u32 v50, v12;
	v18 =	vld.idx.msk [tilespmem:v4+s10+$0x0], $0xffff;
	[tilespmem:v14+s15+$0x0] =	vst.idx.msk $0xffff, v8;
	v4 =	vor.u32 v51, v10  }
0x1ee: {  	v8 =	vor.u32 v33, v12;
	[tilespmem:v11+s15+$0x0] =	vst.idx.msk $0xffff, v6  }
0x1ef: {  	v6 =	vor.u32 v37, v12;
	v11 =	vor.u32 v57, v10;
	[tilespmem:v15+s15+$0x0] =	vst.idx.msk $0xffff, v1  }
0x1f0: {  	v14 =	vor.u32 v38, v12;
	[tilespmem:v16+s15+$0x0] =	vst.idx.msk $0xffff, v5;
	v5 =	vor.u32 v58, v10  }
0x1f1: {  	s23 =	sadd.s32 $0x1, s22;
	v0 =	vshll.u32 v0, $0x7;
	v15 =	vor.u32 v52, v12;
	v10 =	vld.idx.msk [tilespmem:v2+s10+$0x0], $0xffff;
	[tilespmem:v9+s15+$0x0] =	vst.idx.msk $0xffff, v7  }
0x1f2: {  	v19 =	vand.u32 $0x780, v0;
	v7 =	vadd.s32 s23, v31;
	v9 =	vld.idx.msk [tilespmem:v17+s10+$0x0], $0xffff;
	v17 =	vor.u32 v63, v12;
	[tilespmem:v4+s15+$0x0] =	vst.idx.msk $0xffff, v13  }
0x1f3: {  	v1 =	vand.u32 $0xF, v7;
	v0 =	vld.idx.msk [tilespmem:v8+s10+$0x0], $0xffff;
	v8 =	vor.u32 v39, v12;
	v12 =	vor.u32 v31, v19  }
0x1f4: {  	v13 =	vor.u32 v44, v1;
	v2 =	vld.idx.msk [tilespmem:v6+s10+$0x0], $0xffff;
	v6 =	vor.u32 v55, v19;
	[tilespmem:v11+s15+$0x0] =	vst.idx.msk $0xffff, v3  }
.Ltmp2:
0x1f5: {  	v4 =	vor.u32 v40, v19;
	v26 =	vor.u32 v50, v1;
	v3 =	vld.idx.msk [tilespmem:v14+s10+$0x0], $0xffff;
	[tilespmem:v5+s15+$0x0] =	vst.idx.msk $0xffff, v18;
	(pc) =	sbr.rel @p0 .LBB2_7-.Ltmp2, $4  }
0x1f6: {  	v24 =	vor.u32 v56, v19;
	v22 =	vor.u32 v59, v19;
	v27 =	vor.u32 v33, v1;
	v16 =	vld.idx.msk [tilespmem:v15+s10+$0x0], $0xffff  }
0x1f7: {  	v23 =	vor.u32 v51, v19;
	v20 =	vor.u32 v57, v19;
	v25 =	vor.u32 v37, v1;
	v17 =	vld.idx.msk [tilespmem:v17+s10+$0x0], $0xffff  }
0x1f8: {  	v21 =	vor.u32 v58, v19;
	v28 =	vor.u32 v38, v1;
	v18 =	vld.idx.msk [tilespmem:v8+s10+$0x0], $0xffff;
	[tilespmem:v12+s15+$0x0] =	vst.idx.msk $0xffff, v10  }
0x1f9: {  	s22 =	sadd.s32 $0x4, s22;
	v30 =	vshll.u32 v7, $0x7;
	v29 =	vor.u32 v52, v1;
	v19 =	vld.idx.msk [tilespmem:v13+s10+$0x0], $0xffff;
	[tilespmem:v6+s15+$0x0] =	vst.idx.msk $0xffff, v9  }
0x1fa: {  	_ =	sdelay $0x3  }
0x1fb: {  	v5 =	vld.idx.msk [tilespmem:v26+s10+$0x0], $0xffff;
	v6 =	vor.u32 v63, v1;
	v7 =	vand.u32 $0x780, v30  }
0x1fc: {  	[tilespmem:v4+s15+$0x0] =	vst.idx.msk $0xffff, v0;
	v0 =	vld.idx.msk [tilespmem:v27+s10+$0x0], $0xffff;
	v1 =	vor.u32 v39, v1;
	v4 =	vor.u32 v31, v7  }
0x1fd: {  	v10 =	vld.idx.msk [tilespmem:v29+s10+$0x0], $0xffff;
	[tilespmem:v24+s15+$0x0] =	vst.idx.msk $0xffff, v2;
	v8 =	vor.u32 v55, v7  }
0x1fe: {  	v2 =	vld.idx.msk [tilespmem:v25+s10+$0x0], $0xffff;
	v9 =	vor.u32 v40, v7;
	[tilespmem:v22+s15+$0x0] =	vst.idx.msk $0xffff, v3  }
0x1ff: {  	v11 =	vor.u32 v56, v7;
	v3 =	vld.idx.msk [tilespmem:v28+s10+$0x0], $0xffff;
	[tilespmem:v23+s15+$0x0] =	vst.idx.msk $0xffff, v16  }
0x200: {  	v12 =	vor.u32 v59, v7;
	[tilespmem:v20+s15+$0x0] =	vst.idx.msk $0xffff, v17;
	v6 =	vld.idx.msk [tilespmem:v6+s10+$0x0], $0xffff  }
0x201: {  	s22 =	simm.s32 $0x2;
	v1 =	vld.idx.msk [tilespmem:v1+s10+$0x0], $0xffff;
	[tilespmem:v4+s15+$0x0] =	vst.idx.msk $0xffff, v19  }
0x202: {  	s24 =	simm.s32 $0x1;
	v13 =	vadd.s32 s22, v31;
	v4 =	vor.u32 v51, v7;
	[tilespmem:v8+s15+$0x0] =	vst.idx.msk $0xffff, v5  }
0x203: {  	v5 =	vor.u32 v57, v7;
	v8 =	vor.u32 $0x10, v13;
	[tilespmem:v9+s15+$0x0] =	vst.idx.msk $0xffff, v0;
	v9 =	vadd.s32 s24, v31  }
0x204: {  	v7 =	vor.u32 v58, v7;
	v14 =	vand.u32 $0x1F, v8;
	[tilespmem:v11+s15+$0x0] =	vst.idx.msk $0xffff, v2;
	v2 =	vor.u32 $0x10, v9  }
0x205: {  	v16 =	vor.u32 v50, v14;
	[tilespmem:v12+s15+$0x0] =	vst.idx.msk $0xffff, v3;
	v3 =	vand.u32 $0x1F, v2  }
0x206: {  	[tilespmem:v21+s15+$0x0] =	vst.idx.msk $0xffff, v18;
	v17 =	vor.u32 v38, v3  }
0x207: {  	[tilespmem:v4+s15+$0x0] =	vst.idx.msk $0xffff, v10  }
0x208: {  	v15 =	vor.u32 v33, v14;
	[tilespmem:v5+s15+$0x0] =	vst.idx.msk $0xffff, v6  }
0x209: {  	v47 =	vor.u32 v44, v14;
	[tilespmem:v7+s15+$0x0] =	vst.idx.msk $0xffff, v1  }
0x20a: {  	v10 =	vor.u32 v44, v3;
	v24 =	vld.idx.msk [tilespmem:v16+s10+$0x0], $0xffff  }
0x20b: {  	v7 =	vshll.u32 v8, $0x7;
	v8 =	vor.u32 v50, v3;
	v16 =	vld.idx.msk [tilespmem:v17+s10+$0x0], $0xffff  }
0x20c: {  	v1 =	vshll.u32 v9, $0x7;
	v9 =	vor.u32 v63, v3  }
0x20d: {  	v15 =	vld.idx.msk [tilespmem:v15+s10+$0x0], $0xffff  }
0x20e: {  	s23 =	simm.s32 $0x3;
	v46 =	vshll.u32 v13, $0x7;
	v13 =	vld.idx.msk [tilespmem:v47+s10+$0x0], $0xffff  }
0x20f: {  	v11 =	vadd.s32 s23, v31;
	v54 =	vld.idx.msk [tilespmem:v10+s10+$0x0], $0xffff  }
0x210: {  	v22 =	vor.u32 $0x10, v11;
	v53 =	vld.idx.msk [tilespmem:v8+s10+$0x0], $0xffff;
	[tilespmem:$0x1FD80] =	vst v16  }
0x211: {  	v18 =	vor.u32 v38, v14;
	v23 =	vand.u32 $0x1F, v22;
	v9 =	vld.idx.msk [tilespmem:v9+s10+$0x0], $0xffff  }
0x212: {  	v49 =	vor.u32 v33, v23;
	_ =	sdelay $0x1  }
0x213: {  	v12 =	vand.u32 $0x380, v46;
	v7 =	vand.u32 $0xC00, v7  }
0x214: {  	v7 =	vor.u32 v12, v7  }
0x215: {  	v0 =	vadd.s32 s21, v31;
	v27 =	vor.u32 v31, v7;
	v31 =	vld.idx.msk [tilespmem:v18+s10+$0x0], $0xffff;
	[tilespmem:$0x1FD90] =	vst v9  }
0x216: {  	v48 =	vor.u32 v52, v14;
	v8 =	vld.idx.msk [tilespmem:v49+s10+$0x0], $0xffff  }
0x217: {  	v29 =	vor.u32 v38, v23;
	_ =	sdelay $0x3  }
0x218: {  	v60 =	vld.idx.msk [tilespmem:v48+s10+$0x0], $0xffff;
	[tilespmem:$0x1FE10] =	vst v8  }
0x219: {  	v8 =	vld.idx.msk [tilespmem:v29+s10+$0x0], $0xffff  }
0x21a: {  	v30 =	vor.u32 v44, v23  }
0x21b: {  	v21 =	vor.u32 v37, v14  }
0x21c: {  	v4 =	vor.u32 $0x10, v0;
	v5 =	vor.u32 v39, v14;
	v14 =	vor.u32 v63, v14  }
0x21d: {  	v6 =	vand.u32 $0x1F, v4;
	v9 =	vmov v38  }
0x21e: {  	v2 =	vshll.u32 v2, $0x7;
	v20 =	vor.u32 v37, v3;
	v18 =	vor.u32 v9, v6;
	[tilespmem:$0x1FE20] =	vst v8  }
0x21f: {  	v25 =	vor.u32 v39, v3;
	v36 =	vor.u32 v33, v3;
	v3 =	vor.u32 v52, v3;
	v41 =	vld.idx.msk [tilespmem:v30+s10+$0x0], $0xffff  }
0x220: {  	v2 =	vand.u32 $0xC00, v2;
	v1 =	vand.u32 $0x380, v1;
	v21 =	vld.idx.msk [tilespmem:v21+s10+$0x0], $0xffff  }
0x221: {  	v1 =	vor.u32 v1, v2;
	v14 =	vld.idx.msk [tilespmem:v14+s10+$0x0], $0xffff  }
0x222: {  	v8 =	vor.u32 v56, v1;
	v5 =	vld.idx.msk [tilespmem:v5+s10+$0x0], $0xffff  }
0x223: {  	v48 =	vld.idx.msk [tilespmem:v18+s10+$0x0], $0xffff;
	[tilespmem:$0x1FE30] =	vst v8  }
0x224: {  	v29 =	vor.u32 v50, v23;
	v3 =	vld.idx.msk [tilespmem:v3+s10+$0x0], $0xffff  }
0x225: {  	v28 =	vor.u32 v55, v7  }
0x226: {  	v0 =	vshll.u32 v0, $0x7;
	v32 =	vor.u32 v40, v7  }
0x227: {  	v35 =	vor.u32 v63, v23;
	v34 =	vor.u32 v56, v7;
	v30 =	vor.u32 v52, v6  }
0x228: {  	v4 =	vshll.u32 v4, $0x7;
	v0 =	vand.u32 $0x380, v0;
	v62 =	vor.u32 v44, v6;
	[tilespmem:v27+s15+$0x0] =	vst.idx.msk $0xffff, v13  }
0x229: {  	v42 =	vor.u32 v33, v6;
	v4 =	vand.u32 $0xC00, v4;
	v61 =	vor.u32 v59, v7;
	v13 =	vld.idx.msk [tilespmem:v29+s10+$0x0], $0xffff;
	[tilespmem:$0x1FDA0] =	vst v3  }
0x22a: {  	v0 =	vor.u32 v0, v4;
	v12 =	vor.u32 v39, v23;
	[tilespmem:v28+s15+$0x0] =	vst.idx.msk $0xffff, v24  }
0x22b: {  	v17 =	vmov v39;
	v47 =	vor.u32 v51, v7;
	v27 =	vld.idx.msk [tilespmem:v20+s10+$0x0], $0xffff;
	[tilespmem:v32+s15+$0x0] =	vst.idx.msk $0xffff, v15  }
0x22c: {  	v10 =	vor.u32 v63, v6;
	v8 =	vor.u32 v59, v1;
	v29 =	vld.idx.msk [tilespmem:v30+s10+$0x0], $0xffff;
	[tilespmem:v34+s15+$0x0] =	vst.idx.msk $0xffff, v21  }
0x22d: {  	v45 =	vor.u32 v17, v6;
	v3 =	vor.u32 v57, v7;
	v34 =	vld.idx.msk [tilespmem:v62+s10+$0x0], $0xffff;
	[tilespmem:$0x1FDB0] =	vst v8  }
0x22e: {  	v2 =	vmov v37;
	v7 =	vor.u32 v58, v7;
	v8 =	vor.u32 v51, v1;
	[tilespmem:v61+s15+$0x0] =	vst.idx.msk $0xffff, v31  }
0x22f: {  	v38 =	vor.u32 v2, v6;
	v6 =	vor.u32 v50, v6;
	v4 =	vld.idx.msk [tilespmem:v36+s10+$0x0], $0xffff;
	[tilespmem:$0x1FDC0] =	vst v8  }
0x230: {  	v11 =	vshll.u32 v11, $0x7;
	v22 =	vshll.u32 v22, $0x7;
	v8 =	vor.u32 v57, v1;
	[tilespmem:v47+s15+$0x0] =	vst.idx.msk $0xffff, v60  }
0x231: {  	v11 =	vand.u32 $0x380, v11;
	v18 =	vand.u32 $0xC00, v22;
	[tilespmem:$0x1FDD0] =	vst v8  }
0x232: {  	v11 =	vor.u32 v11, v18;
	[tilespmem:v3+s15+$0x0] =	vst.idx.msk $0xffff, v14;
	v8 =	vld.idx.msk [tilespmem:v35+s10+$0x0], $0xffff  }
0x233: {  	v32 =	vld.idx.msk [tilespmem:v12+s10+$0x0], $0xffff;
	[tilespmem:v7+s15+$0x0] =	vst.idx.msk $0xffff, v5;
	v7 =	vor.u32 v58, v11  }
0x234: {  	v5 =	vld.idx.msk [tilespmem:v6+s10+$0x0], $0xffff;
	[tilespmem:$0x1FDE0] =	vst v7  }
0x235: {  	v60 =	vld.idx.msk [tilespmem:v25+s10+$0x0], $0xffff  }
0x236: {  	v46 =	vor.u32 v2, v23  }
0x237: {  	v19 =	vlaneseq.u32;
	v49 =	vor.u32 v52, v23  }
0x238: {  	v37 =	vor.u32 v19, v1;
	v39 =	vor.u32 v40, v1  }
0x239: {  	v43 =	vor.u32 v55, v1;
	v23 =	vor.u32 v58, v1;
	v28 =	vor.u32 v19, v11  }
0x23a: {  	v15 =	vor.u32 v55, v11;
	v61 =	vor.u32 v58, v0;
	v31 =	vor.u32 v55, v0;
	[tilespmem:$0x1FDF0] =	vst v60  }
0x23b: {  	v3 =	vor.u32 v51, v0;
	v14 =	vor.u32 v57, v0;
	v6 =	vor.u32 v56, v0;
	v1 =	vld.idx.msk [tilespmem:v46+s10+$0x0], $0xffff  }
0x23c: {  	s22 =	simm.s32 $0x5;
	v7 =	vor.u32 v59, v0;
	v46 =	vor.u32 v40, v0;
	v26 =	vld.idx.msk [tilespmem:v49+s10+$0x0], $0xffff;
	v0 =	vor.u32 v19, v0  }
0x23d: {  	v36 =	vadd.s32 s22, v19;
	v24 =	vld.idx.msk [tilespmem:v10+s10+$0x0], $0xffff  }
0x23e: {  	[tilespmem:v37+s15+$0x0] =	vst.idx.msk $0xffff, v54;
	v10 =	vor.u32 $0x10, v36;
	v42 =	vld.idx.msk [tilespmem:v42+s10+$0x0], $0xffff  }
0x23f: {  	s23 =	simm.s32 $0x6;
	v58 =	vld.idx.msk [tilespmem:v38+s10+$0x0], $0xffff;
	[tilespmem:v28+s15+$0x0] =	vst.idx.msk $0xffff, v41;
	v38 =	vand.u32 $0x1F, v10  }
0x240: {  	v62 =	vadd.s32 s23, v19;
	[tilespmem:v15+s15+$0x0] =	vst.idx.msk $0xffff, v13;
	v49 =	vor.u32 v44, v38  }
0x241: {  	v16 =	vor.u32 v57, v11;
	v57 =	vor.u32 $0x10, v62;
	v15 =	vld.idx.msk [tilespmem:v45+s10+$0x0], $0xffff;
	[tilespmem:v0+s15+$0x0] =	vst.idx.msk $0xffff, v34  }
0x242: {  	v22 =	vand.u32 $0x1F, v57;
	[tilespmem:v31+s15+$0x0] =	vst.idx.msk $0xffff, v5  }
0x243: {  	v60 =	vor.u32 v33, v22;
	[tilespmem:v46+s15+$0x0] =	vst.idx.msk $0xffff, v42  }
0x244: {  	v54 =	vor.u32 v44, v22;
	[tilespmem:v6+s15+$0x0] =	vst.idx.msk $0xffff, v58  }
0x245: {  	[tilespmem:v7+s15+$0x0] =	vst.idx.msk $0xffff, v48;
	v7 =	vld.idx.msk [tilespmem:v49+s10+$0x0], $0xffff;
	_ =	sdelay $0x1  }
0x246: {  	[tilespmem:v43+s15+$0x0] =	vst.idx.msk $0xffff, v53  }
0x247: {  	v18 =	vor.u32 v56, v11;
	[tilespmem:v39+s15+$0x0] =	vst.idx.msk $0xffff, v4;
	v45 =	vld.idx.msk [tilespmem:v60+s10+$0x0], $0xffff  }
0x248: {  	v12 =	vor.u32 v51, v11;
	v10 =	vshll.u32 v10, $0x7;
	v48 =	vld.idx.msk [tilespmem:v54+s10+$0x0], $0xffff;
	[tilespmem:v3+s15+$0x0] =	vst.idx.msk $0xffff, v29  }
0x249: {  	v35 =	vor.u32 v59, v11;
	v11 =	vor.u32 v40, v11;
	[tilespmem:$0x1FE00] =	vst v7;
	v7 =	vand.u32 $0xC00, v10;
	v10 =	vld [tilespmem:$0x1FE10];
	_ =	sdelay $0x4  }
0x24a: {  	[tilespmem:v11+s15+$0x0] =	vst.idx.msk $0xffff, v10  }
0x24b: {  	s24 =	simm.s32 $0x4;
	[tilespmem:v18+s15+$0x0] =	vst.idx.msk $0xffff, v1  }
0x24c: {  	v47 =	vadd.s32 s24, v19;
	s24 =	simm.s32 $0x7;
	v1 =	vld [tilespmem:$0x1FE20]  }
0x24d: {  	v30 =	vadd.s32 s24, v19;
	v21 =	vor.u32 $0x10, v47  }
0x24e: {  	v25 =	vor.u32 v50, v22;
	v41 =	vor.u32 v17, v22;
	v28 =	vand.u32 $0x1F, v21  }
0x24f: {  	v53 =	vshll.u32 v62, $0x7;
	v62 =	vshll.u32 v57, $0x7;
	v4 =	vor.u32 v50, v38;
	[tilespmem:v14+s15+$0x0] =	vst.idx.msk $0xffff, v24  }
0x250: {  	v0 =	vshll.u32 v36, $0x7;
	v5 =	vand.u32 $0xC00, v62;
	v6 =	vand.u32 $0x380, v53;
	[tilespmem:v61+s15+$0x0] =	vst.idx.msk $0xffff, v15  }
0x251: {  	v0 =	vand.u32 $0x380, v0;
	v42 =	vor.u32 v9, v38;
	v39 =	vor.u32 v6, v5;
	[tilespmem:v35+s15+$0x0] =	vst.idx.msk $0xffff, v1  }
0x252: {  	v5 =	vor.u32 v9, v22;
	v3 =	vor.u32 $0x10, v30;
	v35 =	vor.u32 v0, v7;
	v0 =	vld [tilespmem:$0x1FE30]  }
0x253: {  	v20 =	vor.u32 v63, v38;
	v51 =	vor.u32 v55, v39;
	v55 =	vand.u32 $0x1F, v3  }
0x254: {  	v57 =	vor.u32 v2, v22;
	v37 =	vor.u32 v2, v38;
	v60 =	vld.idx.msk [tilespmem:v25+s10+$0x0], $0xffff;
	v10 =	vor.u32 v33, v55  }
0x255: {  	v36 =	vor.u32 v44, v28;
	v31 =	vor.u32 v17, v38;
	v62 =	vor.u32 v63, v22;
	v34 =	vld.idx.msk [tilespmem:v4+s10+$0x0], $0xffff  }
0x256: {  	v6 =	vor.u32 v52, v22;
	v52 =	vor.u32 v19, v39;
	v58 =	vor.u32 v40, v39;
	v46 =	vld.idx.msk [tilespmem:v42+s10+$0x0], $0xffff  }
0x257: {  	v56 =	vor.u32 v56, v39;
	v59 =	vor.u32 v59, v39;
	v53 =	vor.u32 v63, v55;
	v63 =	vld.idx.msk [tilespmem:v5+s10+$0x0], $0xffff  }
0x258: {  	v54 =	vshll.u32 v3, $0x7;
	v3 =	vor.u32 v44, v55;
	v49 =	vor.u32 v17, v55;
	v43 =	vld.idx.msk [tilespmem:v20+s10+$0x0], $0xffff  }
0x259: {  	v4 =	vor.u32 v9, v55;
	v61 =	vor.u32 v33, v38;
	v29 =	vld.idx.msk [tilespmem:v10+s10+$0x0], $0xffff;
	v42 =	vor.u32 v19, v35  }
0x25a: {  	v33 =	vor.u32 v40, v35;
	v40 =	vor.u32 v2, v28;
	[tilespmem:v0+s15+$0x0] =	vst.idx.msk $0xffff, v27;
	v0 =	vshll.u32 v21, $0x7  }
0x25b: {  	s21 =	simm.s32 $0x8;
	v1 =	vld.idx.msk [tilespmem:v6+s10+$0x0], $0xffff;
	[tilespmem:v12+s15+$0x0] =	vst.idx.msk $0xffff, v26;
	v2 =	vshll.u32 v47, $0x7;
	v47 =	vor.u32 v9, v28;
	v0 =	vand.u32 $0xC00, v0  }
.LBB2_9:
0x25c: {  	v20 =	vld [tilespmem:$0x1FF10]  }
0x25d: {  	v26 =	vld [tilespmem:$0x1FFA0]  }
0x25e: {  	v4 =	vld.idx.msk [tilespmem:v4+s10+$0x0], $0xffff  }
0x25f: {  	v9 =	vld [tilespmem:$0x1FDB0]  }
0x260: {  	v12 =	vld [tilespmem:$0x1FDC0]  }
0x261: {  	v15 =	vld [tilespmem:$0x1FDD0]  }
0x262: {  	[tilespmem:v16+s15+$0x0] =	vst.idx.msk $0xffff, v8;
	v8 =	vld [tilespmem:$0x1FD80]  }
0x263: {  	v11 =	vld [tilespmem:$0x1FDA0]  }
0x264: {  	v14 =	vld [tilespmem:$0x1FD90]  }
0x265: {  	v18 =	vld [tilespmem:$0x1FDF0]  }
0x266: {  	v25 =	vld [tilespmem:$0x1FF90]  }
0x267: {  	v27 =	vld [tilespmem:$0x1FFB0];
	[tilespmem:v9+s15+$0x0] =	vst.idx.msk $0xffff, v8  }
0x268: {  	v10 =	vld.idx.msk [tilespmem:v57+s10+$0x0], $0xffff;
	[tilespmem:v12+s15+$0x0] =	vst.idx.msk $0xffff, v11  }
0x269: {  	v50 =	vld [tilespmem:$0x1FF30];
	[tilespmem:v15+s15+$0x0] =	vst.idx.msk $0xffff, v14  }
0x26a: {  	v19 =	vld [tilespmem:$0x1FDE0];
	[tilespmem:v23+s15+$0x0] =	vst.idx.msk $0xffff, v18;
	v18 =	vmov v46  }
0x26b: {  	[tilespmem:$0x1FD80] =	vst v18;
	v18 =	vld.idx.msk [tilespmem:v47+s10+$0x0], $0xffff  }
0x26c: {  	v21 =	vld [tilespmem:$0x1FF20]  }
0x26d: {  	v57 =	vld.idx.msk [tilespmem:v41+s10+$0x0], $0xffff  }
0x26e: {  	v16 =	vld [tilespmem:$0x1FF80]  }
0x26f: {  	v17 =	vshll.u32 v30, $0x7;
	v3 =	vld.idx.msk [tilespmem:v3+s10+$0x0], $0xffff;
	[tilespmem:$0x1FD30] =	vst v29;
	v6 =	vor.u32 v26, v55  }
0x270: {  	v17 =	vand.u32 $0x380, v17;
	v9 =	vld [tilespmem:$0x1FF70];
	[tilespmem:$0x1FD20] =	vst v18;
	v18 =	vand.u32 $0xC00, v54  }
0x271: {  	v13 =	vor.u32 v21, v55;
	v30 =	vor.u32 v25, v55;
	v55 =	vor.u32 v17, v18;
	v18 =	vld.idx.msk [tilespmem:v37+s10+$0x0], $0xffff  }
0x272: {  	[tilespmem:v19+s15+$0x0] =	vst.idx.msk $0xffff, v32;
	v32 =	vld [tilespmem:$0x1FFC0]  }
0x273: {  	[tilespmem:$0x1FD40] =	vst v4;
	v4 =	vor.u32 v25, v38;
	v12 =	vld.idx.msk [tilespmem:v62+s10+$0x0], $0xffff  }
0x274: {  	[tilespmem:v52+s15+$0x0] =	vst.idx.msk $0xffff, v48;
	v6 =	vld.idx.msk [tilespmem:v6+s10+$0x0], $0xffff  }
0x275: {  	v15 =	vor.u32 v16, v39;
	[tilespmem:v51+s15+$0x0] =	vst.idx.msk $0xffff, v60;
	v17 =	vld [tilespmem:$0x1FFD0]  }
0x276: {  	[tilespmem:$0x1FD60] =	vst v18;
	v18 =	vld [tilespmem:$0x1FFE0]  }
0x277: {  	v13 =	vld.idx.msk [tilespmem:v13+s10+$0x0], $0xffff;
	[tilespmem:v58+s15+$0x0] =	vst.idx.msk $0xffff, v45  }
0x278: {  	v2 =	vand.u32 $0x380, v2;
	v8 =	vor.u32 v25, v28;
	v4 =	vld.idx.msk [tilespmem:v4+s10+$0x0], $0xffff;
	[tilespmem:v56+s15+$0x0] =	vst.idx.msk $0xffff, v10  }
0x279: {  	v0 =	vor.u32 v2, v0;
	v10 =	vmov v43;
	v43 =	vld [tilespmem:$0x1FFF0];
	[tilespmem:v59+s15+$0x0] =	vst.idx.msk $0xffff, v63  }
0x27a: {  	v23 =	vor.u32 v26, v28;
	v2 =	vld.idx.msk [tilespmem:v61+s10+$0x0], $0xffff;
	[tilespmem:v15+s15+$0x0] =	vst.idx.msk $0xffff, v1;
	v1 =	vor.u32 v17, v35  }
0x27b: {  	v56 =	vld [tilespmem:$0x1FF60];
	[tilespmem:$0x1FDD0] =	vst v1;
	v1 =	vor.u32 v18, v55  }
0x27c: {  	v19 =	vor.u32 v32, v35;
	[tilespmem:$0x1FDE0] =	vst v1;
	v1 =	vld.idx.msk [tilespmem:v31+s10+$0x0], $0xffff  }
0x27d: {  	v29 =	vor.u32 v9, v28;
	v46 =	vld.idx.msk [tilespmem:v8+s10+$0x0], $0xffff;
	[tilespmem:$0x1FD50] =	vst v19  }
0x27e: {  	s22 =	smov.u32 s21;
	v24 =	vlaneseq.u32;
	v59 =	vld.idx.msk [tilespmem:v49+s10+$0x0], $0xffff;
	[tilespmem:$0x1FDA0] =	vst v4;
	v8 =	vor.u32 v43, v35;
	v4 =	vor.u32 v17, v39  }
0x27f: {  	s23 =	sadd.s32 $0x1, s22;
	v14 =	vld.idx.msk [tilespmem:v23+s10+$0x0], $0xffff;
	[tilespmem:$0x1FDB0] =	vst v8;
	v8 =	vor.u32 v16, v35;
	v41 =	vor.u32 v24, v55  }
0x280: {  	v45 =	vadd.s32 s23, v24;
	[tilespmem:$0x1FDC0] =	vst v8;
	v8 =	vld.idx.msk [tilespmem:v53+s10+$0x0], $0xffff;
	v19 =	vor.u32 v18, v39  }
0x281: {  	v47 =	vor.u32 v18, v0;
	v23 =	vor.u32 v18, v35;
	v18 =	vld [tilespmem:$0x1FE00];
	[tilespmem:$0x1FDF0] =	vst v1;
	v1 =	vor.u32 v16, v55  }
0x282: {  	v7 =	vor.u32 v27, v35;
	[tilespmem:$0x1FD70] =	vst v1;
	v1 =	vld.idx.msk [tilespmem:v29+s10+$0x0], $0xffff;
	v29 =	vor.u32 $0x10, v45  }
0x283: {  	v22 =	vld [tilespmem:$0x1FF50];
	[tilespmem:v4+s15+$0x0] =	vst.idx.msk $0xffff, v12;
	v4 =	vor.u32 v16, v0;
	v12 =	vor.u32 v17, v0;
	v38 =	vand.u32 $0x1F, v29  }
0x284: {  	v16 =	vor.u32 v17, v55;
	v17 =	vld.idx.msk [tilespmem:v30+s10+$0x0], $0xffff;
	[tilespmem:v41+s15+$0x0] =	vst.idx.msk $0xffff, v3;
	v3 =	vor.u32 v56, v38;
	_ =	sdelay $0x1  }
0x285: {  	[tilespmem:v42+s15+$0x0] =	vst.idx.msk $0xffff, v18  }
0x286: {  	v5 =	vor.u32 v20, v28;
	[tilespmem:v7+s15+$0x0] =	vst.idx.msk $0xffff, v34  }
0x287: {  	v11 =	vor.u32 v50, v28;
	[tilespmem:v33+s15+$0x0] =	vst.idx.msk $0xffff, v2  }
0x288: {  	v48 =	vor.u32 v22, v0;
	[tilespmem:$0x1FD90] =	vst v10;
	v15 =	vor.u32 v32, v0;
	v3 =	vld.idx.msk [tilespmem:v3+s10+$0x0], $0xffff  }
0x289: {  	v10 =	vld.idx.msk [tilespmem:v36+s10+$0x0], $0xffff;
	v49 =	vor.u32 v43, v0;
	v31 =	vor.u32 v27, v0;
	v0 =	vor.u32 v24, v0;
	_ =	sdelay $0x1  }
0x28a: {  	v5 =	vld.idx.msk [tilespmem:v5+s10+$0x0], $0xffff  }
0x28b: {  	v40 =	vld.idx.msk [tilespmem:v40+s10+$0x0], $0xffff;
	[tilespmem:v19+s15+$0x0] =	vst.idx.msk $0xffff, v57  }
0x28c: {  	[tilespmem:$0x1FE00] =	vst v3;
	v3 =	vld [tilespmem:$0x1FD20]  }
0x28d: {  	v11 =	vld.idx.msk [tilespmem:v11+s10+$0x0], $0xffff;
	[tilespmem:v0+s15+$0x0] =	vst.idx.msk $0xffff, v10  }
0x28e: {  	v19 =	vld [tilespmem:$0x1FF40];
	[tilespmem:v31+s15+$0x0] =	vst.idx.msk $0xffff, v14  }
0x28f: {  	s24 =	sadd.s32 $0x2, s22;
	[tilespmem:v48+s15+$0x0] =	vst.idx.msk $0xffff, v5  }
0x290: {  	v28 =	vadd.s32 s24, v24;
	[tilespmem:v15+s15+$0x0] =	vst.idx.msk $0xffff, v40  }
0x291: {  	v51 =	vor.u32 $0x10, v28;
	v37 =	vor.u32 v27, v55;
	v0 =	vor.u32 v26, v38;
	[tilespmem:v49+s15+$0x0] =	vst.idx.msk $0xffff, v3  }
0x292: {  	v53 =	vor.u32 v22, v55;
	v7 =	vand.u32 $0x1F, v51;
	[tilespmem:v4+s15+$0x0] =	vst.idx.msk $0xffff, v46;
	v4 =	vld [tilespmem:$0x1FD30]  }
0x293: {  	v63 =	vor.u32 v32, v55;
	v5 =	vor.u32 v19, v7  }
0x294: {  	v60 =	vshll.u32 v28, $0x7;
	v62 =	vshll.u32 v51, $0x7  }
0x295: {  	v39 =	vand.u32 $0xC00, v62;
	v34 =	vand.u32 $0x380, v60  }
0x296: {  	v44 =	vadd.s32 s22, v24;
	[tilespmem:v37+s15+$0x0] =	vst.idx.msk $0xffff, v6;
	v39 =	vor.u32 v34, v39;
	v34 =	vld.idx.msk [tilespmem:v0+s10+$0x0], $0xffff  }
0x297: {  	s22 =	sadd.s32 $0x3, s22;
	v35 =	vor.u32 v43, v55;
	v18 =	vor.u32 $0x10, v44;
	v61 =	vor.u32 v56, v7;
	v0 =	vld [tilespmem:$0x1FD40];
	[tilespmem:v53+s15+$0x0] =	vst.idx.msk $0xffff, v4  }
0x298: {  	v30 =	vadd.s32 s22, v24;
	v41 =	vor.u32 v50, v7;
	v6 =	vshll.u32 v45, $0x7;
	[tilespmem:v63+s15+$0x0] =	vst.idx.msk $0xffff, v13;
	v63 =	vld.idx.msk [tilespmem:v5+s10+$0x0], $0xffff  }
0x299: {  	v33 =	vor.u32 v26, v7;
	v57 =	vor.u32 v21, v7;
	v62 =	vor.u32 v9, v7;
	v5 =	vld [tilespmem:$0x1FD50]  }
0x29a: {  	v54 =	vshll.u32 v29, $0x7;
	v29 =	vor.u32 v20, v7;
	v10 =	vor.u32 v9, v38  }
0x29b: {  	v6 =	vand.u32 $0x380, v6;
	v2 =	vor.u32 v19, v38;
	v15 =	vand.u32 $0xC00, v54  }
0x29c: {  	v26 =	vor.u32 v25, v7;
	v7 =	vor.u32 $0x10, v30;
	[tilespmem:v35+s15+$0x0] =	vst.idx.msk $0xffff, v0;
	v35 =	vor.u32 v6, v15;
	v6 =	vld [tilespmem:$0x1FD60]  }
0x29d: {  	v28 =	vand.u32 $0x1F, v18;
	v55 =	vand.u32 $0x1F, v7  }
0x29e: {  	v36 =	vor.u32 v56, v28;
	v3 =	vor.u32 v56, v55  }
0x29f: {  	v56 =	vor.u32 v32, v39;
	v32 =	vmov v59;
	v59 =	vor.u32 v43, v39;
	v43 =	vld.idx.msk [tilespmem:v10+s10+$0x0], $0xffff  }
0x2a0: {  	v46 =	vld.idx.msk [tilespmem:v2+s10+$0x0], $0xffff  }
0x2a1: {  	[tilespmem:v5+s15+$0x0] =	vst.idx.msk $0xffff, v6;
	v5 =	vld [tilespmem:$0x1FD70];
	_ =	sdelay $0x1  }
0x2a2: {  	v52 =	vor.u32 v24, v39;
	v51 =	vor.u32 v27, v39  }
0x2a3: {  	p0 =	slt.u32 s21, $0xC;
	v58 =	vor.u32 v22, v39;
	v54 =	vshll.u32 v7, $0x7;
	v7 =	vor.u32 v20, v55  }
.Ltmp3:
0x2a4: {  	v37 =	vor.u32 v21, v38;
	v31 =	vor.u32 v50, v38;
	v40 =	vor.u32 v21, v28;
	v48 =	vld.idx.msk [tilespmem:v61+s10+$0x0], $0xffff;
	(pc) =	sbr.rel @p0 .LBB2_9-.Ltmp3, $4  }
0x2a5: {  	v60 =	vld.idx.msk [tilespmem:v33+s10+$0x0], $0xffff;
	v61 =	vor.u32 v20, v38;
	v49 =	vor.u32 v50, v55;
	[tilespmem:v12+s15+$0x0] =	vst.idx.msk $0xffff, v1  }
0x2a6: {  	v45 =	vld.idx.msk [tilespmem:v29+s10+$0x0], $0xffff;
	[tilespmem:v47+s15+$0x0] =	vst.idx.msk $0xffff, v11;
	v47 =	vor.u32 v19, v28;
	v4 =	vor.u32 v19, v55  }
0x2a7: {  	v1 =	vld.idx.msk [tilespmem:v26+s10+$0x0], $0xffff;
	v53 =	vor.u32 v9, v55;
	v0 =	vshll.u32 v18, $0x7;
	v42 =	vor.u32 v24, v35  }
0x2a8: {  	s21 =	sadd.s32 $0x4, s21;
	v2 =	vshll.u32 v44, $0x7;
	v33 =	vor.u32 v22, v35;
	v0 =	vand.u32 $0xC00, v0;
	v29 =	vld.idx.msk [tilespmem:v7+s10+$0x0], $0xffff;
	[tilespmem:v5+s15+$0x0] =	vst.idx.msk $0xffff, v17  }
0x2a9: {  	_ =	sdelay $0x3  }
0x2aa: {  	[tilespmem:v16+s15+$0x0] =	vst.idx.msk $0xffff, v8  }
0x2ab: {  	v7 =	vld [tilespmem:$0x1FDB0];
	_ =	sdelay $0x2  }
0x2ac: {  	v6 =	vld [tilespmem:$0x1FD80];
	_ =	sdelay $0x4  }
0x2ad: {  	v50 =	vld [tilespmem:$0x1FFA0];
	[tilespmem:v7+s15+$0x0] =	vst.idx.msk $0xffff, v6  }
0x2ae: {  	v9 =	vld [tilespmem:$0x1FDC0];
	_ =	sdelay $0x2  }
0x2af: {  	v8 =	vld [tilespmem:$0x1FDA0];
	_ =	sdelay $0x4  }
0x2b0: {  	v44 =	vld [tilespmem:$0x1FF90];
	[tilespmem:v9+s15+$0x0] =	vst.idx.msk $0xffff, v8  }
0x2b1: {  	v10 =	vld [tilespmem:$0x1FDD0];
	_ =	sdelay $0x2  }
0x2b2: {  	v9 =	vld [tilespmem:$0x1FD90];
	_ =	sdelay $0x4  }
0x2b3: {  	[tilespmem:v10+s15+$0x0] =	vst.idx.msk $0xffff, v9  }
0x2b4: {  	v11 =	vld [tilespmem:$0x1FDF0];
	_ =	sdelay $0x4  }
0x2b5: {  	[tilespmem:v23+s15+$0x0] =	vst.idx.msk $0xffff, v11  }
0x2b6: {  	v12 =	vld [tilespmem:$0x1FDE0];
	_ =	sdelay $0x2  }
0x2b7: {  	v4 =	vld.idx.msk [tilespmem:v4+s10+$0x0], $0xffff  }
0x2b8: {  	v7 =	vld.idx.msk [tilespmem:v57+s10+$0x0], $0xffff  }
0x2b9: {  	v8 =	vld.idx.msk [tilespmem:v62+s10+$0x0], $0xffff  }
0x2ba: {  	v10 =	vld.idx.msk [tilespmem:v41+s10+$0x0], $0xffff;
	[tilespmem:v52+s15+$0x0] =	vst.idx.msk $0xffff, v48  }
0x2bb: {  	v3 =	vld.idx.msk [tilespmem:v3+s10+$0x0], $0xffff;
	[tilespmem:v51+s15+$0x0] =	vst.idx.msk $0xffff, v60  }
0x2bc: {  	v13 =	vld.idx.msk [tilespmem:v37+s10+$0x0], $0xffff;
	[tilespmem:v12+s15+$0x0] =	vst.idx.msk $0xffff, v32  }
0x2bd: {  	v51 =	vld [tilespmem:$0x1FF80]  }
0x2be: {  	v17 =	vld.idx.msk [tilespmem:v61+s10+$0x0], $0xffff;
	v5 =	vor.u32 v50, v55  }
0x2bf: {  	v21 =	vld.idx.msk [tilespmem:v53+s10+$0x0], $0xffff;
	v6 =	vor.u32 v44, v38;
	[tilespmem:v58+s15+$0x0] =	vst.idx.msk $0xffff, v45  }
0x2c0: {  	v9 =	vor.u32 v44, v28;
	v57 =	vld [tilespmem:$0x1FFD0];
	[tilespmem:v56+s15+$0x0] =	vst.idx.msk $0xffff, v7  }
0x2c1: {  	v22 =	vld.idx.msk [tilespmem:v49+s10+$0x0], $0xffff;
	[tilespmem:v59+s15+$0x0] =	vst.idx.msk $0xffff, v63  }
0x2c2: {  	v58 =	vld [tilespmem:$0x1FFE0];
	v12 =	vor.u32 v51, v39  }
0x2c3: {  	v5 =	vld.idx.msk [tilespmem:v5+s10+$0x0], $0xffff  }
0x2c4: {  	v6 =	vld.idx.msk [tilespmem:v6+s10+$0x0], $0xffff  }
0x2c5: {  	v15 =	vor.u32 v50, v28;
	v9 =	vld.idx.msk [tilespmem:v9+s10+$0x0], $0xffff;
	v14 =	vor.u32 v57, v39  }
0x2c6: {  	v32 =	vld [tilespmem:$0x1FF20]  }
0x2c7: {  	v7 =	vld.idx.msk [tilespmem:v36+s10+$0x0], $0xffff;
	v20 =	vor.u32 v58, v39;
	[tilespmem:v12+s15+$0x0] =	vst.idx.msk $0xffff, v1  }
0x2c8: {  	v36 =	vld [tilespmem:$0x1FF70]  }
0x2c9: {  	v18 =	vshll.u32 v30, $0x7;
	v26 =	vld [tilespmem:$0x1FFB0]  }
0x2ca: {  	v18 =	vand.u32 $0x380, v18;
	v12 =	vand.u32 $0xC00, v54;
	[tilespmem:v14+s15+$0x0] =	vst.idx.msk $0xffff, v8;
	v8 =	vld.idx.msk [tilespmem:v15+s10+$0x0], $0xffff  }
0x2cb: {  	v41 =	vlaneseq.u32;
	v16 =	vor.u32 v32, v55;
	v12 =	vor.u32 v18, v12;
	v27 =	vld [tilespmem:$0x1FF10]  }
0x2cc: {  	v19 =	vor.u32 v44, v55;
	v15 =	vor.u32 v41, v12;
	v25 =	vld [tilespmem:$0x1FF30];
	[tilespmem:v20+s15+$0x0] =	vst.idx.msk $0xffff, v10  }
0x2cd: {  	v20 =	vld [tilespmem:$0x1FE00]  }
0x2ce: {  	v11 =	vld.idx.msk [tilespmem:v47+s10+$0x0], $0xffff;
	v38 =	vor.u32 v36, v28;
	v39 =	vor.u32 v26, v35  }
0x2cf: {  	v2 =	vand.u32 $0x380, v2;
	v52 =	vld.idx.msk [tilespmem:v40+s10+$0x0], $0xffff  }
0x2d0: {  	v0 =	vor.u32 v2, v0;
	v16 =	vld.idx.msk [tilespmem:v16+s10+$0x0], $0xffff;
	v14 =	vor.u32 v27, v28  }
0x2d1: {  	v10 =	vld.idx.msk [tilespmem:v19+s10+$0x0], $0xffff;
	v47 =	vor.u32 v26, v12;
	v24 =	vor.u32 v25, v28;
	[tilespmem:v15+s15+$0x0] =	vst.idx.msk $0xffff, v3  }
0x2d2: {  	v48 =	vor.u32 v41, v0;
	v45 =	vld.idx.msk [tilespmem:v31+s10+$0x0], $0xffff;
	[tilespmem:v42+s15+$0x0] =	vst.idx.msk $0xffff, v20  }
0x2d3: {  	v1 =	vld.idx.msk [tilespmem:v38+s10+$0x0], $0xffff;
	[tilespmem:v39+s15+$0x0] =	vst.idx.msk $0xffff, v34  }
0x2d4: {  	v53 =	vld [tilespmem:$0x1FF50]  }
0x2d5: {  	v14 =	vld.idx.msk [tilespmem:v14+s10+$0x0], $0xffff  }
0x2d6: {  	v49 =	vor.u32 v26, v0;
	[tilespmem:v47+s15+$0x0] =	vst.idx.msk $0xffff, v5;
	v5 =	vld.idx.msk [tilespmem:v24+s10+$0x0], $0xffff  }
0x2d7: {  	v56 =	vld [tilespmem:$0x1FFC0];
	[tilespmem:v48+s15+$0x0] =	vst.idx.msk $0xffff, v7  }
0x2d8: {  	v59 =	vld [tilespmem:$0x1FFF0];
	_ =	sdelay $0x1  }
0x2d9: {  	v3 =	vor.u32 v53, v0  }
0x2da: {  	[tilespmem:v49+s15+$0x0] =	vst.idx.msk $0xffff, v8;
	v8 =	vor.u32 v53, v12  }
0x2db: {  	v54 =	vor.u32 v56, v0  }
0x2dc: {  	v7 =	vor.u32 v59, v0  }
0x2dd: {  	v15 =	vor.u32 v51, v0;
	[tilespmem:v33+s15+$0x0] =	vst.idx.msk $0xffff, v17  }
0x2de: {  	[tilespmem:v3+s15+$0x0] =	vst.idx.msk $0xffff, v14;
	v3 =	vor.u32 v56, v12  }
0x2df: {  	[tilespmem:v8+s15+$0x0] =	vst.idx.msk $0xffff, v29;
	v8 =	vor.u32 v56, v35  }
0x2e0: {  	v55 =	vor.u32 v59, v12;
	[tilespmem:v54+s15+$0x0] =	vst.idx.msk $0xffff, v52  }
0x2e1: {  	v61 =	vor.u32 v59, v35;
	[tilespmem:v7+s15+$0x0] =	vst.idx.msk $0xffff, v11  }
0x2e2: {  	v7 =	vor.u32 v57, v0;
	[tilespmem:v15+s15+$0x0] =	vst.idx.msk $0xffff, v9  }
0x2e3: {  	v62 =	vor.u32 v51, v35;
	[tilespmem:v3+s15+$0x0] =	vst.idx.msk $0xffff, v16  }
0x2e4: {  	v3 =	vor.u32 v51, v12;
	[tilespmem:v8+s15+$0x0] =	vst.idx.msk $0xffff, v13  }
0x2e5: {  	v0 =	vor.u32 v58, v0;
	[tilespmem:v55+s15+$0x0] =	vst.idx.msk $0xffff, v4  }
0x2e6: {  	v60 =	vor.u32 v57, v12;
	[tilespmem:v61+s15+$0x0] =	vst.idx.msk $0xffff, v46  }
0x2e7: {  	v4 =	vor.u32 v57, v35;
	[tilespmem:v7+s15+$0x0] =	vst.idx.msk $0xffff, v1  }
0x2e8: {  	v63 =	vor.u32 v58, v12;
	[tilespmem:v62+s15+$0x0] =	vst.idx.msk $0xffff, v6  }
0x2e9: {  	[tilespmem:v3+s15+$0x0] =	vst.idx.msk $0xffff, v10;
	v3 =	vor.u32 v58, v35  }
0x2ea: {  	s19 =	sadd.s32 $0x1, s19;
	[tilespmem:v0+s15+$0x0] =	vst.idx.msk $0xffff, v5  }
0x2eb: {  	p0 =	sne.s32 s19, $0x64;
	[tilespmem:v60+s15+$0x0] =	vst.idx.msk $0xffff, v21  }
.Ltmp4:
0x2ec: {  	s20 =	sshll.u32 s20, $0x11;
	[tilespmem:v4+s15+$0x0] =	vst.idx.msk $0xffff, v43;
	(pc) =	sbr.rel @p0 .LBB2_2-.Ltmp4, $4  }
0x2ed: {  	s20 =	sor.u32 s4, s20;
	[tilespmem:v63+s15+$0x0] =	vst.idx.msk $0xffff, v22  }
0x2ee: {  	s20 =	sshrl.u32 s20, $0x3;
	[tilespmem:v3+s15+$0x0] =	vst.idx.msk $0xffff, v45  }
0x2ef: {  	s20 =	sadd.s32 s2, s20;
	v14 =	vmovc v26;
	v11 =	vmov v44;
	v9 =	vmov v32;
	v15 =	vmov v53;
	v6 =	vld [tilespmem:$0x1FF60]  }
0x2f0: {  	v8 =	vmovc v27;
	v12 =	vmovc v36;
	v13 =	vmov v25;
	v7 =	vmov v50;
	v5 =	vlaneseq.u32;
	[hbm4b:s20+s7] =	stream.strided.scatter [tilespmem:s15], [sflag:$0x4], $0x1000, s13, s7, $0x38;
	v10 =	vld [tilespmem:$0x1FF40]  }
0x2f1: {  	s18 =	sadd.s32 $0x1, s18  }
0x2f2: {  	_ =	swait.ge [sflag:s16], $0x1000;
	p0 =	sne.s32 s18, s25  }
.Ltmp5:
0x2f3: {  	[sflag:s16] =	ssyncset.done $0x0;
	(pc) =	sbr.rel @p0 .LBB2_1-.Ltmp5, $4  }
0x2f4: {  	[sflag:s16] =	ssyncadd.s32 $0xFFFFF000  }
0x2f5: {  	_ =	swait.ge [sflag:s17], $0x1000  }
0x2f6: {  	[sflag:s17] =	ssyncset.done $0x0  }
0x2f7: {  	[sflag:s17] =	ssyncadd.s32 $0xFFFFF000  }
0x2f8: {  	_ =	sfence.sel $0x180000  }
0x2f9: {  	[bflag:$0x0] =	sbarrier.arrive $0xFFFF  }
0x2fa: {  	_ =	strace $0x90000047  }
0x2fb: {  	s0 =	stileid.u32;
	[bflag:$0x2] =	sbarrier.arrive $0xFFFF  }
0x2fc: {  	p0 =	sne.s32 s0, $0x0;
	s0 =	rddreg [dreg:$0x3]  }
0x2fd: {  	s0 =	sadd.s32 @!p0 $0x100000, s0  }
0x2fe: {  	[sflag:s0] =	ssyncadd.tile.s32 @!p0 $0x1;
	_ =	shalt  }
.Lfunc_end2:
_tile_overlayer_lowered:
.L_overlay_start_2:
0x2ff: {  	(tag) =	ssettag $0x2  }
0x300: {  	s0 =	rddreg [dreg:$0x0];
	s2 =	stileid.u32  }
0x301: {  	s1 =	rddreg [dreg:$0x1];
	p0 =	sne.s32 s2, $0x0  }
0x302: {  	s3 =	rddreg [dreg:$0x2];
	[bflag:$0x3] =	sbarrier.arrive $0xFFFF;
	s2 =	simm.s32 @!p0 $0x1C05  }
0x303: {  	[timem:s3], [sflag:s2] =	dma.local @!p0 [hbm:s0], s1  }
0x304: {  	s0 =	simm.s32 @!p0 $0x5  }
0x305: {  	_ =	swait.ge @!p0 [sflag:s0], s1  }
0x306: {  	s1 =	ssub.s32 @!p0 $0x0, s1;
	[sflag:s0] =	ssyncset.done @!p0 $0x0  }
0x307: {  	[sflag:s0] =	ssyncadd.s32 @!p0 s1  }
0x308: {  	[bflag:$0x3] =	sbarrier.arrive $0xFFFF  }
0x309: {  	_ =	shalt  }

</sc_bundles>
